<compile_context>
chip_gen: v7x
topology: tpu7x:2x2x1
jax: 0.10.2.dev20260603
libtpu: 0.0.44.dev20260713+nightly
codegen_flags: <defaults>
</compile_context>

<pallas_src>
import functools

import jax
import jax.numpy as jnp
from jax import lax
from jax.experimental import pallas as pl
from jax.experimental.pallas import tpu as pltpu
from jax.experimental.pallas import tpu_sc as plsc

NC = 2
NS = 16
NW = NC * NS
CH = 128


def _sc_gather_call(midx2d, tidx2d, seg2d, zeros, w_movie_p, w_tag_p, b, hist):
    pw = b // NW
    hp = pw // 2
    mch = pw // CH
    tch = pw * hist // CH
    half = tch // 2
    acc_rows = NS * hp

    mesh = plsc.VectorSubcoreMesh(
        core_axis_name="c", subcore_axis_name="s", num_cores=NC, num_subcores=NS
    )

    @functools.partial(
        pl.kernel,
        out_type=(
            jax.ShapeDtypeStruct((b, 128), jnp.float32),
            jax.ShapeDtypeStruct((b, 128), jnp.float32),
        ),
        mesh=mesh,
        scratch_types=(
            pltpu.VMEM((half + 4, CH), jnp.int32),
            pltpu.VMEM((half + 4, CH), jnp.int32),
            pltpu.VMEM((mch, CH), jnp.int32),
            pltpu.VMEM((4 * CH, 128), jnp.float32),
            pltpu.VMEM_SHARED((acc_rows, 128), jnp.float32),
            pltpu.SemaphoreType.DMA,
            pltpu.SemaphoreType.DMA,
            pltpu.SemaphoreType.DMA,
            pltpu.SemaphoreType.DMA,
            pltpu.SemaphoreType.DMA,
            pltpu.SemaphoreType.DMA,
            pltpu.SemaphoreType.DMA,
            pltpu.SemaphoreType.DMA,
        ),
    )
    def sc_kernel(midx_h, tidx_h, seg_h, zeros_h, wm_h, wt_h,
                  mout_h, tout_h,
                  tidx_v, seg_v, midx_v, ring_v, acc_sh,
                  gs0, gs1, gs2, gs3, ss0, ss1, ss2, ss3):
        c = lax.axis_index("c")
        s = lax.axis_index("s")
        wid = c * NS + s
        base = wid * pw
        slab = s * hp

        gsem = (gs0, gs1, gs2, gs3)
        ssem = (ss0, ss1, ss2, ss3)
        slots = tuple(ring_v.at[pl.ds(j * CH, CH)] for j in range(4))

        def gwait(j):
            pltpu.make_async_copy(wt_h.at[tidx_v.at[0]], slots[j], gsem[j]).wait()

        def swait(j):
            pltpu.make_async_copy(wt_h.at[tidx_v.at[0]], slots[j], ssem[j]).wait()

        pltpu.sync_copy(midx_h.at[pl.ds(wid * mch, mch)], midx_v)
        pltpu.async_copy(wm_h.at[midx_v.at[0]], slots[0], gs0)
        pltpu.async_copy(wm_h.at[midx_v.at[1]], slots[1], gs1)
        for j in range(mch):
            slot = slots[j % 2]
            sem = gsem[j % 2]
            pltpu.make_async_copy(wm_h.at[midx_v.at[0]], slot, sem).wait()
            pltpu.sync_copy(slot, mout_h.at[pl.ds(base + j * CH, CH)])
            if j + 2 < mch:
                pltpu.async_copy(wm_h.at[midx_v.at[j + 2]], slot, sem)

        for p in range(2):
            loff = 4 * p

            def gissue(cc, j, loff=loff):
                pltpu.async_copy(wt_h.at[tidx_v.at[cc + loff]], slots[j], gsem[j])

            def sissue(cc, j, loff=loff):
                pltpu.async_copy(slots[j], acc_sh.at[seg_v.at[cc + loff]],
                                 ssem[j], add=True)

            pltpu.sync_copy(
                tidx_h.at[pl.ds(wid * tch + p * (half - 4), half + 4)], tidx_v)
            pltpu.sync_copy(
                seg_h.at[pl.ds(wid * tch + p * (half - 4), half + 4)], seg_v)
            gissue(0, 0)
            gissue(1, 1)
            pltpu.sync_copy(zeros_h, acc_sh.at[pl.ds(slab, hp)])

            gwait(0); sissue(0, 0); gissue(2, 2)
            gwait(1); sissue(1, 1); gissue(3, 3)
            gwait(2); sissue(2, 2); swait(0); gissue(4, 0)
            gwait(3); sissue(3, 3); swait(1); gissue(5, 1)

            def chunk_step(i, carry):
                k = 4 * i
                gwait(0); sissue(k, 0); swait(2); gissue(k + 2, 2)
                gwait(1); sissue(k + 1, 1); swait(3); gissue(k + 3, 3)
                gwait(2); sissue(k + 2, 2); swait(0); gissue(k + 4, 0)
                gwait(3); sissue(k + 3, 3); swait(1); gissue(k + 5, 1)
                return carry

            lax.fori_loop(1, half // 4 - 1, chunk_step, 0)

            e = half - 4
            gwait(0); sissue(e, 0); swait(2); gissue(e + 2, 2)
            gwait(1); sissue(e + 1, 1); swait(3); gissue(e + 3, 3)
            gwait(2); sissue(e + 2, 2); swait(0)
            gwait(3); sissue(e + 3, 3); swait(1)
            swait(2)
            swait(3)

            pltpu.sync_copy(acc_sh.at[pl.ds(slab, hp)],
                            tout_h.at[pl.ds(base + p * hp, hp)])

    return sc_kernel(midx2d, tidx2d, seg2d, zeros, w_movie_p, w_tag_p)


def _pad_call(wt, cols_per_block):
    d, v = wt.shape
    grid = (-(-v // cols_per_block),)

    def body(w_r, o_r):
        o_r[...] = jnp.concatenate(
            [w_r[...].T,
             jnp.zeros((cols_per_block, 128 - d), jnp.float32)], axis=1)

    return pl.pallas_call(
        body,
        grid=grid,
        in_specs=[pl.BlockSpec((d, cols_per_block), lambda i: (0, i))],
        out_specs=pl.BlockSpec((cols_per_block, 128), lambda i: (i, 0)),
        out_shape=jax.ShapeDtypeStruct((v, 128), jnp.float32),
    )(wt)


def _user_elem_gather(W_user, users):
    b = users.shape[0]
    d = W_user.shape[1]
    rows = jnp.broadcast_to(users.astype(jnp.int32)[:, None], (b, d))
    cols = jnp.broadcast_to(jnp.arange(d, dtype=jnp.int32)[None, :], (b, d))
    idx = jnp.stack([rows, cols], axis=-1).reshape(b * d, 2)
    dn = lax.GatherDimensionNumbers(
        offset_dims=(), collapsed_slice_dims=(0, 1), start_index_map=(0, 1))
    out = lax.gather(W_user, idx, dn, (1, 1),
                     mode=lax.GatherScatterMode.PROMISE_IN_BOUNDS)
    return out.reshape(b, d)


def _mlp_call(u, m, g, t, sc_, w1u, w1m, w1g, w1t, w1s, b1r, w2r, b2r, inv_hist):
    b = m.shape[0]
    rb = 2048
    grid = (b // rb,)

    def body(u_r, m_r, g_r, t_r, s_r, w1u_r, w1m_r, w1g_r, w1t_r, w1s_r,
             b1_r, w2_r, b2_r, o_r):
        h = jnp.dot(u_r[...], w1u_r[...], preferred_element_type=jnp.float32)
        h = h + jnp.dot(m_r[...], w1m_r[...], preferred_element_type=jnp.float32)
        h = h + jnp.dot(g_r[...], w1g_r[...], preferred_element_type=jnp.float32)
        h = h + jnp.dot(t_r[...] * inv_hist, w1t_r[...],
                        preferred_element_type=jnp.float32)
        h = h + jnp.dot(s_r[...], w1s_r[...], preferred_element_type=jnp.float32)
        h = jnp.maximum(h + b1_r[...], 0.0)
        logit = jnp.sum(h * w2_r[...], axis=1) + b2_r[0, 0]
        o_r[...] = jax.nn.sigmoid(logit) * 4.5 + 0.5

    def rowspec(d):
        return pl.BlockSpec((rb, d), lambda i: (i, 0))

    def fullspec(r, d):
        return pl.BlockSpec((r, d), lambda i: (0, 0))

    return pl.pallas_call(
        body,
        grid=grid,
        in_specs=[
            rowspec(u.shape[1]),
            rowspec(m.shape[1]), rowspec(g.shape[1]),
            rowspec(t.shape[1]), rowspec(sc_.shape[1]),
            fullspec(*w1u.shape), fullspec(*w1m.shape), fullspec(*w1g.shape),
            fullspec(*w1t.shape), fullspec(*w1s.shape),
            fullspec(*b1r.shape), fullspec(*w2r.shape), fullspec(*b2r.shape),
        ],
        out_specs=pl.BlockSpec((rb,), lambda i: (i,)),
        out_shape=jax.ShapeDtypeStruct((b,), jnp.float32),
    )(u, m, g, t, sc_, w1u, w1m, w1g, w1t, w1s, b1r, w2r, b2r)


def kernel(users, movies, genres, tags, lang, budget, popularity, runtime,
           vote_average, vote_count, revenue, W_user, W_movie, W_tag, W1, b1, W2, b2):
    b = users.shape[0]
    hist = tags.shape[1]
    d_um = W_user.shape[1]
    d_tag = W_tag.shape[1]
    ng = genres.shape[1]
    sc_rows = b // NC
    pw = b // NW

    w_movie_p = _pad_call(W_movie.T, 2048)
    w_tag_p = _pad_call(W_tag.T, 2048)

    midx2d = movies.astype(jnp.int32).reshape(-1, CH)
    tidx2d = tags.astype(jnp.int32).reshape(-1, CH)
    l_arr = lax.broadcasted_iota(jnp.int32, (b * hist // CH, CH), 0) * CH + \
        lax.broadcasted_iota(jnp.int32, (b * hist // CH, CH), 1)
    s_of_l = l_arr // hist
    seg2d = ((s_of_l % (b // NC)) // (b // NW)) * (b // NW // 2) + \
        (s_of_l % (b // NW // 2))
    zeros = jnp.zeros((b // NW // 2, 128), jnp.float32)

    user_emb = _user_elem_gather(W_user, users)

    movie_emb, tag_sum = _sc_gather_call(
        midx2d, tidx2d, seg2d, zeros, w_movie_p, w_tag_p, b, hist)

    scal = jnp.stack(
        [lang.astype(jnp.float32), budget, popularity, runtime,
         vote_average, vote_count, revenue], axis=1)

    w1u = W1[:, :d_um].T
    w1m = jnp.zeros((128, 128), jnp.float32).at[:d_um].set(W1[:, d_um:2 * d_um].T)
    w1g = W1[:, 2 * d_um:2 * d_um + ng].T
    w1t = jnp.zeros((128, 128), jnp.float32).at[:d_tag].set(
        W1[:, 2 * d_um + ng:2 * d_um + ng + d_tag].T)
    w1s = W1[:, 2 * d_um + ng + d_tag:].T
    b1r = b1.reshape(1, -1)
    b2r = b2.reshape(1, 1)

    return _mlp_call(user_emb, movie_emb, genres, tag_sum, scal,
                     w1u, w1m, w1g, w1t, w1s, b1r, W2, b2r, 1.0 / hist)

# --- scband reference (transcript-rebuilt; emitter-appended) ---
"""Pipeline reference for scband-recommender-43868795961347 (READ-ONLY COPY).

The authoritative reference and input builder live on the scoring server;
editing this copy changes nothing except your own understanding.
"""

import jax, jax.numpy as jnp
import numpy as np

NUM_USERS = 1000000
NUM_MOVIES = 100000
NUM_TAGS = 100000
NUM_GENRES = 20
D_UM = 100
D_TAG = 50
B = 16384
HIST = 50
IN_DIM = D_UM * 2 + NUM_GENRES + D_TAG + 7  # 277


def setup_inputs(seed: int = 0) -> dict:
    key = jax.random.key(seed)
    ks = jax.random.split(key, 18)
    users = jax.random.randint(ks[0], (B,), 0, NUM_USERS, dtype=jnp.int64) if jax.config.jax_enable_x64 else jax.random.randint(ks[0], (B,), 0, NUM_USERS)
    movies = jax.random.randint(ks[1], (B,), 0, NUM_MOVIES)
    genres = jax.random.uniform(ks[2], (B, NUM_GENRES), dtype=jnp.float32)
    tags = jax.random.randint(ks[3], (B, HIST), 0, NUM_TAGS)
    lang = jax.random.randint(ks[4], (B,), 0, 30)
    budget = jax.random.uniform(ks[5], (B,), dtype=jnp.float32)
    popularity = jax.random.uniform(ks[6], (B,), dtype=jnp.float32)
    runtime = jax.random.uniform(ks[7], (B,), dtype=jnp.float32)
    vote_average = jax.random.uniform(ks[8], (B,), dtype=jnp.float32)
    vote_count = jax.random.uniform(ks[9], (B,), dtype=jnp.float32)
    revenue = jax.random.uniform(ks[10], (B,), dtype=jnp.float32)
    W_user = jax.random.normal(ks[11], (NUM_USERS, D_UM), dtype=jnp.float32)
    W_movie = jax.random.normal(ks[12], (NUM_MOVIES, D_UM), dtype=jnp.float32)
    W_tag = jax.random.normal(ks[13], (NUM_TAGS, D_TAG), dtype=jnp.float32)
    W_tag = W_tag.at[0].set(0.0)  # padding_idx=0
    W1 = jax.random.normal(ks[14], (128, IN_DIM), dtype=jnp.float32) * (1.0 / np.sqrt(IN_DIM))
    b1 = jnp.zeros((128,), dtype=jnp.float32)
    W2 = jax.random.normal(ks[15], (1, 128), dtype=jnp.float32) * (1.0 / np.sqrt(128.0))
    b2 = jnp.zeros((1,), dtype=jnp.float32)
    return {"users": users, "movies": movies, "genres": genres, "tags": tags,
            "lang": lang, "budget": budget, "popularity": popularity, "runtime": runtime,
            "vote_average": vote_average, "vote_count": vote_count, "revenue": revenue,
            "W_user": W_user, "W_movie": W_movie, "W_tag": W_tag,
            "W1": W1, "b1": b1, "W2": W2, "b2": b2}


def reference(users, movies, genres, tags, lang, budget, popularity, runtime,
              vote_average, vote_count, revenue, W_user, W_movie, W_tag, W1, b1, W2, b2):
    user_emb = jnp.take(W_user, users, axis=0)
    movie_emb = jnp.take(W_movie, movies, axis=0)
    tag_emb = jnp.take(W_tag, tags, axis=0).mean(axis=1)
    feats = jnp.concatenate([
        user_emb, movie_emb, genres, tag_emb,
        lang.astype(jnp.float32)[:, None], budget[:, None], popularity[:, None],
        runtime[:, None], vote_average[:, None], vote_count[:, None], revenue[:, None]
    ], axis=1)
    h = jnp.maximum(feats @ W1.T + b1, 0.0)  # Dropout is identity in eval
    out = (h @ W2.T + b2).squeeze()
    return jax.nn.sigmoid(out) * 4.5 + 0.5

if __name__ == "__main__":
    import jax
    _d = setup_inputs()
    print(jax.jit(kernel)(*tuple(_d.values())))

</pallas_src>

<mosaic_0001>
#map = affine_map<(d0, d1) -> (0, 0)>
module attributes {stable_mosaic.version = 14 : i64} {
  func.func @sc_kernel(%arg0: i32, %arg1: i32, %arg2: memref<128x128xi32, #tpu.memory_space<hbm>>, %arg3: memref<6400x128xi32, #tpu.memory_space<hbm>>, %arg4: memref<6400x128xi32, #tpu.memory_space<hbm>>, %arg5: memref<256x128xf32, #tpu.memory_space<hbm>>, %arg6: memref<100000x128xf32, #tpu.memory_space<hbm>>, %arg7: memref<100000x128xf32, #tpu.memory_space<hbm>>, %arg8: memref<16384x128xf32, #tpu.memory_space<hbm>>, %arg9: memref<16384x128xf32, #tpu.memory_space<hbm>>, %arg10: memref<104x128xi32, #tpu.memory_space<vmem>>, %arg11: memref<104x128xi32, #tpu.memory_space<vmem>>, %arg12: memref<4x128xi32, #tpu.memory_space<vmem>>, %arg13: memref<512x128xf32, #tpu.memory_space<vmem>>, %arg14: memref<4096x128xf32, #tpu.memory_space<vmem_shared>>, %arg15: memref<!tpu.dma_semaphore, #tpu.memory_space<semaphore_mem>>, %arg16: memref<!tpu.dma_semaphore, #tpu.memory_space<semaphore_mem>>, %arg17: memref<!tpu.dma_semaphore, #tpu.memory_space<semaphore_mem>>, %arg18: memref<!tpu.dma_semaphore, #tpu.memory_space<semaphore_mem>>, %arg19: memref<!tpu.dma_semaphore, #tpu.memory_space<semaphore_mem>>, %arg20: memref<!tpu.dma_semaphore, #tpu.memory_space<semaphore_mem>>, %arg21: memref<!tpu.dma_semaphore, #tpu.memory_space<semaphore_mem>>, %arg22: memref<!tpu.dma_semaphore, #tpu.memory_space<semaphore_mem>>) attributes {dimension_semantics = [#tpu.dimension_semantics<core_parallel>, #tpu.dimension_semantics<subcore_parallel>], iteration_bounds = array<i64: 2, 16>, scalar_prefetch = 0 : i64, scratch_operands = 13 : i64, tpu.core_type = #tpu.core_type<sc_vector_subcore>, window_params = [{transform_indices = #map}, {transform_indices = #map}, {transform_indices = #map}, {transform_indices = #map}, {transform_indices = #map}, {transform_indices = #map}, {transform_indices = #map}, {transform_indices = #map}]} {
    %mul3A = arith.constant 16 : i32
    %mul3A_0 = arith.muli %arg0, %mul3A : i32
    %add3A = arith.addi %mul3A_0, %arg1 : i32
    %mul3A_1 = arith.constant 512 : i32
    %mul3A_2 = arith.muli %add3A, %mul3A_1 : i32
    %mul3A_3 = arith.constant 256 : i32
    %mul3A_4 = arith.muli %arg1, %mul3A_3 : i32
    %mul3A_5 = arith.constant 4 : i32
    %mul3A_6 = arith.muli %add3A, %mul3A_5 : i32
    "tpu.region"() ({
      %run_scoped3A = tpu.sem_alloc : memref<!tpu.dma_semaphore, #tpu.memory_space<semaphore_mem>>
      %dma_start3A_764 = arith.constant 0 : i32
      %dma_start3A_765 = tpu.memref_slice %arg2[%mul3A_6, %dma_start3A_764] : memref<128x128xi32, #tpu.memory_space<hbm>> -> memref<4x128xi32, #tpu.memory_space<hbm>>
      %dma_start3A_766 = arith.constant 0 : i32
      %dma_start3A_767 = tpu.memref_slice %arg2[%mul3A_6, %dma_start3A_766] : memref<128x128xi32, #tpu.memory_space<hbm>> -> memref<4x128xi32, #tpu.memory_space<hbm>>
      tpu.enqueue_dma source(%dma_start3A_767 : memref<4x128xi32, #tpu.memory_space<hbm>>) target(%arg12 : memref<4x128xi32, #tpu.memory_space<vmem>>) target_semaphore(%run_scoped3A : memref<!tpu.dma_semaphore, #tpu.memory_space<semaphore_mem>>)
      %dma_wait3A_768 = arith.constant 0 : i32
      %dma_wait3A_769 = tpu.memref_slice %arg2[%mul3A_6, %dma_wait3A_768] : memref<128x128xi32, #tpu.memory_space<hbm>> -> memref<4x128xi32, #tpu.memory_space<hbm>>
      %dma_wait3A_770 = arith.constant 0 : i32
      %dma_wait3A_771 = tpu.memref_slice %arg2[%mul3A_6, %dma_wait3A_770] : memref<128x128xi32, #tpu.memory_space<hbm>> -> memref<4x128xi32, #tpu.memory_space<hbm>>
      tpu.wait_dma2 semaphore(%run_scoped3A : memref<!tpu.dma_semaphore, #tpu.memory_space<semaphore_mem>>) src(%dma_wait3A_771 : memref<4x128xi32, #tpu.memory_space<hbm>>) dst(%arg12 : memref<4x128xi32, #tpu.memory_space<vmem>>)
      tpu.yield
    }) : () -> ()
    %dma_start3A = arith.constant 0 : i32
    %dma_start3A_7 = arith.constant 0 : i32
    %dma_start3A_8 = arith.constant 0 : i32
    %dma_start3A_9 = tpu.memref_slice %arg13[%dma_start3A_7, %dma_start3A_8] : memref<512x128xf32, #tpu.memory_space<vmem>> -> memref<128x128xf32, #tpu.memory_space<vmem>>
    %dma_start3A_10 = arith.constant 0 : i32
    %dma_start3A_11 = tpu.memref_slice %arg12[%dma_start3A, %dma_start3A_10] : memref<4x128xi32, #tpu.memory_space<vmem>> -> memref<1x128xi32, #tpu.memory_space<vmem>>
    %dma_start3A_12 = tpu.memref_squeeze %dma_start3A_11 : memref<1x128xi32, #tpu.memory_space<vmem>> -> memref<128xi32, #tpu.memory_space<vmem>>
    %dma_start3A_13 = arith.constant 0 : i32
    %dma_start3A_14 = arith.constant 0 : i32
    %dma_start3A_15 = tpu.memref_slice %arg6[%dma_start3A_13, %dma_start3A_14] : memref<100000x128xf32, #tpu.memory_space<hbm>> -> memref<100000x128xf32, #tpu.memory_space<hbm>>
    tpu.enqueue_indirect_dma source(%dma_start3A_15 : memref<100000x128xf32, #tpu.memory_space<hbm>>) target(%dma_start3A_9 : memref<128x128xf32, #tpu.memory_space<vmem>>) offsets(%dma_start3A_12 : memref<128xi32, #tpu.memory_space<vmem>>) semaphore(%arg15 : memref<!tpu.dma_semaphore, #tpu.memory_space<semaphore_mem>>)
    %dma_start3A_16 = arith.constant 1 : i32
    %dma_start3A_17 = arith.constant 128 : i32
    %dma_start3A_18 = arith.constant 0 : i32
    %dma_start3A_19 = tpu.memref_slice %arg13[%dma_start3A_17, %dma_start3A_18] : memref<512x128xf32, #tpu.memory_space<vmem>> -> memref<128x128xf32, #tpu.memory_space<vmem>>
    %dma_start3A_20 = arith.constant 0 : i32
    %dma_start3A_21 = tpu.memref_slice %arg12[%dma_start3A_16, %dma_start3A_20] : memref<4x128xi32, #tpu.memory_space<vmem>> -> memref<1x128xi32, #tpu.memory_space<vmem>>
    %dma_start3A_22 = tpu.memref_squeeze %dma_start3A_21 : memref<1x128xi32, #tpu.memory_space<vmem>> -> memref<128xi32, #tpu.memory_space<vmem>>
    %dma_start3A_23 = arith.constant 0 : i32
    %dma_start3A_24 = arith.constant 0 : i32
    %dma_start3A_25 = tpu.memref_slice %arg6[%dma_start3A_23, %dma_start3A_24] : memref<100000x128xf32, #tpu.memory_space<hbm>> -> memref<100000x128xf32, #tpu.memory_space<hbm>>
    tpu.enqueue_indirect_dma source(%dma_start3A_25 : memref<100000x128xf32, #tpu.memory_space<hbm>>) target(%dma_start3A_19 : memref<128x128xf32, #tpu.memory_space<vmem>>) offsets(%dma_start3A_22 : memref<128xi32, #tpu.memory_space<vmem>>) semaphore(%arg16 : memref<!tpu.dma_semaphore, #tpu.memory_space<semaphore_mem>>)
    %dma_wait3A = arith.constant 0 : i32
    %dma_wait3A_26 = arith.constant 0 : i32
    %dma_wait3A_27 = arith.constant 0 : i32
    %dma_wait3A_28 = tpu.memref_slice %arg13[%dma_wait3A_26, %dma_wait3A_27] : memref<512x128xf32, #tpu.memory_space<vmem>> -> memref<128x128xf32, #tpu.memory_space<vmem>>
    %dma_wait3A_29 = arith.constant 0 : i32
    %dma_wait3A_30 = tpu.memref_slice %arg12[%dma_wait3A, %dma_wait3A_29] : memref<4x128xi32, #tpu.memory_space<vmem>> -> memref<1x128xi32, #tpu.memory_space<vmem>>
    %dma_wait3A_31 = tpu.memref_squeeze %dma_wait3A_30 : memref<1x128xi32, #tpu.memory_space<vmem>> -> memref<128xi32, #tpu.memory_space<vmem>>
    %dma_wait3A_32 = arith.constant 0 : i32
    %dma_wait3A_33 = arith.constant 0 : i32
    %dma_wait3A_34 = tpu.memref_slice %arg6[%dma_wait3A_32, %dma_wait3A_33] : memref<100000x128xf32, #tpu.memory_space<hbm>> -> memref<100000x128xf32, #tpu.memory_space<hbm>>
    tpu.wait_indirect_dma semaphore(%arg15 : memref<!tpu.dma_semaphore, #tpu.memory_space<semaphore_mem>>) src(%dma_wait3A_34 : memref<100000x128xf32, #tpu.memory_space<hbm>>) dst(%dma_wait3A_28 : memref<128x128xf32, #tpu.memory_space<vmem>>)
    %add3A_35 = arith.constant 0 : i32
    %add3A_36 = arith.addi %mul3A_2, %add3A_35 : i32
    "tpu.region"() ({
      %run_scoped3A = tpu.sem_alloc : memref<!tpu.dma_semaphore, #tpu.memory_space<semaphore_mem>>
      %dma_start3A_764 = arith.constant 0 : i32
      %dma_start3A_765 = arith.constant 0 : i32
      %dma_start3A_766 = tpu.memref_slice %arg13[%dma_start3A_764, %dma_start3A_765] : memref<512x128xf32, #tpu.memory_space<vmem>> -> memref<128x128xf32, #tpu.memory_space<vmem>>
      %dma_start3A_767 = arith.constant 0 : i32
      %dma_start3A_768 = tpu.memref_slice %arg8[%add3A_36, %dma_start3A_767] : memref<16384x128xf32, #tpu.memory_space<hbm>> -> memref<128x128xf32, #tpu.memory_space<hbm>>
      %dma_start3A_769 = arith.constant 0 : i32
      %dma_start3A_770 = tpu.memref_slice %arg8[%add3A_36, %dma_start3A_769] : memref<16384x128xf32, #tpu.memory_space<hbm>> -> memref<128x128xf32, #tpu.memory_space<hbm>>
      %dma_start3A_771 = arith.constant 0 : i32
      %dma_start3A_772 = arith.constant 0 : i32
      %dma_start3A_773 = tpu.memref_slice %arg13[%dma_start3A_771, %dma_start3A_772] : memref<512x128xf32, #tpu.memory_space<vmem>> -> memref<128x128xf32, #tpu.memory_space<vmem>>
      tpu.enqueue_dma source(%dma_start3A_773 : memref<128x128xf32, #tpu.memory_space<vmem>>) target(%dma_start3A_770 : memref<128x128xf32, #tpu.memory_space<hbm>>) target_semaphore(%run_scoped3A : memref<!tpu.dma_semaphore, #tpu.memory_space<semaphore_mem>>)
      %dma_wait3A_774 = arith.constant 0 : i32
      %dma_wait3A_775 = arith.constant 0 : i32
      %dma_wait3A_776 = tpu.memref_slice %arg13[%dma_wait3A_774, %dma_wait3A_775] : memref<512x128xf32, #tpu.memory_space<vmem>> -> memref<128x128xf32, #tpu.memory_space<vmem>>
      %dma_wait3A_777 = arith.constant 0 : i32
      %dma_wait3A_778 = tpu.memref_slice %arg8[%add3A_36, %dma_wait3A_777] : memref<16384x128xf32, #tpu.memory_space<hbm>> -> memref<128x128xf32, #tpu.memory_space<hbm>>
      %dma_wait3A_779 = arith.constant 0 : i32
      %dma_wait3A_780 = tpu.memref_slice %arg8[%add3A_36, %dma_wait3A_779] : memref<16384x128xf32, #tpu.memory_space<hbm>> -> memref<128x128xf32, #tpu.memory_space<hbm>>
      %dma_wait3A_781 = arith.constant 0 : i32
      %dma_wait3A_782 = arith.constant 0 : i32
      %dma_wait3A_783 = tpu.memref_slice %arg13[%dma_wait3A_781, %dma_wait3A_782] : memref<512x128xf32, #tpu.memory_space<vmem>> -> memref<128x128xf32, #tpu.memory_space<vmem>>
      tpu.wait_dma2 semaphore(%run_scoped3A : memref<!tpu.dma_semaphore, #tpu.memory_space<semaphore_mem>>) src(%dma_wait3A_783 : memref<128x128xf32, #tpu.memory_space<vmem>>) dst(%dma_wait3A_780 : memref<128x128xf32, #tpu.memory_space<hbm>>)
      tpu.yield
    }) : () -> ()
    %dma_start3A_37 = arith.constant 2 : i32
    %dma_start3A_38 = arith.constant 0 : i32
    %dma_start3A_39 = arith.constant 0 : i32
    %dma_start3A_40 = tpu.memref_slice %arg13[%dma_start3A_38, %dma_start3A_39] : memref<512x128xf32, #tpu.memory_space<vmem>> -> memref<128x128xf32, #tpu.memory_space<vmem>>
    %dma_start3A_41 = arith.constant 0 : i32
    %dma_start3A_42 = tpu.memref_slice %arg12[%dma_start3A_37, %dma_start3A_41] : memref<4x128xi32, #tpu.memory_space<vmem>> -> memref<1x128xi32, #tpu.memory_space<vmem>>
    %dma_start3A_43 = tpu.memref_squeeze %dma_start3A_42 : memref<1x128xi32, #tpu.memory_space<vmem>> -> memref<128xi32, #tpu.memory_space<vmem>>
    %dma_start3A_44 = arith.constant 0 : i32
    %dma_start3A_45 = arith.constant 0 : i32
    %dma_start3A_46 = tpu.memref_slice %arg6[%dma_start3A_44, %dma_start3A_45] : memref<100000x128xf32, #tpu.memory_space<hbm>> -> memref<100000x128xf32, #tpu.memory_space<hbm>>
    tpu.enqueue_indirect_dma source(%dma_start3A_46 : memref<100000x128xf32, #tpu.memory_space<hbm>>) target(%dma_start3A_40 : memref<128x128xf32, #tpu.memory_space<vmem>>) offsets(%dma_start3A_43 : memref<128xi32, #tpu.memory_space<vmem>>) semaphore(%arg15 : memref<!tpu.dma_semaphore, #tpu.memory_space<semaphore_mem>>)
    %dma_wait3A_47 = arith.constant 0 : i32
    %dma_wait3A_48 = arith.constant 128 : i32
    %dma_wait3A_49 = arith.constant 0 : i32
    %dma_wait3A_50 = tpu.memref_slice %arg13[%dma_wait3A_48, %dma_wait3A_49] : memref<512x128xf32, #tpu.memory_space<vmem>> -> memref<128x128xf32, #tpu.memory_space<vmem>>
    %dma_wait3A_51 = arith.constant 0 : i32
    %dma_wait3A_52 = tpu.memref_slice %arg12[%dma_wait3A_47, %dma_wait3A_51] : memref<4x128xi32, #tpu.memory_space<vmem>> -> memref<1x128xi32, #tpu.memory_space<vmem>>
    %dma_wait3A_53 = tpu.memref_squeeze %dma_wait3A_52 : memref<1x128xi32, #tpu.memory_space<vmem>> -> memref<128xi32, #tpu.memory_space<vmem>>
    %dma_wait3A_54 = arith.constant 0 : i32
    %dma_wait3A_55 = arith.constant 0 : i32
    %dma_wait3A_56 = tpu.memref_slice %arg6[%dma_wait3A_54, %dma_wait3A_55] : memref<100000x128xf32, #tpu.memory_space<hbm>> -> memref<100000x128xf32, #tpu.memory_space<hbm>>
    tpu.wait_indirect_dma semaphore(%arg16 : memref<!tpu.dma_semaphore, #tpu.memory_space<semaphore_mem>>) src(%dma_wait3A_56 : memref<100000x128xf32, #tpu.memory_space<hbm>>) dst(%dma_wait3A_50 : memref<128x128xf32, #tpu.memory_space<vmem>>)
    %add3A_57 = arith.constant 128 : i32
    %add3A_58 = arith.addi %mul3A_2, %add3A_57 : i32
    "tpu.region"() ({
      %run_scoped3A = tpu.sem_alloc : memref<!tpu.dma_semaphore, #tpu.memory_space<semaphore_mem>>
      %dma_start3A_764 = arith.constant 128 : i32
      %dma_start3A_765 = arith.constant 0 : i32
      %dma_start3A_766 = tpu.memref_slice %arg13[%dma_start3A_764, %dma_start3A_765] : memref<512x128xf32, #tpu.memory_space<vmem>> -> memref<128x128xf32, #tpu.memory_space<vmem>>
      %dma_start3A_767 = arith.constant 0 : i32
      %dma_start3A_768 = tpu.memref_slice %arg8[%add3A_58, %dma_start3A_767] : memref<16384x128xf32, #tpu.memory_space<hbm>> -> memref<128x128xf32, #tpu.memory_space<hbm>>
      %dma_start3A_769 = arith.constant 0 : i32
      %dma_start3A_770 = tpu.memref_slice %arg8[%add3A_58, %dma_start3A_769] : memref<16384x128xf32, #tpu.memory_space<hbm>> -> memref<128x128xf32, #tpu.memory_space<hbm>>
      %dma_start3A_771 = arith.constant 128 : i32
      %dma_start3A_772 = arith.constant 0 : i32
      %dma_start3A_773 = tpu.memref_slice %arg13[%dma_start3A_771, %dma_start3A_772] : memref<512x128xf32, #tpu.memory_space<vmem>> -> memref<128x128xf32, #tpu.memory_space<vmem>>
      tpu.enqueue_dma source(%dma_start3A_773 : memref<128x128xf32, #tpu.memory_space<vmem>>) target(%dma_start3A_770 : memref<128x128xf32, #tpu.memory_space<hbm>>) target_semaphore(%run_scoped3A : memref<!tpu.dma_semaphore, #tpu.memory_space<semaphore_mem>>)
      %dma_wait3A_774 = arith.constant 128 : i32
      %dma_wait3A_775 = arith.constant 0 : i32
      %dma_wait3A_776 = tpu.memref_slice %arg13[%dma_wait3A_774, %dma_wait3A_775] : memref<512x128xf32, #tpu.memory_space<vmem>> -> memref<128x128xf32, #tpu.memory_space<vmem>>
      %dma_wait3A_777 = arith.constant 0 : i32
      %dma_wait3A_778 = tpu.memref_slice %arg8[%add3A_58, %dma_wait3A_777] : memref<16384x128xf32, #tpu.memory_space<hbm>> -> memref<128x128xf32, #tpu.memory_space<hbm>>
      %dma_wait3A_779 = arith.constant 0 : i32
      %dma_wait3A_780 = tpu.memref_slice %arg8[%add3A_58, %dma_wait3A_779] : memref<16384x128xf32, #tpu.memory_space<hbm>> -> memref<128x128xf32, #tpu.memory_space<hbm>>
      %dma_wait3A_781 = arith.constant 128 : i32
      %dma_wait3A_782 = arith.constant 0 : i32
      %dma_wait3A_783 = tpu.memref_slice %arg13[%dma_wait3A_781, %dma_wait3A_782] : memref<512x128xf32, #tpu.memory_space<vmem>> -> memref<128x128xf32, #tpu.memory_space<vmem>>
      tpu.wait_dma2 semaphore(%run_scoped3A : memref<!tpu.dma_semaphore, #tpu.memory_space<semaphore_mem>>) src(%dma_wait3A_783 : memref<128x128xf32, #tpu.memory_space<vmem>>) dst(%dma_wait3A_780 : memref<128x128xf32, #tpu.memory_space<hbm>>)
      tpu.yield
    }) : () -> ()
    %dma_start3A_59 = arith.constant 3 : i32
    %dma_start3A_60 = arith.constant 128 : i32
    %dma_start3A_61 = arith.constant 0 : i32
    %dma_start3A_62 = tpu.memref_slice %arg13[%dma_start3A_60, %dma_start3A_61] : memref<512x128xf32, #tpu.memory_space<vmem>> -> memref<128x128xf32, #tpu.memory_space<vmem>>
    %dma_start3A_63 = arith.constant 0 : i32
    %dma_start3A_64 = tpu.memref_slice %arg12[%dma_start3A_59, %dma_start3A_63] : memref<4x128xi32, #tpu.memory_space<vmem>> -> memref<1x128xi32, #tpu.memory_space<vmem>>
    %dma_start3A_65 = tpu.memref_squeeze %dma_start3A_64 : memref<1x128xi32, #tpu.memory_space<vmem>> -> memref<128xi32, #tpu.memory_space<vmem>>
    %dma_start3A_66 = arith.constant 0 : i32
    %dma_start3A_67 = arith.constant 0 : i32
    %dma_start3A_68 = tpu.memref_slice %arg6[%dma_start3A_66, %dma_start3A_67] : memref<100000x128xf32, #tpu.memory_space<hbm>> -> memref<100000x128xf32, #tpu.memory_space<hbm>>
    tpu.enqueue_indirect_dma source(%dma_start3A_68 : memref<100000x128xf32, #tpu.memory_space<hbm>>) target(%dma_start3A_62 : memref<128x128xf32, #tpu.memory_space<vmem>>) offsets(%dma_start3A_65 : memref<128xi32, #tpu.memory_space<vmem>>) semaphore(%arg16 : memref<!tpu.dma_semaphore, #tpu.memory_space<semaphore_mem>>)
    %dma_wait3A_69 = arith.constant 0 : i32
    %dma_wait3A_70 = arith.constant 0 : i32
    %dma_wait3A_71 = arith.constant 0 : i32
    %dma_wait3A_72 = tpu.memref_slice %arg13[%dma_wait3A_70, %dma_wait3A_71] : memref<512x128xf32, #tpu.memory_space<vmem>> -> memref<128x128xf32, #tpu.memory_space<vmem>>
    %dma_wait3A_73 = arith.constant 0 : i32
    %dma_wait3A_74 = tpu.memref_slice %arg12[%dma_wait3A_69, %dma_wait3A_73] : memref<4x128xi32, #tpu.memory_space<vmem>> -> memref<1x128xi32, #tpu.memory_space<vmem>>
    %dma_wait3A_75 = tpu.memref_squeeze %dma_wait3A_74 : memref<1x128xi32, #tpu.memory_space<vmem>> -> memref<128xi32, #tpu.memory_space<vmem>>
    %dma_wait3A_76 = arith.constant 0 : i32
    %dma_wait3A_77 = arith.constant 0 : i32
    %dma_wait3A_78 = tpu.memref_slice %arg6[%dma_wait3A_76, %dma_wait3A_77] : memref<100000x128xf32, #tpu.memory_space<hbm>> -> memref<100000x128xf32, #tpu.memory_space<hbm>>
    tpu.wait_indirect_dma semaphore(%arg15 : memref<!tpu.dma_semaphore, #tpu.memory_space<semaphore_mem>>) src(%dma_wait3A_78 : memref<100000x128xf32, #tpu.memory_space<hbm>>) dst(%dma_wait3A_72 : memref<128x128xf32, #tpu.memory_space<vmem>>)
    %add3A_79 = arith.constant 256 : i32
    %add3A_80 = arith.addi %mul3A_2, %add3A_79 : i32
    "tpu.region"() ({
      %run_scoped3A = tpu.sem_alloc : memref<!tpu.dma_semaphore, #tpu.memory_space<semaphore_mem>>
      %dma_start3A_764 = arith.constant 0 : i32
      %dma_start3A_765 = arith.constant 0 : i32
      %dma_start3A_766 = tpu.memref_slice %arg13[%dma_start3A_764, %dma_start3A_765] : memref<512x128xf32, #tpu.memory_space<vmem>> -> memref<128x128xf32, #tpu.memory_space<vmem>>
      %dma_start3A_767 = arith.constant 0 : i32
      %dma_start3A_768 = tpu.memref_slice %arg8[%add3A_80, %dma_start3A_767] : memref<16384x128xf32, #tpu.memory_space<hbm>> -> memref<128x128xf32, #tpu.memory_space<hbm>>
      %dma_start3A_769 = arith.constant 0 : i32
      %dma_start3A_770 = tpu.memref_slice %arg8[%add3A_80, %dma_start3A_769] : memref<16384x128xf32, #tpu.memory_space<hbm>> -> memref<128x128xf32, #tpu.memory_space<hbm>>
      %dma_start3A_771 = arith.constant 0 : i32
      %dma_start3A_772 = arith.constant 0 : i32
      %dma_start3A_773 = tpu.memref_slice %arg13[%dma_start3A_771, %dma_start3A_772] : memref<512x128xf32, #tpu.memory_space<vmem>> -> memref<128x128xf32, #tpu.memory_space<vmem>>
      tpu.enqueue_dma source(%dma_start3A_773 : memref<128x128xf32, #tpu.memory_space<vmem>>) target(%dma_start3A_770 : memref<128x128xf32, #tpu.memory_space<hbm>>) target_semaphore(%run_scoped3A : memref<!tpu.dma_semaphore, #tpu.memory_space<semaphore_mem>>)
      %dma_wait3A_774 = arith.constant 0 : i32
      %dma_wait3A_775 = arith.constant 0 : i32
      %dma_wait3A_776 = tpu.memref_slice %arg13[%dma_wait3A_774, %dma_wait3A_775] : memref<512x128xf32, #tpu.memory_space<vmem>> -> memref<128x128xf32, #tpu.memory_space<vmem>>
      %dma_wait3A_777 = arith.constant 0 : i32
      %dma_wait3A_778 = tpu.memref_slice %arg8[%add3A_80, %dma_wait3A_777] : memref<16384x128xf32, #tpu.memory_space<hbm>> -> memref<128x128xf32, #tpu.memory_space<hbm>>
      %dma_wait3A_779 = arith.constant 0 : i32
      %dma_wait3A_780 = tpu.memref_slice %arg8[%add3A_80, %dma_wait3A_779] : memref<16384x128xf32, #tpu.memory_space<hbm>> -> memref<128x128xf32, #tpu.memory_space<hbm>>
      %dma_wait3A_781 = arith.constant 0 : i32
      %dma_wait3A_782 = arith.constant 0 : i32
      %dma_wait3A_783 = tpu.memref_slice %arg13[%dma_wait3A_781, %dma_wait3A_782] : memref<512x128xf32, #tpu.memory_space<vmem>> -> memref<128x128xf32, #tpu.memory_space<vmem>>
      tpu.wait_dma2 semaphore(%run_scoped3A : memref<!tpu.dma_semaphore, #tpu.memory_space<semaphore_mem>>) src(%dma_wait3A_783 : memref<128x128xf32, #tpu.memory_space<vmem>>) dst(%dma_wait3A_780 : memref<128x128xf32, #tpu.memory_space<hbm>>)
      tpu.yield
    }) : () -> ()
    %dma_wait3A_81 = arith.constant 0 : i32
    %dma_wait3A_82 = arith.constant 128 : i32
    %dma_wait3A_83 = arith.constant 0 : i32
    %dma_wait3A_84 = tpu.memref_slice %arg13[%dma_wait3A_82, %dma_wait3A_83] : memref<512x128xf32, #tpu.memory_space<vmem>> -> memref<128x128xf32, #tpu.memory_space<vmem>>
    %dma_wait3A_85 = arith.constant 0 : i32
    %dma_wait3A_86 = tpu.memref_slice %arg12[%dma_wait3A_81, %dma_wait3A_85] : memref<4x128xi32, #tpu.memory_space<vmem>> -> memref<1x128xi32, #tpu.memory_space<vmem>>
    %dma_wait3A_87 = tpu.memref_squeeze %dma_wait3A_86 : memref<1x128xi32, #tpu.memory_space<vmem>> -> memref<128xi32, #tpu.memory_space<vmem>>
    %dma_wait3A_88 = arith.constant 0 : i32
    %dma_wait3A_89 = arith.constant 0 : i32
    %dma_wait3A_90 = tpu.memref_slice %arg6[%dma_wait3A_88, %dma_wait3A_89] : memref<100000x128xf32, #tpu.memory_space<hbm>> -> memref<100000x128xf32, #tpu.memory_space<hbm>>
    tpu.wait_indirect_dma semaphore(%arg16 : memref<!tpu.dma_semaphore, #tpu.memory_space<semaphore_mem>>) src(%dma_wait3A_90 : memref<100000x128xf32, #tpu.memory_space<hbm>>) dst(%dma_wait3A_84 : memref<128x128xf32, #tpu.memory_space<vmem>>)
    %add3A_91 = arith.constant 384 : i32
    %add3A_92 = arith.addi %mul3A_2, %add3A_91 : i32
    "tpu.region"() ({
      %run_scoped3A = tpu.sem_alloc : memref<!tpu.dma_semaphore, #tpu.memory_space<semaphore_mem>>
      %dma_start3A_764 = arith.constant 128 : i32
      %dma_start3A_765 = arith.constant 0 : i32
      %dma_start3A_766 = tpu.memref_slice %arg13[%dma_start3A_764, %dma_start3A_765] : memref<512x128xf32, #tpu.memory_space<vmem>> -> memref<128x128xf32, #tpu.memory_space<vmem>>
      %dma_start3A_767 = arith.constant 0 : i32
      %dma_start3A_768 = tpu.memref_slice %arg8[%add3A_92, %dma_start3A_767] : memref<16384x128xf32, #tpu.memory_space<hbm>> -> memref<128x128xf32, #tpu.memory_space<hbm>>
      %dma_start3A_769 = arith.constant 0 : i32
      %dma_start3A_770 = tpu.memref_slice %arg8[%add3A_92, %dma_start3A_769] : memref<16384x128xf32, #tpu.memory_space<hbm>> -> memref<128x128xf32, #tpu.memory_space<hbm>>
      %dma_start3A_771 = arith.constant 128 : i32
      %dma_start3A_772 = arith.constant 0 : i32
      %dma_start3A_773 = tpu.memref_slice %arg13[%dma_start3A_771, %dma_start3A_772] : memref<512x128xf32, #tpu.memory_space<vmem>> -> memref<128x128xf32, #tpu.memory_space<vmem>>
      tpu.enqueue_dma source(%dma_start3A_773 : memref<128x128xf32, #tpu.memory_space<vmem>>) target(%dma_start3A_770 : memref<128x128xf32, #tpu.memory_space<hbm>>) target_semaphore(%run_scoped3A : memref<!tpu.dma_semaphore, #tpu.memory_space<semaphore_mem>>)
      %dma_wait3A_774 = arith.constant 128 : i32
      %dma_wait3A_775 = arith.constant 0 : i32
      %dma_wait3A_776 = tpu.memref_slice %arg13[%dma_wait3A_774, %dma_wait3A_775] : memref<512x128xf32, #tpu.memory_space<vmem>> -> memref<128x128xf32, #tpu.memory_space<vmem>>
      %dma_wait3A_777 = arith.constant 0 : i32
      %dma_wait3A_778 = tpu.memref_slice %arg8[%add3A_92, %dma_wait3A_777] : memref<16384x128xf32, #tpu.memory_space<hbm>> -> memref<128x128xf32, #tpu.memory_space<hbm>>
      %dma_wait3A_779 = arith.constant 0 : i32
      %dma_wait3A_780 = tpu.memref_slice %arg8[%add3A_92, %dma_wait3A_779] : memref<16384x128xf32, #tpu.memory_space<hbm>> -> memref<128x128xf32, #tpu.memory_space<hbm>>
      %dma_wait3A_781 = arith.constant 128 : i32
      %dma_wait3A_782 = arith.constant 0 : i32
      %dma_wait3A_783 = tpu.memref_slice %arg13[%dma_wait3A_781, %dma_wait3A_782] : memref<512x128xf32, #tpu.memory_space<vmem>> -> memref<128x128xf32, #tpu.memory_space<vmem>>
      tpu.wait_dma2 semaphore(%run_scoped3A : memref<!tpu.dma_semaphore, #tpu.memory_space<semaphore_mem>>) src(%dma_wait3A_783 : memref<128x128xf32, #tpu.memory_space<vmem>>) dst(%dma_wait3A_780 : memref<128x128xf32, #tpu.memory_space<hbm>>)
      tpu.yield
    }) : () -> ()
    %mul3A_93 = arith.constant 200 : i32
    %mul3A_94 = arith.muli %add3A, %mul3A_93 : i32
    %add3A_95 = arith.constant 0 : i32
    %add3A_96 = arith.addi %mul3A_94, %add3A_95 : i32
    "tpu.region"() ({
      %run_scoped3A = tpu.sem_alloc : memref<!tpu.dma_semaphore, #tpu.memory_space<semaphore_mem>>
      %dma_start3A_764 = arith.constant 0 : i32
      %dma_start3A_765 = tpu.memref_slice %arg3[%add3A_96, %dma_start3A_764] : memref<6400x128xi32, #tpu.memory_space<hbm>> -> memref<104x128xi32, #tpu.memory_space<hbm>>
      %dma_start3A_766 = arith.constant 0 : i32
      %dma_start3A_767 = tpu.memref_slice %arg3[%add3A_96, %dma_start3A_766] : memref<6400x128xi32, #tpu.memory_space<hbm>> -> memref<104x128xi32, #tpu.memory_space<hbm>>
      tpu.enqueue_dma source(%dma_start3A_767 : memref<104x128xi32, #tpu.memory_space<hbm>>) target(%arg10 : memref<104x128xi32, #tpu.memory_space<vmem>>) target_semaphore(%run_scoped3A : memref<!tpu.dma_semaphore, #tpu.memory_space<semaphore_mem>>)
      %dma_wait3A_768 = arith.constant 0 : i32
      %dma_wait3A_769 = tpu.memref_slice %arg3[%add3A_96, %dma_wait3A_768] : memref<6400x128xi32, #tpu.memory_space<hbm>> -> memref<104x128xi32, #tpu.memory_space<hbm>>
      %dma_wait3A_770 = arith.constant 0 : i32
      %dma_wait3A_771 = tpu.memref_slice %arg3[%add3A_96, %dma_wait3A_770] : memref<6400x128xi32, #tpu.memory_space<hbm>> -> memref<104x128xi32, #tpu.memory_space<hbm>>
      tpu.wait_dma2 semaphore(%run_scoped3A : memref<!tpu.dma_semaphore, #tpu.memory_space<semaphore_mem>>) src(%dma_wait3A_771 : memref<104x128xi32, #tpu.memory_space<hbm>>) dst(%arg10 : memref<104x128xi32, #tpu.memory_space<vmem>>)
      tpu.yield
    }) : () -> ()
    %mul3A_97 = arith.constant 200 : i32
    %mul3A_98 = arith.muli %add3A, %mul3A_97 : i32
    %add3A_99 = arith.constant 0 : i32
    %add3A_100 = arith.addi %mul3A_98, %add3A_99 : i32
    "tpu.region"() ({
      %run_scoped3A = tpu.sem_alloc : memref<!tpu.dma_semaphore, #tpu.memory_space<semaphore_mem>>
      %dma_start3A_764 = arith.constant 0 : i32
      %dma_start3A_765 = tpu.memref_slice %arg4[%add3A_100, %dma_start3A_764] : memref<6400x128xi32, #tpu.memory_space<hbm>> -> memref<104x128xi32, #tpu.memory_space<hbm>>
      %dma_start3A_766 = arith.constant 0 : i32
      %dma_start3A_767 = tpu.memref_slice %arg4[%add3A_100, %dma_start3A_766] : memref<6400x128xi32, #tpu.memory_space<hbm>> -> memref<104x128xi32, #tpu.memory_space<hbm>>
      tpu.enqueue_dma source(%dma_start3A_767 : memref<104x128xi32, #tpu.memory_space<hbm>>) target(%arg11 : memref<104x128xi32, #tpu.memory_space<vmem>>) target_semaphore(%run_scoped3A : memref<!tpu.dma_semaphore, #tpu.memory_space<semaphore_mem>>)
      %dma_wait3A_768 = arith.constant 0 : i32
      %dma_wait3A_769 = tpu.memref_slice %arg4[%add3A_100, %dma_wait3A_768] : memref<6400x128xi32, #tpu.memory_space<hbm>> -> memref<104x128xi32, #tpu.memory_space<hbm>>
      %dma_wait3A_770 = arith.constant 0 : i32
      %dma_wait3A_771 = tpu.memref_slice %arg4[%add3A_100, %dma_wait3A_770] : memref<6400x128xi32, #tpu.memory_space<hbm>> -> memref<104x128xi32, #tpu.memory_space<hbm>>
      tpu.wait_dma2 semaphore(%run_scoped3A : memref<!tpu.dma_semaphore, #tpu.memory_space<semaphore_mem>>) src(%dma_wait3A_771 : memref<104x128xi32, #tpu.memory_space<hbm>>) dst(%arg11 : memref<104x128xi32, #tpu.memory_space<vmem>>)
      tpu.yield
    }) : () -> ()
    %dma_start3A_101 = arith.constant 0 : i32
    %dma_start3A_102 = arith.constant 0 : i32
    %dma_start3A_103 = arith.constant 0 : i32
    %dma_start3A_104 = tpu.memref_slice %arg13[%dma_start3A_102, %dma_start3A_103] : memref<512x128xf32, #tpu.memory_space<vmem>> -> memref<128x128xf32, #tpu.memory_space<vmem>>
    %dma_start3A_105 = arith.constant 0 : i32
    %dma_start3A_106 = tpu.memref_slice %arg10[%dma_start3A_101, %dma_start3A_105] : memref<104x128xi32, #tpu.memory_space<vmem>> -> memref<1x128xi32, #tpu.memory_space<vmem>>
    %dma_start3A_107 = tpu.memref_squeeze %dma_start3A_106 : memref<1x128xi32, #tpu.memory_space<vmem>> -> memref<128xi32, #tpu.memory_space<vmem>>
    %dma_start3A_108 = arith.constant 0 : i32
    %dma_start3A_109 = arith.constant 0 : i32
    %dma_start3A_110 = tpu.memref_slice %arg7[%dma_start3A_108, %dma_start3A_109] : memref<100000x128xf32, #tpu.memory_space<hbm>> -> memref<100000x128xf32, #tpu.memory_space<hbm>>
    tpu.enqueue_indirect_dma source(%dma_start3A_110 : memref<100000x128xf32, #tpu.memory_space<hbm>>) target(%dma_start3A_104 : memref<128x128xf32, #tpu.memory_space<vmem>>) offsets(%dma_start3A_107 : memref<128xi32, #tpu.memory_space<vmem>>) semaphore(%arg15 : memref<!tpu.dma_semaphore, #tpu.memory_space<semaphore_mem>>)
    %dma_start3A_111 = arith.constant 1 : i32
    %dma_start3A_112 = arith.constant 128 : i32
    %dma_start3A_113 = arith.constant 0 : i32
    %dma_start3A_114 = tpu.memref_slice %arg13[%dma_start3A_112, %dma_start3A_113] : memref<512x128xf32, #tpu.memory_space<vmem>> -> memref<128x128xf32, #tpu.memory_space<vmem>>
    %dma_start3A_115 = arith.constant 0 : i32
    %dma_start3A_116 = tpu.memref_slice %arg10[%dma_start3A_111, %dma_start3A_115] : memref<104x128xi32, #tpu.memory_space<vmem>> -> memref<1x128xi32, #tpu.memory_space<vmem>>
    %dma_start3A_117 = tpu.memref_squeeze %dma_start3A_116 : memref<1x128xi32, #tpu.memory_space<vmem>> -> memref<128xi32, #tpu.memory_space<vmem>>
    %dma_start3A_118 = arith.constant 0 : i32
    %dma_start3A_119 = arith.constant 0 : i32
    %dma_start3A_120 = tpu.memref_slice %arg7[%dma_start3A_118, %dma_start3A_119] : memref<100000x128xf32, #tpu.memory_space<hbm>> -> memref<100000x128xf32, #tpu.memory_space<hbm>>
    tpu.enqueue_indirect_dma source(%dma_start3A_120 : memref<100000x128xf32, #tpu.memory_space<hbm>>) target(%dma_start3A_114 : memref<128x128xf32, #tpu.memory_space<vmem>>) offsets(%dma_start3A_117 : memref<128xi32, #tpu.memory_space<vmem>>) semaphore(%arg16 : memref<!tpu.dma_semaphore, #tpu.memory_space<semaphore_mem>>)
    "tpu.region"() ({
      %run_scoped3A = tpu.sem_alloc : memref<!tpu.dma_semaphore, #tpu.memory_space<semaphore_mem>>
      %dma_start3A_764 = arith.constant 0 : i32
      %dma_start3A_765 = tpu.memref_slice %arg14[%mul3A_4, %dma_start3A_764] : memref<4096x128xf32, #tpu.memory_space<vmem_shared>> -> memref<256x128xf32, #tpu.memory_space<vmem_shared>>
      tpu.enqueue_dma source(%arg5 : memref<256x128xf32, #tpu.memory_space<hbm>>) target(%dma_start3A_765 : memref<256x128xf32, #tpu.memory_space<vmem_shared>>) target_semaphore(%run_scoped3A : memref<!tpu.dma_semaphore, #tpu.memory_space<semaphore_mem>>)
      %dma_wait3A_766 = arith.constant 0 : i32
      %dma_wait3A_767 = tpu.memref_slice %arg14[%mul3A_4, %dma_wait3A_766] : memref<4096x128xf32, #tpu.memory_space<vmem_shared>> -> memref<256x128xf32, #tpu.memory_space<vmem_shared>>
      tpu.wait_dma2 semaphore(%run_scoped3A : memref<!tpu.dma_semaphore, #tpu.memory_space<semaphore_mem>>) src(%arg5 : memref<256x128xf32, #tpu.memory_space<hbm>>) dst(%dma_wait3A_767 : memref<256x128xf32, #tpu.memory_space<vmem_shared>>)
      tpu.yield
    }) : () -> ()
    %dma_wait3A_121 = arith.constant 0 : i32
    %dma_wait3A_122 = arith.constant 0 : i32
    %dma_wait3A_123 = arith.constant 0 : i32
    %dma_wait3A_124 = tpu.memref_slice %arg13[%dma_wait3A_122, %dma_wait3A_123] : memref<512x128xf32, #tpu.memory_space<vmem>> -> memref<128x128xf32, #tpu.memory_space<vmem>>
    %dma_wait3A_125 = arith.constant 0 : i32
    %dma_wait3A_126 = tpu.memref_slice %arg10[%dma_wait3A_121, %dma_wait3A_125] : memref<104x128xi32, #tpu.memory_space<vmem>> -> memref<1x128xi32, #tpu.memory_space<vmem>>
    %dma_wait3A_127 = tpu.memref_squeeze %dma_wait3A_126 : memref<1x128xi32, #tpu.memory_space<vmem>> -> memref<128xi32, #tpu.memory_space<vmem>>
    %dma_wait3A_128 = arith.constant 0 : i32
    %dma_wait3A_129 = arith.constant 0 : i32
    %dma_wait3A_130 = tpu.memref_slice %arg7[%dma_wait3A_128, %dma_wait3A_129] : memref<100000x128xf32, #tpu.memory_space<hbm>> -> memref<100000x128xf32, #tpu.memory_space<hbm>>
    tpu.wait_indirect_dma semaphore(%arg15 : memref<!tpu.dma_semaphore, #tpu.memory_space<semaphore_mem>>) src(%dma_wait3A_130 : memref<100000x128xf32, #tpu.memory_space<hbm>>) dst(%dma_wait3A_124 : memref<128x128xf32, #tpu.memory_space<vmem>>)
    %dma_start3A_131 = arith.constant 0 : i32
    %dma_start3A_132 = arith.constant 0 : i32
    %dma_start3A_133 = arith.constant 0 : i32
    %dma_start3A_134 = tpu.memref_slice %arg13[%dma_start3A_132, %dma_start3A_133] : memref<512x128xf32, #tpu.memory_space<vmem>> -> memref<128x128xf32, #tpu.memory_space<vmem>>
    %dma_start3A_135 = arith.constant 0 : i32
    %dma_start3A_136 = tpu.memref_slice %arg11[%dma_start3A_131, %dma_start3A_135] : memref<104x128xi32, #tpu.memory_space<vmem>> -> memref<1x128xi32, #tpu.memory_space<vmem>>
    %dma_start3A_137 = tpu.memref_squeeze %dma_start3A_136 : memref<1x128xi32, #tpu.memory_space<vmem>> -> memref<128xi32, #tpu.memory_space<vmem>>
    %dma_start3A_138 = arith.constant 0 : i32
    %dma_start3A_139 = arith.constant 0 : i32
    %dma_start3A_140 = tpu.memref_slice %arg14[%dma_start3A_138, %dma_start3A_139] : memref<4096x128xf32, #tpu.memory_space<vmem_shared>> -> memref<4096x128xf32, #tpu.memory_space<vmem_shared>>
    tpu.enqueue_indirect_dma source(%dma_start3A_134 : memref<128x128xf32, #tpu.memory_space<vmem>>) target(%dma_start3A_140 : memref<4096x128xf32, #tpu.memory_space<vmem_shared>>) offsets(%dma_start3A_137 : memref<128xi32, #tpu.memory_space<vmem>>) semaphore(%arg19 : memref<!tpu.dma_semaphore, #tpu.memory_space<semaphore_mem>>) {add = true}
    %dma_start3A_141 = arith.constant 2 : i32
    %dma_start3A_142 = arith.constant 256 : i32
    %dma_start3A_143 = arith.constant 0 : i32
    %dma_start3A_144 = tpu.memref_slice %arg13[%dma_start3A_142, %dma_start3A_143] : memref<512x128xf32, #tpu.memory_space<vmem>> -> memref<128x128xf32, #tpu.memory_space<vmem>>
    %dma_start3A_145 = arith.constant 0 : i32
    %dma_start3A_146 = tpu.memref_slice %arg10[%dma_start3A_141, %dma_start3A_145] : memref<104x128xi32, #tpu.memory_space<vmem>> -> memref<1x128xi32, #tpu.memory_space<vmem>>
    %dma_start3A_147 = tpu.memref_squeeze %dma_start3A_146 : memref<1x128xi32, #tpu.memory_space<vmem>> -> memref<128xi32, #tpu.memory_space<vmem>>
    %dma_start3A_148 = arith.constant 0 : i32
    %dma_start3A_149 = arith.constant 0 : i32
    %dma_start3A_150 = tpu.memref_slice %arg7[%dma_start3A_148, %dma_start3A_149] : memref<100000x128xf32, #tpu.memory_space<hbm>> -> memref<100000x128xf32, #tpu.memory_space<hbm>>
    tpu.enqueue_indirect_dma source(%dma_start3A_150 : memref<100000x128xf32, #tpu.memory_space<hbm>>) target(%dma_start3A_144 : memref<128x128xf32, #tpu.memory_space<vmem>>) offsets(%dma_start3A_147 : memref<128xi32, #tpu.memory_space<vmem>>) semaphore(%arg17 : memref<!tpu.dma_semaphore, #tpu.memory_space<semaphore_mem>>)
    %dma_wait3A_151 = arith.constant 0 : i32
    %dma_wait3A_152 = arith.constant 128 : i32
    %dma_wait3A_153 = arith.constant 0 : i32
    %dma_wait3A_154 = tpu.memref_slice %arg13[%dma_wait3A_152, %dma_wait3A_153] : memref<512x128xf32, #tpu.memory_space<vmem>> -> memref<128x128xf32, #tpu.memory_space<vmem>>
    %dma_wait3A_155 = arith.constant 0 : i32
    %dma_wait3A_156 = tpu.memref_slice %arg10[%dma_wait3A_151, %dma_wait3A_155] : memref<104x128xi32, #tpu.memory_space<vmem>> -> memref<1x128xi32, #tpu.memory_space<vmem>>
    %dma_wait3A_157 = tpu.memref_squeeze %dma_wait3A_156 : memref<1x128xi32, #tpu.memory_space<vmem>> -> memref<128xi32, #tpu.memory_space<vmem>>
    %dma_wait3A_158 = arith.constant 0 : i32
    %dma_wait3A_159 = arith.constant 0 : i32
    %dma_wait3A_160 = tpu.memref_slice %arg7[%dma_wait3A_158, %dma_wait3A_159] : memref<100000x128xf32, #tpu.memory_space<hbm>> -> memref<100000x128xf32, #tpu.memory_space<hbm>>
    tpu.wait_indirect_dma semaphore(%arg16 : memref<!tpu.dma_semaphore, #tpu.memory_space<semaphore_mem>>) src(%dma_wait3A_160 : memref<100000x128xf32, #tpu.memory_space<hbm>>) dst(%dma_wait3A_154 : memref<128x128xf32, #tpu.memory_space<vmem>>)
    %dma_start3A_161 = arith.constant 1 : i32
    %dma_start3A_162 = arith.constant 128 : i32
    %dma_start3A_163 = arith.constant 0 : i32
    %dma_start3A_164 = tpu.memref_slice %arg13[%dma_start3A_162, %dma_start3A_163] : memref<512x128xf32, #tpu.memory_space<vmem>> -> memref<128x128xf32, #tpu.memory_space<vmem>>
    %dma_start3A_165 = arith.constant 0 : i32
    %dma_start3A_166 = tpu.memref_slice %arg11[%dma_start3A_161, %dma_start3A_165] : memref<104x128xi32, #tpu.memory_space<vmem>> -> memref<1x128xi32, #tpu.memory_space<vmem>>
    %dma_start3A_167 = tpu.memref_squeeze %dma_start3A_166 : memref<1x128xi32, #tpu.memory_space<vmem>> -> memref<128xi32, #tpu.memory_space<vmem>>
    %dma_start3A_168 = arith.constant 0 : i32
    %dma_start3A_169 = arith.constant 0 : i32
    %dma_start3A_170 = tpu.memref_slice %arg14[%dma_start3A_168, %dma_start3A_169] : memref<4096x128xf32, #tpu.memory_space<vmem_shared>> -> memref<4096x128xf32, #tpu.memory_space<vmem_shared>>
    tpu.enqueue_indirect_dma source(%dma_start3A_164 : memref<128x128xf32, #tpu.memory_space<vmem>>) target(%dma_start3A_170 : memref<4096x128xf32, #tpu.memory_space<vmem_shared>>) offsets(%dma_start3A_167 : memref<128xi32, #tpu.memory_space<vmem>>) semaphore(%arg20 : memref<!tpu.dma_semaphore, #tpu.memory_space<semaphore_mem>>) {add = true}
    %dma_start3A_171 = arith.constant 3 : i32
    %dma_start3A_172 = arith.constant 384 : i32
    %dma_start3A_173 = arith.constant 0 : i32
    %dma_start3A_174 = tpu.memref_slice %arg13[%dma_start3A_172, %dma_start3A_173] : memref<512x128xf32, #tpu.memory_space<vmem>> -> memref<128x128xf32, #tpu.memory_space<vmem>>
    %dma_start3A_175 = arith.constant 0 : i32
    %dma_start3A_176 = tpu.memref_slice %arg10[%dma_start3A_171, %dma_start3A_175] : memref<104x128xi32, #tpu.memory_space<vmem>> -> memref<1x128xi32, #tpu.memory_space<vmem>>
    %dma_start3A_177 = tpu.memref_squeeze %dma_start3A_176 : memref<1x128xi32, #tpu.memory_space<vmem>> -> memref<128xi32, #tpu.memory_space<vmem>>
    %dma_start3A_178 = arith.constant 0 : i32
    %dma_start3A_179 = arith.constant 0 : i32
    %dma_start3A_180 = tpu.memref_slice %arg7[%dma_start3A_178, %dma_start3A_179] : memref<100000x128xf32, #tpu.memory_space<hbm>> -> memref<100000x128xf32, #tpu.memory_space<hbm>>
    tpu.enqueue_indirect_dma source(%dma_start3A_180 : memref<100000x128xf32, #tpu.memory_space<hbm>>) target(%dma_start3A_174 : memref<128x128xf32, #tpu.memory_space<vmem>>) offsets(%dma_start3A_177 : memref<128xi32, #tpu.memory_space<vmem>>) semaphore(%arg18 : memref<!tpu.dma_semaphore, #tpu.memory_space<semaphore_mem>>)
    %dma_wait3A_181 = arith.constant 0 : i32
    %dma_wait3A_182 = arith.constant 256 : i32
    %dma_wait3A_183 = arith.constant 0 : i32
    %dma_wait3A_184 = tpu.memref_slice %arg13[%dma_wait3A_182, %dma_wait3A_183] : memref<512x128xf32, #tpu.memory_space<vmem>> -> memref<128x128xf32, #tpu.memory_space<vmem>>
    %dma_wait3A_185 = arith.constant 0 : i32
    %dma_wait3A_186 = tpu.memref_slice %arg10[%dma_wait3A_181, %dma_wait3A_185] : memref<104x128xi32, #tpu.memory_space<vmem>> -> memref<1x128xi32, #tpu.memory_space<vmem>>
    %dma_wait3A_187 = tpu.memref_squeeze %dma_wait3A_186 : memref<1x128xi32, #tpu.memory_space<vmem>> -> memref<128xi32, #tpu.memory_space<vmem>>
    %dma_wait3A_188 = arith.constant 0 : i32
    %dma_wait3A_189 = arith.constant 0 : i32
    %dma_wait3A_190 = tpu.memref_slice %arg7[%dma_wait3A_188, %dma_wait3A_189] : memref<100000x128xf32, #tpu.memory_space<hbm>> -> memref<100000x128xf32, #tpu.memory_space<hbm>>
    tpu.wait_indirect_dma semaphore(%arg17 : memref<!tpu.dma_semaphore, #tpu.memory_space<semaphore_mem>>) src(%dma_wait3A_190 : memref<100000x128xf32, #tpu.memory_space<hbm>>) dst(%dma_wait3A_184 : memref<128x128xf32, #tpu.memory_space<vmem>>)
    %dma_start3A_191 = arith.constant 2 : i32
    %dma_start3A_192 = arith.constant 256 : i32
    %dma_start3A_193 = arith.constant 0 : i32
    %dma_start3A_194 = tpu.memref_slice %arg13[%dma_start3A_192, %dma_start3A_193] : memref<512x128xf32, #tpu.memory_space<vmem>> -> memref<128x128xf32, #tpu.memory_space<vmem>>
    %dma_start3A_195 = arith.constant 0 : i32
    %dma_start3A_196 = tpu.memref_slice %arg11[%dma_start3A_191, %dma_start3A_195] : memref<104x128xi32, #tpu.memory_space<vmem>> -> memref<1x128xi32, #tpu.memory_space<vmem>>
    %dma_start3A_197 = tpu.memref_squeeze %dma_start3A_196 : memref<1x128xi32, #tpu.memory_space<vmem>> -> memref<128xi32, #tpu.memory_space<vmem>>
    %dma_start3A_198 = arith.constant 0 : i32
    %dma_start3A_199 = arith.constant 0 : i32
    %dma_start3A_200 = tpu.memref_slice %arg14[%dma_start3A_198, %dma_start3A_199] : memref<4096x128xf32, #tpu.memory_space<vmem_shared>> -> memref<4096x128xf32, #tpu.memory_space<vmem_shared>>
    tpu.enqueue_indirect_dma source(%dma_start3A_194 : memref<128x128xf32, #tpu.memory_space<vmem>>) target(%dma_start3A_200 : memref<4096x128xf32, #tpu.memory_space<vmem_shared>>) offsets(%dma_start3A_197 : memref<128xi32, #tpu.memory_space<vmem>>) semaphore(%arg21 : memref<!tpu.dma_semaphore, #tpu.memory_space<semaphore_mem>>) {add = true}
    %dma_wait3A_201 = arith.constant 0 : i32
    %dma_wait3A_202 = arith.constant 0 : i32
    %dma_wait3A_203 = arith.constant 0 : i32
    %dma_wait3A_204 = tpu.memref_slice %arg13[%dma_wait3A_202, %dma_wait3A_203] : memref<512x128xf32, #tpu.memory_space<vmem>> -> memref<128x128xf32, #tpu.memory_space<vmem>>
    %dma_wait3A_205 = arith.constant 0 : i32
    %dma_wait3A_206 = tpu.memref_slice %arg10[%dma_wait3A_201, %dma_wait3A_205] : memref<104x128xi32, #tpu.memory_space<vmem>> -> memref<1x128xi32, #tpu.memory_space<vmem>>
    %dma_wait3A_207 = tpu.memref_squeeze %dma_wait3A_206 : memref<1x128xi32, #tpu.memory_space<vmem>> -> memref<128xi32, #tpu.memory_space<vmem>>
    %dma_wait3A_208 = arith.constant 0 : i32
    %dma_wait3A_209 = arith.constant 0 : i32
    %dma_wait3A_210 = tpu.memref_slice %arg7[%dma_wait3A_208, %dma_wait3A_209] : memref<100000x128xf32, #tpu.memory_space<hbm>> -> memref<100000x128xf32, #tpu.memory_space<hbm>>
    tpu.wait_indirect_dma semaphore(%arg19 : memref<!tpu.dma_semaphore, #tpu.memory_space<semaphore_mem>>) src(%dma_wait3A_210 : memref<100000x128xf32, #tpu.memory_space<hbm>>) dst(%dma_wait3A_204 : memref<128x128xf32, #tpu.memory_space<vmem>>)
    %dma_start3A_211 = arith.constant 4 : i32
    %dma_start3A_212 = arith.constant 0 : i32
    %dma_start3A_213 = arith.constant 0 : i32
    %dma_start3A_214 = tpu.memref_slice %arg13[%dma_start3A_212, %dma_start3A_213] : memref<512x128xf32, #tpu.memory_space<vmem>> -> memref<128x128xf32, #tpu.memory_space<vmem>>
    %dma_start3A_215 = arith.constant 0 : i32
    %dma_start3A_216 = tpu.memref_slice %arg10[%dma_start3A_211, %dma_start3A_215] : memref<104x128xi32, #tpu.memory_space<vmem>> -> memref<1x128xi32, #tpu.memory_space<vmem>>
    %dma_start3A_217 = tpu.memref_squeeze %dma_start3A_216 : memref<1x128xi32, #tpu.memory_space<vmem>> -> memref<128xi32, #tpu.memory_space<vmem>>
    %dma_start3A_218 = arith.constant 0 : i32
    %dma_start3A_219 = arith.constant 0 : i32
    %dma_start3A_220 = tpu.memref_slice %arg7[%dma_start3A_218, %dma_start3A_219] : memref<100000x128xf32, #tpu.memory_space<hbm>> -> memref<100000x128xf32, #tpu.memory_space<hbm>>
    tpu.enqueue_indirect_dma source(%dma_start3A_220 : memref<100000x128xf32, #tpu.memory_space<hbm>>) target(%dma_start3A_214 : memref<128x128xf32, #tpu.memory_space<vmem>>) offsets(%dma_start3A_217 : memref<128xi32, #tpu.memory_space<vmem>>) semaphore(%arg15 : memref<!tpu.dma_semaphore, #tpu.memory_space<semaphore_mem>>)
    %dma_wait3A_221 = arith.constant 0 : i32
    %dma_wait3A_222 = arith.constant 384 : i32
    %dma_wait3A_223 = arith.constant 0 : i32
    %dma_wait3A_224 = tpu.memref_slice %arg13[%dma_wait3A_222, %dma_wait3A_223] : memref<512x128xf32, #tpu.memory_space<vmem>> -> memref<128x128xf32, #tpu.memory_space<vmem>>
    %dma_wait3A_225 = arith.constant 0 : i32
    %dma_wait3A_226 = tpu.memref_slice %arg10[%dma_wait3A_221, %dma_wait3A_225] : memref<104x128xi32, #tpu.memory_space<vmem>> -> memref<1x128xi32, #tpu.memory_space<vmem>>
    %dma_wait3A_227 = tpu.memref_squeeze %dma_wait3A_226 : memref<1x128xi32, #tpu.memory_space<vmem>> -> memref<128xi32, #tpu.memory_space<vmem>>
    %dma_wait3A_228 = arith.constant 0 : i32
    %dma_wait3A_229 = arith.constant 0 : i32
    %dma_wait3A_230 = tpu.memref_slice %arg7[%dma_wait3A_228, %dma_wait3A_229] : memref<100000x128xf32, #tpu.memory_space<hbm>> -> memref<100000x128xf32, #tpu.memory_space<hbm>>
    tpu.wait_indirect_dma semaphore(%arg18 : memref<!tpu.dma_semaphore, #tpu.memory_space<semaphore_mem>>) src(%dma_wait3A_230 : memref<100000x128xf32, #tpu.memory_space<hbm>>) dst(%dma_wait3A_224 : memref<128x128xf32, #tpu.memory_space<vmem>>)
    %dma_start3A_231 = arith.constant 3 : i32
    %dma_start3A_232 = arith.constant 384 : i32
    %dma_start3A_233 = arith.constant 0 : i32
    %dma_start3A_234 = tpu.memref_slice %arg13[%dma_start3A_232, %dma_start3A_233] : memref<512x128xf32, #tpu.memory_space<vmem>> -> memref<128x128xf32, #tpu.memory_space<vmem>>
    %dma_start3A_235 = arith.constant 0 : i32
    %dma_start3A_236 = tpu.memref_slice %arg11[%dma_start3A_231, %dma_start3A_235] : memref<104x128xi32, #tpu.memory_space<vmem>> -> memref<1x128xi32, #tpu.memory_space<vmem>>
    %dma_start3A_237 = tpu.memref_squeeze %dma_start3A_236 : memref<1x128xi32, #tpu.memory_space<vmem>> -> memref<128xi32, #tpu.memory_space<vmem>>
    %dma_start3A_238 = arith.constant 0 : i32
    %dma_start3A_239 = arith.constant 0 : i32
    %dma_start3A_240 = tpu.memref_slice %arg14[%dma_start3A_238, %dma_start3A_239] : memref<4096x128xf32, #tpu.memory_space<vmem_shared>> -> memref<4096x128xf32, #tpu.memory_space<vmem_shared>>
    tpu.enqueue_indirect_dma source(%dma_start3A_234 : memref<128x128xf32, #tpu.memory_space<vmem>>) target(%dma_start3A_240 : memref<4096x128xf32, #tpu.memory_space<vmem_shared>>) offsets(%dma_start3A_237 : memref<128xi32, #tpu.memory_space<vmem>>) semaphore(%arg22 : memref<!tpu.dma_semaphore, #tpu.memory_space<semaphore_mem>>) {add = true}
    %dma_wait3A_241 = arith.constant 0 : i32
    %dma_wait3A_242 = arith.constant 128 : i32
    %dma_wait3A_243 = arith.constant 0 : i32
    %dma_wait3A_244 = tpu.memref_slice %arg13[%dma_wait3A_242, %dma_wait3A_243] : memref<512x128xf32, #tpu.memory_space<vmem>> -> memref<128x128xf32, #tpu.memory_space<vmem>>
    %dma_wait3A_245 = arith.constant 0 : i32
    %dma_wait3A_246 = tpu.memref_slice %arg10[%dma_wait3A_241, %dma_wait3A_245] : memref<104x128xi32, #tpu.memory_space<vmem>> -> memref<1x128xi32, #tpu.memory_space<vmem>>
    %dma_wait3A_247 = tpu.memref_squeeze %dma_wait3A_246 : memref<1x128xi32, #tpu.memory_space<vmem>> -> memref<128xi32, #tpu.memory_space<vmem>>
    %dma_wait3A_248 = arith.constant 0 : i32
    %dma_wait3A_249 = arith.constant 0 : i32
    %dma_wait3A_250 = tpu.memref_slice %arg7[%dma_wait3A_248, %dma_wait3A_249] : memref<100000x128xf32, #tpu.memory_space<hbm>> -> memref<100000x128xf32, #tpu.memory_space<hbm>>
    tpu.wait_indirect_dma semaphore(%arg20 : memref<!tpu.dma_semaphore, #tpu.memory_space<semaphore_mem>>) src(%dma_wait3A_250 : memref<100000x128xf32, #tpu.memory_space<hbm>>) dst(%dma_wait3A_244 : memref<128x128xf32, #tpu.memory_space<vmem>>)
    %dma_start3A_251 = arith.constant 5 : i32
    %dma_start3A_252 = arith.constant 128 : i32
    %dma_start3A_253 = arith.constant 0 : i32
    %dma_start3A_254 = tpu.memref_slice %arg13[%dma_start3A_252, %dma_start3A_253] : memref<512x128xf32, #tpu.memory_space<vmem>> -> memref<128x128xf32, #tpu.memory_space<vmem>>
    %dma_start3A_255 = arith.constant 0 : i32
    %dma_start3A_256 = tpu.memref_slice %arg10[%dma_start3A_251, %dma_start3A_255] : memref<104x128xi32, #tpu.memory_space<vmem>> -> memref<1x128xi32, #tpu.memory_space<vmem>>
    %dma_start3A_257 = tpu.memref_squeeze %dma_start3A_256 : memref<1x128xi32, #tpu.memory_space<vmem>> -> memref<128xi32, #tpu.memory_space<vmem>>
    %dma_start3A_258 = arith.constant 0 : i32
    %dma_start3A_259 = arith.constant 0 : i32
    %dma_start3A_260 = tpu.memref_slice %arg7[%dma_start3A_258, %dma_start3A_259] : memref<100000x128xf32, #tpu.memory_space<hbm>> -> memref<100000x128xf32, #tpu.memory_space<hbm>>
    tpu.enqueue_indirect_dma source(%dma_start3A_260 : memref<100000x128xf32, #tpu.memory_space<hbm>>) target(%dma_start3A_254 : memref<128x128xf32, #tpu.memory_space<vmem>>) offsets(%dma_start3A_257 : memref<128xi32, #tpu.memory_space<vmem>>) semaphore(%arg16 : memref<!tpu.dma_semaphore, #tpu.memory_space<semaphore_mem>>)
    %scan3A = arith.constant 0 : i32
    %scan3A_261 = arith.constant 1 : i32
    %scan3A_262 = arith.constant 23 : i32
    %scan3A_263 = arith.addi %scan3A_261, %scan3A_262 : i32
    %scan3A_264 = arith.constant 1 : i32
    scf.for %scan3A_764 = %scan3A_261 to %scan3A_263 step %scan3A_264  : i32 {
      %mul3A_765 = arith.constant 4 : i32
      %mul3A_766 = arith.muli %mul3A_765, %scan3A_764 : i32
      %dma_wait3A_767 = arith.constant 0 : i32
      %dma_wait3A_768 = arith.constant 0 : i32
      %dma_wait3A_769 = arith.constant 0 : i32
      %dma_wait3A_770 = tpu.memref_slice %arg13[%dma_wait3A_768, %dma_wait3A_769] : memref<512x128xf32, #tpu.memory_space<vmem>> -> memref<128x128xf32, #tpu.memory_space<vmem>>
      %dma_wait3A_771 = arith.constant 0 : i32
      %dma_wait3A_772 = tpu.memref_slice %arg10[%dma_wait3A_767, %dma_wait3A_771] : memref<104x128xi32, #tpu.memory_space<vmem>> -> memref<1x128xi32, #tpu.memory_space<vmem>>
      %dma_wait3A_773 = tpu.memref_squeeze %dma_wait3A_772 : memref<1x128xi32, #tpu.memory_space<vmem>> -> memref<128xi32, #tpu.memory_space<vmem>>
      %dma_wait3A_774 = arith.constant 0 : i32
      %dma_wait3A_775 = arith.constant 0 : i32
      %dma_wait3A_776 = tpu.memref_slice %arg7[%dma_wait3A_774, %dma_wait3A_775] : memref<100000x128xf32, #tpu.memory_space<hbm>> -> memref<100000x128xf32, #tpu.memory_space<hbm>>
      tpu.wait_indirect_dma semaphore(%arg15 : memref<!tpu.dma_semaphore, #tpu.memory_space<semaphore_mem>>) src(%dma_wait3A_776 : memref<100000x128xf32, #tpu.memory_space<hbm>>) dst(%dma_wait3A_770 : memref<128x128xf32, #tpu.memory_space<vmem>>)
      %add3A_777 = arith.constant 0 : i32
      %add3A_778 = arith.addi %mul3A_766, %add3A_777 : i32
      %dma_start3A_779 = arith.constant 0 : i32
      %dma_start3A_780 = arith.constant 0 : i32
      %dma_start3A_781 = tpu.memref_slice %arg13[%dma_start3A_779, %dma_start3A_780] : memref<512x128xf32, #tpu.memory_space<vmem>> -> memref<128x128xf32, #tpu.memory_space<vmem>>
      %dma_start3A_782 = arith.constant 0 : i32
      %dma_start3A_783 = tpu.memref_slice %arg11[%add3A_778, %dma_start3A_782] : memref<104x128xi32, #tpu.memory_space<vmem>> -> memref<1x128xi32, #tpu.memory_space<vmem>>
      %dma_start3A_784 = tpu.memref_squeeze %dma_start3A_783 : memref<1x128xi32, #tpu.memory_space<vmem>> -> memref<128xi32, #tpu.memory_space<vmem>>
      %dma_start3A_785 = arith.constant 0 : i32
      %dma_start3A_786 = arith.constant 0 : i32
      %dma_start3A_787 = tpu.memref_slice %arg14[%dma_start3A_785, %dma_start3A_786] : memref<4096x128xf32, #tpu.memory_space<vmem_shared>> -> memref<4096x128xf32, #tpu.memory_space<vmem_shared>>
      tpu.enqueue_indirect_dma source(%dma_start3A_781 : memref<128x128xf32, #tpu.memory_space<vmem>>) target(%dma_start3A_787 : memref<4096x128xf32, #tpu.memory_space<vmem_shared>>) offsets(%dma_start3A_784 : memref<128xi32, #tpu.memory_space<vmem>>) semaphore(%arg19 : memref<!tpu.dma_semaphore, #tpu.memory_space<semaphore_mem>>) {add = true}
      %dma_wait3A_788 = arith.constant 0 : i32
      %dma_wait3A_789 = arith.constant 256 : i32
      %dma_wait3A_790 = arith.constant 0 : i32
      %dma_wait3A_791 = tpu.memref_slice %arg13[%dma_wait3A_789, %dma_wait3A_790] : memref<512x128xf32, #tpu.memory_space<vmem>> -> memref<128x128xf32, #tpu.memory_space<vmem>>
      %dma_wait3A_792 = arith.constant 0 : i32
      %dma_wait3A_793 = tpu.memref_slice %arg10[%dma_wait3A_788, %dma_wait3A_792] : memref<104x128xi32, #tpu.memory_space<vmem>> -> memref<1x128xi32, #tpu.memory_space<vmem>>
      %dma_wait3A_794 = tpu.memref_squeeze %dma_wait3A_793 : memref<1x128xi32, #tpu.memory_space<vmem>> -> memref<128xi32, #tpu.memory_space<vmem>>
      %dma_wait3A_795 = arith.constant 0 : i32
      %dma_wait3A_796 = arith.constant 0 : i32
      %dma_wait3A_797 = tpu.memref_slice %arg7[%dma_wait3A_795, %dma_wait3A_796] : memref<100000x128xf32, #tpu.memory_space<hbm>> -> memref<100000x128xf32, #tpu.memory_space<hbm>>
      tpu.wait_indirect_dma semaphore(%arg21 : memref<!tpu.dma_semaphore, #tpu.memory_space<semaphore_mem>>) src(%dma_wait3A_797 : memref<100000x128xf32, #tpu.memory_space<hbm>>) dst(%dma_wait3A_791 : memref<128x128xf32, #tpu.memory_space<vmem>>)
      %add3A_798 = arith.constant 2 : i32
      %add3A_799 = arith.addi %mul3A_766, %add3A_798 : i32
      %add3A_800 = arith.constant 0 : i32
      %add3A_801 = arith.addi %add3A_799, %add3A_800 : i32
      %dma_start3A_802 = arith.constant 256 : i32
      %dma_start3A_803 = arith.constant 0 : i32
      %dma_start3A_804 = tpu.memref_slice %arg13[%dma_start3A_802, %dma_start3A_803] : memref<512x128xf32, #tpu.memory_space<vmem>> -> memref<128x128xf32, #tpu.memory_space<vmem>>
      %dma_start3A_805 = arith.constant 0 : i32
      %dma_start3A_806 = tpu.memref_slice %arg10[%add3A_801, %dma_start3A_805] : memref<104x128xi32, #tpu.memory_space<vmem>> -> memref<1x128xi32, #tpu.memory_space<vmem>>
      %dma_start3A_807 = tpu.memref_squeeze %dma_start3A_806 : memref<1x128xi32, #tpu.memory_space<vmem>> -> memref<128xi32, #tpu.memory_space<vmem>>
      %dma_start3A_808 = arith.constant 0 : i32
      %dma_start3A_809 = arith.constant 0 : i32
      %dma_start3A_810 = tpu.memref_slice %arg7[%dma_start3A_808, %dma_start3A_809] : memref<100000x128xf32, #tpu.memory_space<hbm>> -> memref<100000x128xf32, #tpu.memory_space<hbm>>
      tpu.enqueue_indirect_dma source(%dma_start3A_810 : memref<100000x128xf32, #tpu.memory_space<hbm>>) target(%dma_start3A_804 : memref<128x128xf32, #tpu.memory_space<vmem>>) offsets(%dma_start3A_807 : memref<128xi32, #tpu.memory_space<vmem>>) semaphore(%arg17 : memref<!tpu.dma_semaphore, #tpu.memory_space<semaphore_mem>>)
      %dma_wait3A_811 = arith.constant 0 : i32
      %dma_wait3A_812 = arith.constant 128 : i32
      %dma_wait3A_813 = arith.constant 0 : i32
      %dma_wait3A_814 = tpu.memref_slice %arg13[%dma_wait3A_812, %dma_wait3A_813] : memref<512x128xf32, #tpu.memory_space<vmem>> -> memref<128x128xf32, #tpu.memory_space<vmem>>
      %dma_wait3A_815 = arith.constant 0 : i32
      %dma_wait3A_816 = tpu.memref_slice %arg10[%dma_wait3A_811, %dma_wait3A_815] : memref<104x128xi32, #tpu.memory_space<vmem>> -> memref<1x128xi32, #tpu.memory_space<vmem>>
      %dma_wait3A_817 = tpu.memref_squeeze %dma_wait3A_816 : memref<1x128xi32, #tpu.memory_space<vmem>> -> memref<128xi32, #tpu.memory_space<vmem>>
      %dma_wait3A_818 = arith.constant 0 : i32
      %dma_wait3A_819 = arith.constant 0 : i32
      %dma_wait3A_820 = tpu.memref_slice %arg7[%dma_wait3A_818, %dma_wait3A_819] : memref<100000x128xf32, #tpu.memory_space<hbm>> -> memref<100000x128xf32, #tpu.memory_space<hbm>>
      tpu.wait_indirect_dma semaphore(%arg16 : memref<!tpu.dma_semaphore, #tpu.memory_space<semaphore_mem>>) src(%dma_wait3A_820 : memref<100000x128xf32, #tpu.memory_space<hbm>>) dst(%dma_wait3A_814 : memref<128x128xf32, #tpu.memory_space<vmem>>)
      %add3A_821 = arith.constant 1 : i32
      %add3A_822 = arith.addi %mul3A_766, %add3A_821 : i32
      %add3A_823 = arith.constant 0 : i32
      %add3A_824 = arith.addi %add3A_822, %add3A_823 : i32
      %dma_start3A_825 = arith.constant 128 : i32
      %dma_start3A_826 = arith.constant 0 : i32
      %dma_start3A_827 = tpu.memref_slice %arg13[%dma_start3A_825, %dma_start3A_826] : memref<512x128xf32, #tpu.memory_space<vmem>> -> memref<128x128xf32, #tpu.memory_space<vmem>>
      %dma_start3A_828 = arith.constant 0 : i32
      %dma_start3A_829 = tpu.memref_slice %arg11[%add3A_824, %dma_start3A_828] : memref<104x128xi32, #tpu.memory_space<vmem>> -> memref<1x128xi32, #tpu.memory_space<vmem>>
      %dma_start3A_830 = tpu.memref_squeeze %dma_start3A_829 : memref<1x128xi32, #tpu.memory_space<vmem>> -> memref<128xi32, #tpu.memory_space<vmem>>
      %dma_start3A_831 = arith.constant 0 : i32
      %dma_start3A_832 = arith.constant 0 : i32
      %dma_start3A_833 = tpu.memref_slice %arg14[%dma_start3A_831, %dma_start3A_832] : memref<4096x128xf32, #tpu.memory_space<vmem_shared>> -> memref<4096x128xf32, #tpu.memory_space<vmem_shared>>
      tpu.enqueue_indirect_dma source(%dma_start3A_827 : memref<128x128xf32, #tpu.memory_space<vmem>>) target(%dma_start3A_833 : memref<4096x128xf32, #tpu.memory_space<vmem_shared>>) offsets(%dma_start3A_830 : memref<128xi32, #tpu.memory_space<vmem>>) semaphore(%arg20 : memref<!tpu.dma_semaphore, #tpu.memory_space<semaphore_mem>>) {add = true}
      %dma_wait3A_834 = arith.constant 0 : i32
      %dma_wait3A_835 = arith.constant 384 : i32
      %dma_wait3A_836 = arith.constant 0 : i32
      %dma_wait3A_837 = tpu.memref_slice %arg13[%dma_wait3A_835, %dma_wait3A_836] : memref<512x128xf32, #tpu.memory_space<vmem>> -> memref<128x128xf32, #tpu.memory_space<vmem>>
      %dma_wait3A_838 = arith.constant 0 : i32
      %dma_wait3A_839 = tpu.memref_slice %arg10[%dma_wait3A_834, %dma_wait3A_838] : memref<104x128xi32, #tpu.memory_space<vmem>> -> memref<1x128xi32, #tpu.memory_space<vmem>>
      %dma_wait3A_840 = tpu.memref_squeeze %dma_wait3A_839 : memref<1x128xi32, #tpu.memory_space<vmem>> -> memref<128xi32, #tpu.memory_space<vmem>>
      %dma_wait3A_841 = arith.constant 0 : i32
      %dma_wait3A_842 = arith.constant 0 : i32
      %dma_wait3A_843 = tpu.memref_slice %arg7[%dma_wait3A_841, %dma_wait3A_842] : memref<100000x128xf32, #tpu.memory_space<hbm>> -> memref<100000x128xf32, #tpu.memory_space<hbm>>
      tpu.wait_indirect_dma semaphore(%arg22 : memref<!tpu.dma_semaphore, #tpu.memory_space<semaphore_mem>>) src(%dma_wait3A_843 : memref<100000x128xf32, #tpu.memory_space<hbm>>) dst(%dma_wait3A_837 : memref<128x128xf32, #tpu.memory_space<vmem>>)
      %add3A_844 = arith.constant 3 : i32
      %add3A_845 = arith.addi %mul3A_766, %add3A_844 : i32
      %add3A_846 = arith.constant 0 : i32
      %add3A_847 = arith.addi %add3A_845, %add3A_846 : i32
      %dma_start3A_848 = arith.constant 384 : i32
      %dma_start3A_849 = arith.constant 0 : i32
      %dma_start3A_850 = tpu.memref_slice %arg13[%dma_start3A_848, %dma_start3A_849] : memref<512x128xf32, #tpu.memory_space<vmem>> -> memref<128x128xf32, #tpu.memory_space<vmem>>
      %dma_start3A_851 = arith.constant 0 : i32
      %dma_start3A_852 = tpu.memref_slice %arg10[%add3A_847, %dma_start3A_851] : memref<104x128xi32, #tpu.memory_space<vmem>> -> memref<1x128xi32, #tpu.memory_space<vmem>>
      %dma_start3A_853 = tpu.memref_squeeze %dma_start3A_852 : memref<1x128xi32, #tpu.memory_space<vmem>> -> memref<128xi32, #tpu.memory_space<vmem>>
      %dma_start3A_854 = arith.constant 0 : i32
      %dma_start3A_855 = arith.constant 0 : i32
      %dma_start3A_856 = tpu.memref_slice %arg7[%dma_start3A_854, %dma_start3A_855] : memref<100000x128xf32, #tpu.memory_space<hbm>> -> memref<100000x128xf32, #tpu.memory_space<hbm>>
      tpu.enqueue_indirect_dma source(%dma_start3A_856 : memref<100000x128xf32, #tpu.memory_space<hbm>>) target(%dma_start3A_850 : memref<128x128xf32, #tpu.memory_space<vmem>>) offsets(%dma_start3A_853 : memref<128xi32, #tpu.memory_space<vmem>>) semaphore(%arg18 : memref<!tpu.dma_semaphore, #tpu.memory_space<semaphore_mem>>)
      %dma_wait3A_857 = arith.constant 0 : i32
      %dma_wait3A_858 = arith.constant 256 : i32
      %dma_wait3A_859 = arith.constant 0 : i32
      %dma_wait3A_860 = tpu.memref_slice %arg13[%dma_wait3A_858, %dma_wait3A_859] : memref<512x128xf32, #tpu.memory_space<vmem>> -> memref<128x128xf32, #tpu.memory_space<vmem>>
      %dma_wait3A_861 = arith.constant 0 : i32
      %dma_wait3A_862 = tpu.memref_slice %arg10[%dma_wait3A_857, %dma_wait3A_861] : memref<104x128xi32, #tpu.memory_space<vmem>> -> memref<1x128xi32, #tpu.memory_space<vmem>>
      %dma_wait3A_863 = tpu.memref_squeeze %dma_wait3A_862 : memref<1x128xi32, #tpu.memory_space<vmem>> -> memref<128xi32, #tpu.memory_space<vmem>>
      %dma_wait3A_864 = arith.constant 0 : i32
      %dma_wait3A_865 = arith.constant 0 : i32
      %dma_wait3A_866 = tpu.memref_slice %arg7[%dma_wait3A_864, %dma_wait3A_865] : memref<100000x128xf32, #tpu.memory_space<hbm>> -> memref<100000x128xf32, #tpu.memory_space<hbm>>
      tpu.wait_indirect_dma semaphore(%arg17 : memref<!tpu.dma_semaphore, #tpu.memory_space<semaphore_mem>>) src(%dma_wait3A_866 : memref<100000x128xf32, #tpu.memory_space<hbm>>) dst(%dma_wait3A_860 : memref<128x128xf32, #tpu.memory_space<vmem>>)
      %add3A_867 = arith.constant 2 : i32
      %add3A_868 = arith.addi %mul3A_766, %add3A_867 : i32
      %add3A_869 = arith.constant 0 : i32
      %add3A_870 = arith.addi %add3A_868, %add3A_869 : i32
      %dma_start3A_871 = arith.constant 256 : i32
      %dma_start3A_872 = arith.constant 0 : i32
      %dma_start3A_873 = tpu.memref_slice %arg13[%dma_start3A_871, %dma_start3A_872] : memref<512x128xf32, #tpu.memory_space<vmem>> -> memref<128x128xf32, #tpu.memory_space<vmem>>
      %dma_start3A_874 = arith.constant 0 : i32
      %dma_start3A_875 = tpu.memref_slice %arg11[%add3A_870, %dma_start3A_874] : memref<104x128xi32, #tpu.memory_space<vmem>> -> memref<1x128xi32, #tpu.memory_space<vmem>>
      %dma_start3A_876 = tpu.memref_squeeze %dma_start3A_875 : memref<1x128xi32, #tpu.memory_space<vmem>> -> memref<128xi32, #tpu.memory_space<vmem>>
      %dma_start3A_877 = arith.constant 0 : i32
      %dma_start3A_878 = arith.constant 0 : i32
      %dma_start3A_879 = tpu.memref_slice %arg14[%dma_start3A_877, %dma_start3A_878] : memref<4096x128xf32, #tpu.memory_space<vmem_shared>> -> memref<4096x128xf32, #tpu.memory_space<vmem_shared>>
      tpu.enqueue_indirect_dma source(%dma_start3A_873 : memref<128x128xf32, #tpu.memory_space<vmem>>) target(%dma_start3A_879 : memref<4096x128xf32, #tpu.memory_space<vmem_shared>>) offsets(%dma_start3A_876 : memref<128xi32, #tpu.memory_space<vmem>>) semaphore(%arg21 : memref<!tpu.dma_semaphore, #tpu.memory_space<semaphore_mem>>) {add = true}
      %dma_wait3A_880 = arith.constant 0 : i32
      %dma_wait3A_881 = arith.constant 0 : i32
      %dma_wait3A_882 = arith.constant 0 : i32
      %dma_wait3A_883 = tpu.memref_slice %arg13[%dma_wait3A_881, %dma_wait3A_882] : memref<512x128xf32, #tpu.memory_space<vmem>> -> memref<128x128xf32, #tpu.memory_space<vmem>>
      %dma_wait3A_884 = arith.constant 0 : i32
      %dma_wait3A_885 = tpu.memref_slice %arg10[%dma_wait3A_880, %dma_wait3A_884] : memref<104x128xi32, #tpu.memory_space<vmem>> -> memref<1x128xi32, #tpu.memory_space<vmem>>
      %dma_wait3A_886 = tpu.memref_squeeze %dma_wait3A_885 : memref<1x128xi32, #tpu.memory_space<vmem>> -> memref<128xi32, #tpu.memory_space<vmem>>
      %dma_wait3A_887 = arith.constant 0 : i32
      %dma_wait3A_888 = arith.constant 0 : i32
      %dma_wait3A_889 = tpu.memref_slice %arg7[%dma_wait3A_887, %dma_wait3A_888] : memref<100000x128xf32, #tpu.memory_space<hbm>> -> memref<100000x128xf32, #tpu.memory_space<hbm>>
      tpu.wait_indirect_dma semaphore(%arg19 : memref<!tpu.dma_semaphore, #tpu.memory_space<semaphore_mem>>) src(%dma_wait3A_889 : memref<100000x128xf32, #tpu.memory_space<hbm>>) dst(%dma_wait3A_883 : memref<128x128xf32, #tpu.memory_space<vmem>>)
      %add3A_890 = arith.constant 4 : i32
      %add3A_891 = arith.addi %mul3A_766, %add3A_890 : i32
      %add3A_892 = arith.constant 0 : i32
      %add3A_893 = arith.addi %add3A_891, %add3A_892 : i32
      %dma_start3A_894 = arith.constant 0 : i32
      %dma_start3A_895 = arith.constant 0 : i32
      %dma_start3A_896 = tpu.memref_slice %arg13[%dma_start3A_894, %dma_start3A_895] : memref<512x128xf32, #tpu.memory_space<vmem>> -> memref<128x128xf32, #tpu.memory_space<vmem>>
      %dma_start3A_897 = arith.constant 0 : i32
      %dma_start3A_898 = tpu.memref_slice %arg10[%add3A_893, %dma_start3A_897] : memref<104x128xi32, #tpu.memory_space<vmem>> -> memref<1x128xi32, #tpu.memory_space<vmem>>
      %dma_start3A_899 = tpu.memref_squeeze %dma_start3A_898 : memref<1x128xi32, #tpu.memory_space<vmem>> -> memref<128xi32, #tpu.memory_space<vmem>>
      %dma_start3A_900 = arith.constant 0 : i32
      %dma_start3A_901 = arith.constant 0 : i32
      %dma_start3A_902 = tpu.memref_slice %arg7[%dma_start3A_900, %dma_start3A_901] : memref<100000x128xf32, #tpu.memory_space<hbm>> -> memref<100000x128xf32, #tpu.memory_space<hbm>>
      tpu.enqueue_indirect_dma source(%dma_start3A_902 : memref<100000x128xf32, #tpu.memory_space<hbm>>) target(%dma_start3A_896 : memref<128x128xf32, #tpu.memory_space<vmem>>) offsets(%dma_start3A_899 : memref<128xi32, #tpu.memory_space<vmem>>) semaphore(%arg15 : memref<!tpu.dma_semaphore, #tpu.memory_space<semaphore_mem>>)
      %dma_wait3A_903 = arith.constant 0 : i32
      %dma_wait3A_904 = arith.constant 384 : i32
      %dma_wait3A_905 = arith.constant 0 : i32
      %dma_wait3A_906 = tpu.memref_slice %arg13[%dma_wait3A_904, %dma_wait3A_905] : memref<512x128xf32, #tpu.memory_space<vmem>> -> memref<128x128xf32, #tpu.memory_space<vmem>>
      %dma_wait3A_907 = arith.constant 0 : i32
      %dma_wait3A_908 = tpu.memref_slice %arg10[%dma_wait3A_903, %dma_wait3A_907] : memref<104x128xi32, #tpu.memory_space<vmem>> -> memref<1x128xi32, #tpu.memory_space<vmem>>
      %dma_wait3A_909 = tpu.memref_squeeze %dma_wait3A_908 : memref<1x128xi32, #tpu.memory_space<vmem>> -> memref<128xi32, #tpu.memory_space<vmem>>
      %dma_wait3A_910 = arith.constant 0 : i32
      %dma_wait3A_911 = arith.constant 0 : i32
      %dma_wait3A_912 = tpu.memref_slice %arg7[%dma_wait3A_910, %dma_wait3A_911] : memref<100000x128xf32, #tpu.memory_space<hbm>> -> memref<100000x128xf32, #tpu.memory_space<hbm>>
      tpu.wait_indirect_dma semaphore(%arg18 : memref<!tpu.dma_semaphore, #tpu.memory_space<semaphore_mem>>) src(%dma_wait3A_912 : memref<100000x128xf32, #tpu.memory_space<hbm>>) dst(%dma_wait3A_906 : memref<128x128xf32, #tpu.memory_space<vmem>>)
      %add3A_913 = arith.constant 3 : i32
      %add3A_914 = arith.addi %mul3A_766, %add3A_913 : i32
      %add3A_915 = arith.constant 0 : i32
      %add3A_916 = arith.addi %add3A_914, %add3A_915 : i32
      %dma_start3A_917 = arith.constant 384 : i32
      %dma_start3A_918 = arith.constant 0 : i32
      %dma_start3A_919 = tpu.memref_slice %arg13[%dma_start3A_917, %dma_start3A_918] : memref<512x128xf32, #tpu.memory_space<vmem>> -> memref<128x128xf32, #tpu.memory_space<vmem>>
      %dma_start3A_920 = arith.constant 0 : i32
      %dma_start3A_921 = tpu.memref_slice %arg11[%add3A_916, %dma_start3A_920] : memref<104x128xi32, #tpu.memory_space<vmem>> -> memref<1x128xi32, #tpu.memory_space<vmem>>
      %dma_start3A_922 = tpu.memref_squeeze %dma_start3A_921 : memref<1x128xi32, #tpu.memory_space<vmem>> -> memref<128xi32, #tpu.memory_space<vmem>>
      %dma_start3A_923 = arith.constant 0 : i32
      %dma_start3A_924 = arith.constant 0 : i32
      %dma_start3A_925 = tpu.memref_slice %arg14[%dma_start3A_923, %dma_start3A_924] : memref<4096x128xf32, #tpu.memory_space<vmem_shared>> -> memref<4096x128xf32, #tpu.memory_space<vmem_shared>>
      tpu.enqueue_indirect_dma source(%dma_start3A_919 : memref<128x128xf32, #tpu.memory_space<vmem>>) target(%dma_start3A_925 : memref<4096x128xf32, #tpu.memory_space<vmem_shared>>) offsets(%dma_start3A_922 : memref<128xi32, #tpu.memory_space<vmem>>) semaphore(%arg22 : memref<!tpu.dma_semaphore, #tpu.memory_space<semaphore_mem>>) {add = true}
      %dma_wait3A_926 = arith.constant 0 : i32
      %dma_wait3A_927 = arith.constant 128 : i32
      %dma_wait3A_928 = arith.constant 0 : i32
      %dma_wait3A_929 = tpu.memref_slice %arg13[%dma_wait3A_927, %dma_wait3A_928] : memref<512x128xf32, #tpu.memory_space<vmem>> -> memref<128x128xf32, #tpu.memory_space<vmem>>
      %dma_wait3A_930 = arith.constant 0 : i32
      %dma_wait3A_931 = tpu.memref_slice %arg10[%dma_wait3A_926, %dma_wait3A_930] : memref<104x128xi32, #tpu.memory_space<vmem>> -> memref<1x128xi32, #tpu.memory_space<vmem>>
      %dma_wait3A_932 = tpu.memref_squeeze %dma_wait3A_931 : memref<1x128xi32, #tpu.memory_space<vmem>> -> memref<128xi32, #tpu.memory_space<vmem>>
      %dma_wait3A_933 = arith.constant 0 : i32
      %dma_wait3A_934 = arith.constant 0 : i32
      %dma_wait3A_935 = tpu.memref_slice %arg7[%dma_wait3A_933, %dma_wait3A_934] : memref<100000x128xf32, #tpu.memory_space<hbm>> -> memref<100000x128xf32, #tpu.memory_space<hbm>>
      tpu.wait_indirect_dma semaphore(%arg20 : memref<!tpu.dma_semaphore, #tpu.memory_space<semaphore_mem>>) src(%dma_wait3A_935 : memref<100000x128xf32, #tpu.memory_space<hbm>>) dst(%dma_wait3A_929 : memref<128x128xf32, #tpu.memory_space<vmem>>)
      %add3A_936 = arith.constant 5 : i32
      %add3A_937 = arith.addi %mul3A_766, %add3A_936 : i32
      %add3A_938 = arith.constant 0 : i32
      %add3A_939 = arith.addi %add3A_937, %add3A_938 : i32
      %dma_start3A_940 = arith.constant 128 : i32
      %dma_start3A_941 = arith.constant 0 : i32
      %dma_start3A_942 = tpu.memref_slice %arg13[%dma_start3A_940, %dma_start3A_941] : memref<512x128xf32, #tpu.memory_space<vmem>> -> memref<128x128xf32, #tpu.memory_space<vmem>>
      %dma_start3A_943 = arith.constant 0 : i32
      %dma_start3A_944 = tpu.memref_slice %arg10[%add3A_939, %dma_start3A_943] : memref<104x128xi32, #tpu.memory_space<vmem>> -> memref<1x128xi32, #tpu.memory_space<vmem>>
      %dma_start3A_945 = tpu.memref_squeeze %dma_start3A_944 : memref<1x128xi32, #tpu.memory_space<vmem>> -> memref<128xi32, #tpu.memory_space<vmem>>
      %dma_start3A_946 = arith.constant 0 : i32
      %dma_start3A_947 = arith.constant 0 : i32
      %dma_start3A_948 = tpu.memref_slice %arg7[%dma_start3A_946, %dma_start3A_947] : memref<100000x128xf32, #tpu.memory_space<hbm>> -> memref<100000x128xf32, #tpu.memory_space<hbm>>
      tpu.enqueue_indirect_dma source(%dma_start3A_948 : memref<100000x128xf32, #tpu.memory_space<hbm>>) target(%dma_start3A_942 : memref<128x128xf32, #tpu.memory_space<vmem>>) offsets(%dma_start3A_945 : memref<128xi32, #tpu.memory_space<vmem>>) semaphore(%arg16 : memref<!tpu.dma_semaphore, #tpu.memory_space<semaphore_mem>>)
    }
    %scan3A_265 = arith.constant 23 : i32
    %dma_wait3A_266 = arith.constant 0 : i32
    %dma_wait3A_267 = arith.constant 0 : i32
    %dma_wait3A_268 = arith.constant 0 : i32
    %dma_wait3A_269 = tpu.memref_slice %arg13[%dma_wait3A_267, %dma_wait3A_268] : memref<512x128xf32, #tpu.memory_space<vmem>> -> memref<128x128xf32, #tpu.memory_space<vmem>>
    %dma_wait3A_270 = arith.constant 0 : i32
    %dma_wait3A_271 = tpu.memref_slice %arg10[%dma_wait3A_266, %dma_wait3A_270] : memref<104x128xi32, #tpu.memory_space<vmem>> -> memref<1x128xi32, #tpu.memory_space<vmem>>
    %dma_wait3A_272 = tpu.memref_squeeze %dma_wait3A_271 : memref<1x128xi32, #tpu.memory_space<vmem>> -> memref<128xi32, #tpu.memory_space<vmem>>
    %dma_wait3A_273 = arith.constant 0 : i32
    %dma_wait3A_274 = arith.constant 0 : i32
    %dma_wait3A_275 = tpu.memref_slice %arg7[%dma_wait3A_273, %dma_wait3A_274] : memref<100000x128xf32, #tpu.memory_space<hbm>> -> memref<100000x128xf32, #tpu.memory_space<hbm>>
    tpu.wait_indirect_dma semaphore(%arg15 : memref<!tpu.dma_semaphore, #tpu.memory_space<semaphore_mem>>) src(%dma_wait3A_275 : memref<100000x128xf32, #tpu.memory_space<hbm>>) dst(%dma_wait3A_269 : memref<128x128xf32, #tpu.memory_space<vmem>>)
    %dma_start3A_276 = arith.constant 96 : i32
    %dma_start3A_277 = arith.constant 0 : i32
    %dma_start3A_278 = arith.constant 0 : i32
    %dma_start3A_279 = tpu.memref_slice %arg13[%dma_start3A_277, %dma_start3A_278] : memref<512x128xf32, #tpu.memory_space<vmem>> -> memref<128x128xf32, #tpu.memory_space<vmem>>
    %dma_start3A_280 = arith.constant 0 : i32
    %dma_start3A_281 = tpu.memref_slice %arg11[%dma_start3A_276, %dma_start3A_280] : memref<104x128xi32, #tpu.memory_space<vmem>> -> memref<1x128xi32, #tpu.memory_space<vmem>>
    %dma_start3A_282 = tpu.memref_squeeze %dma_start3A_281 : memref<1x128xi32, #tpu.memory_space<vmem>> -> memref<128xi32, #tpu.memory_space<vmem>>
    %dma_start3A_283 = arith.constant 0 : i32
    %dma_start3A_284 = arith.constant 0 : i32
    %dma_start3A_285 = tpu.memref_slice %arg14[%dma_start3A_283, %dma_start3A_284] : memref<4096x128xf32, #tpu.memory_space<vmem_shared>> -> memref<4096x128xf32, #tpu.memory_space<vmem_shared>>
    tpu.enqueue_indirect_dma source(%dma_start3A_279 : memref<128x128xf32, #tpu.memory_space<vmem>>) target(%dma_start3A_285 : memref<4096x128xf32, #tpu.memory_space<vmem_shared>>) offsets(%dma_start3A_282 : memref<128xi32, #tpu.memory_space<vmem>>) semaphore(%arg19 : memref<!tpu.dma_semaphore, #tpu.memory_space<semaphore_mem>>) {add = true}
    %dma_wait3A_286 = arith.constant 0 : i32
    %dma_wait3A_287 = arith.constant 256 : i32
    %dma_wait3A_288 = arith.constant 0 : i32
    %dma_wait3A_289 = tpu.memref_slice %arg13[%dma_wait3A_287, %dma_wait3A_288] : memref<512x128xf32, #tpu.memory_space<vmem>> -> memref<128x128xf32, #tpu.memory_space<vmem>>
    %dma_wait3A_290 = arith.constant 0 : i32
    %dma_wait3A_291 = tpu.memref_slice %arg10[%dma_wait3A_286, %dma_wait3A_290] : memref<104x128xi32, #tpu.memory_space<vmem>> -> memref<1x128xi32, #tpu.memory_space<vmem>>
    %dma_wait3A_292 = tpu.memref_squeeze %dma_wait3A_291 : memref<1x128xi32, #tpu.memory_space<vmem>> -> memref<128xi32, #tpu.memory_space<vmem>>
    %dma_wait3A_293 = arith.constant 0 : i32
    %dma_wait3A_294 = arith.constant 0 : i32
    %dma_wait3A_295 = tpu.memref_slice %arg7[%dma_wait3A_293, %dma_wait3A_294] : memref<100000x128xf32, #tpu.memory_space<hbm>> -> memref<100000x128xf32, #tpu.memory_space<hbm>>
    tpu.wait_indirect_dma semaphore(%arg21 : memref<!tpu.dma_semaphore, #tpu.memory_space<semaphore_mem>>) src(%dma_wait3A_295 : memref<100000x128xf32, #tpu.memory_space<hbm>>) dst(%dma_wait3A_289 : memref<128x128xf32, #tpu.memory_space<vmem>>)
    %dma_start3A_296 = arith.constant 98 : i32
    %dma_start3A_297 = arith.constant 256 : i32
    %dma_start3A_298 = arith.constant 0 : i32
    %dma_start3A_299 = tpu.memref_slice %arg13[%dma_start3A_297, %dma_start3A_298] : memref<512x128xf32, #tpu.memory_space<vmem>> -> memref<128x128xf32, #tpu.memory_space<vmem>>
    %dma_start3A_300 = arith.constant 0 : i32
    %dma_start3A_301 = tpu.memref_slice %arg10[%dma_start3A_296, %dma_start3A_300] : memref<104x128xi32, #tpu.memory_space<vmem>> -> memref<1x128xi32, #tpu.memory_space<vmem>>
    %dma_start3A_302 = tpu.memref_squeeze %dma_start3A_301 : memref<1x128xi32, #tpu.memory_space<vmem>> -> memref<128xi32, #tpu.memory_space<vmem>>
    %dma_start3A_303 = arith.constant 0 : i32
    %dma_start3A_304 = arith.constant 0 : i32
    %dma_start3A_305 = tpu.memref_slice %arg7[%dma_start3A_303, %dma_start3A_304] : memref<100000x128xf32, #tpu.memory_space<hbm>> -> memref<100000x128xf32, #tpu.memory_space<hbm>>
    tpu.enqueue_indirect_dma source(%dma_start3A_305 : memref<100000x128xf32, #tpu.memory_space<hbm>>) target(%dma_start3A_299 : memref<128x128xf32, #tpu.memory_space<vmem>>) offsets(%dma_start3A_302 : memref<128xi32, #tpu.memory_space<vmem>>) semaphore(%arg17 : memref<!tpu.dma_semaphore, #tpu.memory_space<semaphore_mem>>)
    %dma_wait3A_306 = arith.constant 0 : i32
    %dma_wait3A_307 = arith.constant 128 : i32
    %dma_wait3A_308 = arith.constant 0 : i32
    %dma_wait3A_309 = tpu.memref_slice %arg13[%dma_wait3A_307, %dma_wait3A_308] : memref<512x128xf32, #tpu.memory_space<vmem>> -> memref<128x128xf32, #tpu.memory_space<vmem>>
    %dma_wait3A_310 = arith.constant 0 : i32
    %dma_wait3A_311 = tpu.memref_slice %arg10[%dma_wait3A_306, %dma_wait3A_310] : memref<104x128xi32, #tpu.memory_space<vmem>> -> memref<1x128xi32, #tpu.memory_space<vmem>>
    %dma_wait3A_312 = tpu.memref_squeeze %dma_wait3A_311 : memref<1x128xi32, #tpu.memory_space<vmem>> -> memref<128xi32, #tpu.memory_space<vmem>>
    %dma_wait3A_313 = arith.constant 0 : i32
    %dma_wait3A_314 = arith.constant 0 : i32
    %dma_wait3A_315 = tpu.memref_slice %arg7[%dma_wait3A_313, %dma_wait3A_314] : memref<100000x128xf32, #tpu.memory_space<hbm>> -> memref<100000x128xf32, #tpu.memory_space<hbm>>
    tpu.wait_indirect_dma semaphore(%arg16 : memref<!tpu.dma_semaphore, #tpu.memory_space<semaphore_mem>>) src(%dma_wait3A_315 : memref<100000x128xf32, #tpu.memory_space<hbm>>) dst(%dma_wait3A_309 : memref<128x128xf32, #tpu.memory_space<vmem>>)
    %dma_start3A_316 = arith.constant 97 : i32
    %dma_start3A_317 = arith.constant 128 : i32
    %dma_start3A_318 = arith.constant 0 : i32
    %dma_start3A_319 = tpu.memref_slice %arg13[%dma_start3A_317, %dma_start3A_318] : memref<512x128xf32, #tpu.memory_space<vmem>> -> memref<128x128xf32, #tpu.memory_space<vmem>>
    %dma_start3A_320 = arith.constant 0 : i32
    %dma_start3A_321 = tpu.memref_slice %arg11[%dma_start3A_316, %dma_start3A_320] : memref<104x128xi32, #tpu.memory_space<vmem>> -> memref<1x128xi32, #tpu.memory_space<vmem>>
    %dma_start3A_322 = tpu.memref_squeeze %dma_start3A_321 : memref<1x128xi32, #tpu.memory_space<vmem>> -> memref<128xi32, #tpu.memory_space<vmem>>
    %dma_start3A_323 = arith.constant 0 : i32
    %dma_start3A_324 = arith.constant 0 : i32
    %dma_start3A_325 = tpu.memref_slice %arg14[%dma_start3A_323, %dma_start3A_324] : memref<4096x128xf32, #tpu.memory_space<vmem_shared>> -> memref<4096x128xf32, #tpu.memory_space<vmem_shared>>
    tpu.enqueue_indirect_dma source(%dma_start3A_319 : memref<128x128xf32, #tpu.memory_space<vmem>>) target(%dma_start3A_325 : memref<4096x128xf32, #tpu.memory_space<vmem_shared>>) offsets(%dma_start3A_322 : memref<128xi32, #tpu.memory_space<vmem>>) semaphore(%arg20 : memref<!tpu.dma_semaphore, #tpu.memory_space<semaphore_mem>>) {add = true}
    %dma_wait3A_326 = arith.constant 0 : i32
    %dma_wait3A_327 = arith.constant 384 : i32
    %dma_wait3A_328 = arith.constant 0 : i32
    %dma_wait3A_329 = tpu.memref_slice %arg13[%dma_wait3A_327, %dma_wait3A_328] : memref<512x128xf32, #tpu.memory_space<vmem>> -> memref<128x128xf32, #tpu.memory_space<vmem>>
    %dma_wait3A_330 = arith.constant 0 : i32
    %dma_wait3A_331 = tpu.memref_slice %arg10[%dma_wait3A_326, %dma_wait3A_330] : memref<104x128xi32, #tpu.memory_space<vmem>> -> memref<1x128xi32, #tpu.memory_space<vmem>>
    %dma_wait3A_332 = tpu.memref_squeeze %dma_wait3A_331 : memref<1x128xi32, #tpu.memory_space<vmem>> -> memref<128xi32, #tpu.memory_space<vmem>>
    %dma_wait3A_333 = arith.constant 0 : i32
    %dma_wait3A_334 = arith.constant 0 : i32
    %dma_wait3A_335 = tpu.memref_slice %arg7[%dma_wait3A_333, %dma_wait3A_334] : memref<100000x128xf32, #tpu.memory_space<hbm>> -> memref<100000x128xf32, #tpu.memory_space<hbm>>
    tpu.wait_indirect_dma semaphore(%arg22 : memref<!tpu.dma_semaphore, #tpu.memory_space<semaphore_mem>>) src(%dma_wait3A_335 : memref<100000x128xf32, #tpu.memory_space<hbm>>) dst(%dma_wait3A_329 : memref<128x128xf32, #tpu.memory_space<vmem>>)
    %dma_start3A_336 = arith.constant 99 : i32
    %dma_start3A_337 = arith.constant 384 : i32
    %dma_start3A_338 = arith.constant 0 : i32
    %dma_start3A_339 = tpu.memref_slice %arg13[%dma_start3A_337, %dma_start3A_338] : memref<512x128xf32, #tpu.memory_space<vmem>> -> memref<128x128xf32, #tpu.memory_space<vmem>>
    %dma_start3A_340 = arith.constant 0 : i32
    %dma_start3A_341 = tpu.memref_slice %arg10[%dma_start3A_336, %dma_start3A_340] : memref<104x128xi32, #tpu.memory_space<vmem>> -> memref<1x128xi32, #tpu.memory_space<vmem>>
    %dma_start3A_342 = tpu.memref_squeeze %dma_start3A_341 : memref<1x128xi32, #tpu.memory_space<vmem>> -> memref<128xi32, #tpu.memory_space<vmem>>
    %dma_start3A_343 = arith.constant 0 : i32
    %dma_start3A_344 = arith.constant 0 : i32
    %dma_start3A_345 = tpu.memref_slice %arg7[%dma_start3A_343, %dma_start3A_344] : memref<100000x128xf32, #tpu.memory_space<hbm>> -> memref<100000x128xf32, #tpu.memory_space<hbm>>
    tpu.enqueue_indirect_dma source(%dma_start3A_345 : memref<100000x128xf32, #tpu.memory_space<hbm>>) target(%dma_start3A_339 : memref<128x128xf32, #tpu.memory_space<vmem>>) offsets(%dma_start3A_342 : memref<128xi32, #tpu.memory_space<vmem>>) semaphore(%arg18 : memref<!tpu.dma_semaphore, #tpu.memory_space<semaphore_mem>>)
    %dma_wait3A_346 = arith.constant 0 : i32
    %dma_wait3A_347 = arith.constant 256 : i32
    %dma_wait3A_348 = arith.constant 0 : i32
    %dma_wait3A_349 = tpu.memref_slice %arg13[%dma_wait3A_347, %dma_wait3A_348] : memref<512x128xf32, #tpu.memory_space<vmem>> -> memref<128x128xf32, #tpu.memory_space<vmem>>
    %dma_wait3A_350 = arith.constant 0 : i32
    %dma_wait3A_351 = tpu.memref_slice %arg10[%dma_wait3A_346, %dma_wait3A_350] : memref<104x128xi32, #tpu.memory_space<vmem>> -> memref<1x128xi32, #tpu.memory_space<vmem>>
    %dma_wait3A_352 = tpu.memref_squeeze %dma_wait3A_351 : memref<1x128xi32, #tpu.memory_space<vmem>> -> memref<128xi32, #tpu.memory_space<vmem>>
    %dma_wait3A_353 = arith.constant 0 : i32
    %dma_wait3A_354 = arith.constant 0 : i32
    %dma_wait3A_355 = tpu.memref_slice %arg7[%dma_wait3A_353, %dma_wait3A_354] : memref<100000x128xf32, #tpu.memory_space<hbm>> -> memref<100000x128xf32, #tpu.memory_space<hbm>>
    tpu.wait_indirect_dma semaphore(%arg17 : memref<!tpu.dma_semaphore, #tpu.memory_space<semaphore_mem>>) src(%dma_wait3A_355 : memref<100000x128xf32, #tpu.memory_space<hbm>>) dst(%dma_wait3A_349 : memref<128x128xf32, #tpu.memory_space<vmem>>)
    %dma_start3A_356 = arith.constant 98 : i32
    %dma_start3A_357 = arith.constant 256 : i32
    %dma_start3A_358 = arith.constant 0 : i32
    %dma_start3A_359 = tpu.memref_slice %arg13[%dma_start3A_357, %dma_start3A_358] : memref<512x128xf32, #tpu.memory_space<vmem>> -> memref<128x128xf32, #tpu.memory_space<vmem>>
    %dma_start3A_360 = arith.constant 0 : i32
    %dma_start3A_361 = tpu.memref_slice %arg11[%dma_start3A_356, %dma_start3A_360] : memref<104x128xi32, #tpu.memory_space<vmem>> -> memref<1x128xi32, #tpu.memory_space<vmem>>
    %dma_start3A_362 = tpu.memref_squeeze %dma_start3A_361 : memref<1x128xi32, #tpu.memory_space<vmem>> -> memref<128xi32, #tpu.memory_space<vmem>>
    %dma_start3A_363 = arith.constant 0 : i32
    %dma_start3A_364 = arith.constant 0 : i32
    %dma_start3A_365 = tpu.memref_slice %arg14[%dma_start3A_363, %dma_start3A_364] : memref<4096x128xf32, #tpu.memory_space<vmem_shared>> -> memref<4096x128xf32, #tpu.memory_space<vmem_shared>>
    tpu.enqueue_indirect_dma source(%dma_start3A_359 : memref<128x128xf32, #tpu.memory_space<vmem>>) target(%dma_start3A_365 : memref<4096x128xf32, #tpu.memory_space<vmem_shared>>) offsets(%dma_start3A_362 : memref<128xi32, #tpu.memory_space<vmem>>) semaphore(%arg21 : memref<!tpu.dma_semaphore, #tpu.memory_space<semaphore_mem>>) {add = true}
    %dma_wait3A_366 = arith.constant 0 : i32
    %dma_wait3A_367 = arith.constant 0 : i32
    %dma_wait3A_368 = arith.constant 0 : i32
    %dma_wait3A_369 = tpu.memref_slice %arg13[%dma_wait3A_367, %dma_wait3A_368] : memref<512x128xf32, #tpu.memory_space<vmem>> -> memref<128x128xf32, #tpu.memory_space<vmem>>
    %dma_wait3A_370 = arith.constant 0 : i32
    %dma_wait3A_371 = tpu.memref_slice %arg10[%dma_wait3A_366, %dma_wait3A_370] : memref<104x128xi32, #tpu.memory_space<vmem>> -> memref<1x128xi32, #tpu.memory_space<vmem>>
    %dma_wait3A_372 = tpu.memref_squeeze %dma_wait3A_371 : memref<1x128xi32, #tpu.memory_space<vmem>> -> memref<128xi32, #tpu.memory_space<vmem>>
    %dma_wait3A_373 = arith.constant 0 : i32
    %dma_wait3A_374 = arith.constant 0 : i32
    %dma_wait3A_375 = tpu.memref_slice %arg7[%dma_wait3A_373, %dma_wait3A_374] : memref<100000x128xf32, #tpu.memory_space<hbm>> -> memref<100000x128xf32, #tpu.memory_space<hbm>>
    tpu.wait_indirect_dma semaphore(%arg19 : memref<!tpu.dma_semaphore, #tpu.memory_space<semaphore_mem>>) src(%dma_wait3A_375 : memref<100000x128xf32, #tpu.memory_space<hbm>>) dst(%dma_wait3A_369 : memref<128x128xf32, #tpu.memory_space<vmem>>)
    %dma_wait3A_376 = arith.constant 0 : i32
    %dma_wait3A_377 = arith.constant 384 : i32
    %dma_wait3A_378 = arith.constant 0 : i32
    %dma_wait3A_379 = tpu.memref_slice %arg13[%dma_wait3A_377, %dma_wait3A_378] : memref<512x128xf32, #tpu.memory_space<vmem>> -> memref<128x128xf32, #tpu.memory_space<vmem>>
    %dma_wait3A_380 = arith.constant 0 : i32
    %dma_wait3A_381 = tpu.memref_slice %arg10[%dma_wait3A_376, %dma_wait3A_380] : memref<104x128xi32, #tpu.memory_space<vmem>> -> memref<1x128xi32, #tpu.memory_space<vmem>>
    %dma_wait3A_382 = tpu.memref_squeeze %dma_wait3A_381 : memref<1x128xi32, #tpu.memory_space<vmem>> -> memref<128xi32, #tpu.memory_space<vmem>>
    %dma_wait3A_383 = arith.constant 0 : i32
    %dma_wait3A_384 = arith.constant 0 : i32
    %dma_wait3A_385 = tpu.memref_slice %arg7[%dma_wait3A_383, %dma_wait3A_384] : memref<100000x128xf32, #tpu.memory_space<hbm>> -> memref<100000x128xf32, #tpu.memory_space<hbm>>
    tpu.wait_indirect_dma semaphore(%arg18 : memref<!tpu.dma_semaphore, #tpu.memory_space<semaphore_mem>>) src(%dma_wait3A_385 : memref<100000x128xf32, #tpu.memory_space<hbm>>) dst(%dma_wait3A_379 : memref<128x128xf32, #tpu.memory_space<vmem>>)
    %dma_start3A_386 = arith.constant 99 : i32
    %dma_start3A_387 = arith.constant 384 : i32
    %dma_start3A_388 = arith.constant 0 : i32
    %dma_start3A_389 = tpu.memref_slice %arg13[%dma_start3A_387, %dma_start3A_388] : memref<512x128xf32, #tpu.memory_space<vmem>> -> memref<128x128xf32, #tpu.memory_space<vmem>>
    %dma_start3A_390 = arith.constant 0 : i32
    %dma_start3A_391 = tpu.memref_slice %arg11[%dma_start3A_386, %dma_start3A_390] : memref<104x128xi32, #tpu.memory_space<vmem>> -> memref<1x128xi32, #tpu.memory_space<vmem>>
    %dma_start3A_392 = tpu.memref_squeeze %dma_start3A_391 : memref<1x128xi32, #tpu.memory_space<vmem>> -> memref<128xi32, #tpu.memory_space<vmem>>
    %dma_start3A_393 = arith.constant 0 : i32
    %dma_start3A_394 = arith.constant 0 : i32
    %dma_start3A_395 = tpu.memref_slice %arg14[%dma_start3A_393, %dma_start3A_394] : memref<4096x128xf32, #tpu.memory_space<vmem_shared>> -> memref<4096x128xf32, #tpu.memory_space<vmem_shared>>
    tpu.enqueue_indirect_dma source(%dma_start3A_389 : memref<128x128xf32, #tpu.memory_space<vmem>>) target(%dma_start3A_395 : memref<4096x128xf32, #tpu.memory_space<vmem_shared>>) offsets(%dma_start3A_392 : memref<128xi32, #tpu.memory_space<vmem>>) semaphore(%arg22 : memref<!tpu.dma_semaphore, #tpu.memory_space<semaphore_mem>>) {add = true}
    %dma_wait3A_396 = arith.constant 0 : i32
    %dma_wait3A_397 = arith.constant 128 : i32
    %dma_wait3A_398 = arith.constant 0 : i32
    %dma_wait3A_399 = tpu.memref_slice %arg13[%dma_wait3A_397, %dma_wait3A_398] : memref<512x128xf32, #tpu.memory_space<vmem>> -> memref<128x128xf32, #tpu.memory_space<vmem>>
    %dma_wait3A_400 = arith.constant 0 : i32
    %dma_wait3A_401 = tpu.memref_slice %arg10[%dma_wait3A_396, %dma_wait3A_400] : memref<104x128xi32, #tpu.memory_space<vmem>> -> memref<1x128xi32, #tpu.memory_space<vmem>>
    %dma_wait3A_402 = tpu.memref_squeeze %dma_wait3A_401 : memref<1x128xi32, #tpu.memory_space<vmem>> -> memref<128xi32, #tpu.memory_space<vmem>>
    %dma_wait3A_403 = arith.constant 0 : i32
    %dma_wait3A_404 = arith.constant 0 : i32
    %dma_wait3A_405 = tpu.memref_slice %arg7[%dma_wait3A_403, %dma_wait3A_404] : memref<100000x128xf32, #tpu.memory_space<hbm>> -> memref<100000x128xf32, #tpu.memory_space<hbm>>
    tpu.wait_indirect_dma semaphore(%arg20 : memref<!tpu.dma_semaphore, #tpu.memory_space<semaphore_mem>>) src(%dma_wait3A_405 : memref<100000x128xf32, #tpu.memory_space<hbm>>) dst(%dma_wait3A_399 : memref<128x128xf32, #tpu.memory_space<vmem>>)
    %dma_wait3A_406 = arith.constant 0 : i32
    %dma_wait3A_407 = arith.constant 256 : i32
    %dma_wait3A_408 = arith.constant 0 : i32
    %dma_wait3A_409 = tpu.memref_slice %arg13[%dma_wait3A_407, %dma_wait3A_408] : memref<512x128xf32, #tpu.memory_space<vmem>> -> memref<128x128xf32, #tpu.memory_space<vmem>>
    %dma_wait3A_410 = arith.constant 0 : i32
    %dma_wait3A_411 = tpu.memref_slice %arg10[%dma_wait3A_406, %dma_wait3A_410] : memref<104x128xi32, #tpu.memory_space<vmem>> -> memref<1x128xi32, #tpu.memory_space<vmem>>
    %dma_wait3A_412 = tpu.memref_squeeze %dma_wait3A_411 : memref<1x128xi32, #tpu.memory_space<vmem>> -> memref<128xi32, #tpu.memory_space<vmem>>
    %dma_wait3A_413 = arith.constant 0 : i32
    %dma_wait3A_414 = arith.constant 0 : i32
    %dma_wait3A_415 = tpu.memref_slice %arg7[%dma_wait3A_413, %dma_wait3A_414] : memref<100000x128xf32, #tpu.memory_space<hbm>> -> memref<100000x128xf32, #tpu.memory_space<hbm>>
    tpu.wait_indirect_dma semaphore(%arg21 : memref<!tpu.dma_semaphore, #tpu.memory_space<semaphore_mem>>) src(%dma_wait3A_415 : memref<100000x128xf32, #tpu.memory_space<hbm>>) dst(%dma_wait3A_409 : memref<128x128xf32, #tpu.memory_space<vmem>>)
    %dma_wait3A_416 = arith.constant 0 : i32
    %dma_wait3A_417 = arith.constant 384 : i32
    %dma_wait3A_418 = arith.constant 0 : i32
    %dma_wait3A_419 = tpu.memref_slice %arg13[%dma_wait3A_417, %dma_wait3A_418] : memref<512x128xf32, #tpu.memory_space<vmem>> -> memref<128x128xf32, #tpu.memory_space<vmem>>
    %dma_wait3A_420 = arith.constant 0 : i32
    %dma_wait3A_421 = tpu.memref_slice %arg10[%dma_wait3A_416, %dma_wait3A_420] : memref<104x128xi32, #tpu.memory_space<vmem>> -> memref<1x128xi32, #tpu.memory_space<vmem>>
    %dma_wait3A_422 = tpu.memref_squeeze %dma_wait3A_421 : memref<1x128xi32, #tpu.memory_space<vmem>> -> memref<128xi32, #tpu.memory_space<vmem>>
    %dma_wait3A_423 = arith.constant 0 : i32
    %dma_wait3A_424 = arith.constant 0 : i32
    %dma_wait3A_425 = tpu.memref_slice %arg7[%dma_wait3A_423, %dma_wait3A_424] : memref<100000x128xf32, #tpu.memory_space<hbm>> -> memref<100000x128xf32, #tpu.memory_space<hbm>>
    tpu.wait_indirect_dma semaphore(%arg22 : memref<!tpu.dma_semaphore, #tpu.memory_space<semaphore_mem>>) src(%dma_wait3A_425 : memref<100000x128xf32, #tpu.memory_space<hbm>>) dst(%dma_wait3A_419 : memref<128x128xf32, #tpu.memory_space<vmem>>)
    %add3A_426 = arith.constant 0 : i32
    %add3A_427 = arith.addi %mul3A_2, %add3A_426 : i32
    "tpu.region"() ({
      %run_scoped3A = tpu.sem_alloc : memref<!tpu.dma_semaphore, #tpu.memory_space<semaphore_mem>>
      %dma_start3A_764 = arith.constant 0 : i32
      %dma_start3A_765 = tpu.memref_slice %arg9[%add3A_427, %dma_start3A_764] : memref<16384x128xf32, #tpu.memory_space<hbm>> -> memref<256x128xf32, #tpu.memory_space<hbm>>
      %dma_start3A_766 = arith.constant 0 : i32
      %dma_start3A_767 = tpu.memref_slice %arg14[%mul3A_4, %dma_start3A_766] : memref<4096x128xf32, #tpu.memory_space<vmem_shared>> -> memref<256x128xf32, #tpu.memory_space<vmem_shared>>
      tpu.enqueue_dma source(%dma_start3A_767 : memref<256x128xf32, #tpu.memory_space<vmem_shared>>) target(%dma_start3A_765 : memref<256x128xf32, #tpu.memory_space<hbm>>) target_semaphore(%run_scoped3A : memref<!tpu.dma_semaphore, #tpu.memory_space<semaphore_mem>>)
      %dma_wait3A_768 = arith.constant 0 : i32
      %dma_wait3A_769 = tpu.memref_slice %arg9[%add3A_427, %dma_wait3A_768] : memref<16384x128xf32, #tpu.memory_space<hbm>> -> memref<256x128xf32, #tpu.memory_space<hbm>>
      %dma_wait3A_770 = arith.constant 0 : i32
      %dma_wait3A_771 = tpu.memref_slice %arg14[%mul3A_4, %dma_wait3A_770] : memref<4096x128xf32, #tpu.memory_space<vmem_shared>> -> memref<256x128xf32, #tpu.memory_space<vmem_shared>>
      tpu.wait_dma2 semaphore(%run_scoped3A : memref<!tpu.dma_semaphore, #tpu.memory_space<semaphore_mem>>) src(%dma_wait3A_771 : memref<256x128xf32, #tpu.memory_space<vmem_shared>>) dst(%dma_wait3A_769 : memref<256x128xf32, #tpu.memory_space<hbm>>)
      tpu.yield
    }) : () -> ()
    %mul3A_428 = arith.constant 200 : i32
    %mul3A_429 = arith.muli %add3A, %mul3A_428 : i32
    %add3A_430 = arith.constant 96 : i32
    %add3A_431 = arith.addi %mul3A_429, %add3A_430 : i32
    "tpu.region"() ({
      %run_scoped3A = tpu.sem_alloc : memref<!tpu.dma_semaphore, #tpu.memory_space<semaphore_mem>>
      %dma_start3A_764 = arith.constant 0 : i32
      %dma_start3A_765 = tpu.memref_slice %arg3[%add3A_431, %dma_start3A_764] : memref<6400x128xi32, #tpu.memory_space<hbm>> -> memref<104x128xi32, #tpu.memory_space<hbm>>
      %dma_start3A_766 = arith.constant 0 : i32
      %dma_start3A_767 = tpu.memref_slice %arg3[%add3A_431, %dma_start3A_766] : memref<6400x128xi32, #tpu.memory_space<hbm>> -> memref<104x128xi32, #tpu.memory_space<hbm>>
      tpu.enqueue_dma source(%dma_start3A_767 : memref<104x128xi32, #tpu.memory_space<hbm>>) target(%arg10 : memref<104x128xi32, #tpu.memory_space<vmem>>) target_semaphore(%run_scoped3A : memref<!tpu.dma_semaphore, #tpu.memory_space<semaphore_mem>>)
      %dma_wait3A_768 = arith.constant 0 : i32
      %dma_wait3A_769 = tpu.memref_slice %arg3[%add3A_431, %dma_wait3A_768] : memref<6400x128xi32, #tpu.memory_space<hbm>> -> memref<104x128xi32, #tpu.memory_space<hbm>>
      %dma_wait3A_770 = arith.constant 0 : i32
      %dma_wait3A_771 = tpu.memref_slice %arg3[%add3A_431, %dma_wait3A_770] : memref<6400x128xi32, #tpu.memory_space<hbm>> -> memref<104x128xi32, #tpu.memory_space<hbm>>
      tpu.wait_dma2 semaphore(%run_scoped3A : memref<!tpu.dma_semaphore, #tpu.memory_space<semaphore_mem>>) src(%dma_wait3A_771 : memref<104x128xi32, #tpu.memory_space<hbm>>) dst(%arg10 : memref<104x128xi32, #tpu.memory_space<vmem>>)
      tpu.yield
    }) : () -> ()
    %mul3A_432 = arith.constant 200 : i32
    %mul3A_433 = arith.muli %add3A, %mul3A_432 : i32
    %add3A_434 = arith.constant 96 : i32
    %add3A_435 = arith.addi %mul3A_433, %add3A_434 : i32
    "tpu.region"() ({
      %run_scoped3A = tpu.sem_alloc : memref<!tpu.dma_semaphore, #tpu.memory_space<semaphore_mem>>
      %dma_start3A_764 = arith.constant 0 : i32
      %dma_start3A_765 = tpu.memref_slice %arg4[%add3A_435, %dma_start3A_764] : memref<6400x128xi32, #tpu.memory_space<hbm>> -> memref<104x128xi32, #tpu.memory_space<hbm>>
      %dma_start3A_766 = arith.constant 0 : i32
      %dma_start3A_767 = tpu.memref_slice %arg4[%add3A_435, %dma_start3A_766] : memref<6400x128xi32, #tpu.memory_space<hbm>> -> memref<104x128xi32, #tpu.memory_space<hbm>>
      tpu.enqueue_dma source(%dma_start3A_767 : memref<104x128xi32, #tpu.memory_space<hbm>>) target(%arg11 : memref<104x128xi32, #tpu.memory_space<vmem>>) target_semaphore(%run_scoped3A : memref<!tpu.dma_semaphore, #tpu.memory_space<semaphore_mem>>)
      %dma_wait3A_768 = arith.constant 0 : i32
      %dma_wait3A_769 = tpu.memref_slice %arg4[%add3A_435, %dma_wait3A_768] : memref<6400x128xi32, #tpu.memory_space<hbm>> -> memref<104x128xi32, #tpu.memory_space<hbm>>
      %dma_wait3A_770 = arith.constant 0 : i32
      %dma_wait3A_771 = tpu.memref_slice %arg4[%add3A_435, %dma_wait3A_770] : memref<6400x128xi32, #tpu.memory_space<hbm>> -> memref<104x128xi32, #tpu.memory_space<hbm>>
      tpu.wait_dma2 semaphore(%run_scoped3A : memref<!tpu.dma_semaphore, #tpu.memory_space<semaphore_mem>>) src(%dma_wait3A_771 : memref<104x128xi32, #tpu.memory_space<hbm>>) dst(%arg11 : memref<104x128xi32, #tpu.memory_space<vmem>>)
      tpu.yield
    }) : () -> ()
    %dma_start3A_436 = arith.constant 4 : i32
    %dma_start3A_437 = arith.constant 0 : i32
    %dma_start3A_438 = arith.constant 0 : i32
    %dma_start3A_439 = tpu.memref_slice %arg13[%dma_start3A_437, %dma_start3A_438] : memref<512x128xf32, #tpu.memory_space<vmem>> -> memref<128x128xf32, #tpu.memory_space<vmem>>
    %dma_start3A_440 = arith.constant 0 : i32
    %dma_start3A_441 = tpu.memref_slice %arg10[%dma_start3A_436, %dma_start3A_440] : memref<104x128xi32, #tpu.memory_space<vmem>> -> memref<1x128xi32, #tpu.memory_space<vmem>>
    %dma_start3A_442 = tpu.memref_squeeze %dma_start3A_441 : memref<1x128xi32, #tpu.memory_space<vmem>> -> memref<128xi32, #tpu.memory_space<vmem>>
    %dma_start3A_443 = arith.constant 0 : i32
    %dma_start3A_444 = arith.constant 0 : i32
    %dma_start3A_445 = tpu.memref_slice %arg7[%dma_start3A_443, %dma_start3A_444] : memref<100000x128xf32, #tpu.memory_space<hbm>> -> memref<100000x128xf32, #tpu.memory_space<hbm>>
    tpu.enqueue_indirect_dma source(%dma_start3A_445 : memref<100000x128xf32, #tpu.memory_space<hbm>>) target(%dma_start3A_439 : memref<128x128xf32, #tpu.memory_space<vmem>>) offsets(%dma_start3A_442 : memref<128xi32, #tpu.memory_space<vmem>>) semaphore(%arg15 : memref<!tpu.dma_semaphore, #tpu.memory_space<semaphore_mem>>)
    %dma_start3A_446 = arith.constant 5 : i32
    %dma_start3A_447 = arith.constant 128 : i32
    %dma_start3A_448 = arith.constant 0 : i32
    %dma_start3A_449 = tpu.memref_slice %arg13[%dma_start3A_447, %dma_start3A_448] : memref<512x128xf32, #tpu.memory_space<vmem>> -> memref<128x128xf32, #tpu.memory_space<vmem>>
    %dma_start3A_450 = arith.constant 0 : i32
    %dma_start3A_451 = tpu.memref_slice %arg10[%dma_start3A_446, %dma_start3A_450] : memref<104x128xi32, #tpu.memory_space<vmem>> -> memref<1x128xi32, #tpu.memory_space<vmem>>
    %dma_start3A_452 = tpu.memref_squeeze %dma_start3A_451 : memref<1x128xi32, #tpu.memory_space<vmem>> -> memref<128xi32, #tpu.memory_space<vmem>>
    %dma_start3A_453 = arith.constant 0 : i32
    %dma_start3A_454 = arith.constant 0 : i32
    %dma_start3A_455 = tpu.memref_slice %arg7[%dma_start3A_453, %dma_start3A_454] : memref<100000x128xf32, #tpu.memory_space<hbm>> -> memref<100000x128xf32, #tpu.memory_space<hbm>>
    tpu.enqueue_indirect_dma source(%dma_start3A_455 : memref<100000x128xf32, #tpu.memory_space<hbm>>) target(%dma_start3A_449 : memref<128x128xf32, #tpu.memory_space<vmem>>) offsets(%dma_start3A_452 : memref<128xi32, #tpu.memory_space<vmem>>) semaphore(%arg16 : memref<!tpu.dma_semaphore, #tpu.memory_space<semaphore_mem>>)
    "tpu.region"() ({
      %run_scoped3A = tpu.sem_alloc : memref<!tpu.dma_semaphore, #tpu.memory_space<semaphore_mem>>
      %dma_start3A_764 = arith.constant 0 : i32
      %dma_start3A_765 = tpu.memref_slice %arg14[%mul3A_4, %dma_start3A_764] : memref<4096x128xf32, #tpu.memory_space<vmem_shared>> -> memref<256x128xf32, #tpu.memory_space<vmem_shared>>
      tpu.enqueue_dma source(%arg5 : memref<256x128xf32, #tpu.memory_space<hbm>>) target(%dma_start3A_765 : memref<256x128xf32, #tpu.memory_space<vmem_shared>>) target_semaphore(%run_scoped3A : memref<!tpu.dma_semaphore, #tpu.memory_space<semaphore_mem>>)
      %dma_wait3A_766 = arith.constant 0 : i32
      %dma_wait3A_767 = tpu.memref_slice %arg14[%mul3A_4, %dma_wait3A_766] : memref<4096x128xf32, #tpu.memory_space<vmem_shared>> -> memref<256x128xf32, #tpu.memory_space<vmem_shared>>
      tpu.wait_dma2 semaphore(%run_scoped3A : memref<!tpu.dma_semaphore, #tpu.memory_space<semaphore_mem>>) src(%arg5 : memref<256x128xf32, #tpu.memory_space<hbm>>) dst(%dma_wait3A_767 : memref<256x128xf32, #tpu.memory_space<vmem_shared>>)
      tpu.yield
    }) : () -> ()
    %dma_wait3A_456 = arith.constant 0 : i32
    %dma_wait3A_457 = arith.constant 0 : i32
    %dma_wait3A_458 = arith.constant 0 : i32
    %dma_wait3A_459 = tpu.memref_slice %arg13[%dma_wait3A_457, %dma_wait3A_458] : memref<512x128xf32, #tpu.memory_space<vmem>> -> memref<128x128xf32, #tpu.memory_space<vmem>>
    %dma_wait3A_460 = arith.constant 0 : i32
    %dma_wait3A_461 = tpu.memref_slice %arg10[%dma_wait3A_456, %dma_wait3A_460] : memref<104x128xi32, #tpu.memory_space<vmem>> -> memref<1x128xi32, #tpu.memory_space<vmem>>
    %dma_wait3A_462 = tpu.memref_squeeze %dma_wait3A_461 : memref<1x128xi32, #tpu.memory_space<vmem>> -> memref<128xi32, #tpu.memory_space<vmem>>
    %dma_wait3A_463 = arith.constant 0 : i32
    %dma_wait3A_464 = arith.constant 0 : i32
    %dma_wait3A_465 = tpu.memref_slice %arg7[%dma_wait3A_463, %dma_wait3A_464] : memref<100000x128xf32, #tpu.memory_space<hbm>> -> memref<100000x128xf32, #tpu.memory_space<hbm>>
    tpu.wait_indirect_dma semaphore(%arg15 : memref<!tpu.dma_semaphore, #tpu.memory_space<semaphore_mem>>) src(%dma_wait3A_465 : memref<100000x128xf32, #tpu.memory_space<hbm>>) dst(%dma_wait3A_459 : memref<128x128xf32, #tpu.memory_space<vmem>>)
    %dma_start3A_466 = arith.constant 4 : i32
    %dma_start3A_467 = arith.constant 0 : i32
    %dma_start3A_468 = arith.constant 0 : i32
    %dma_start3A_469 = tpu.memref_slice %arg13[%dma_start3A_467, %dma_start3A_468] : memref<512x128xf32, #tpu.memory_space<vmem>> -> memref<128x128xf32, #tpu.memory_space<vmem>>
    %dma_start3A_470 = arith.constant 0 : i32
    %dma_start3A_471 = tpu.memref_slice %arg11[%dma_start3A_466, %dma_start3A_470] : memref<104x128xi32, #tpu.memory_space<vmem>> -> memref<1x128xi32, #tpu.memory_space<vmem>>
    %dma_start3A_472 = tpu.memref_squeeze %dma_start3A_471 : memref<1x128xi32, #tpu.memory_space<vmem>> -> memref<128xi32, #tpu.memory_space<vmem>>
    %dma_start3A_473 = arith.constant 0 : i32
    %dma_start3A_474 = arith.constant 0 : i32
    %dma_start3A_475 = tpu.memref_slice %arg14[%dma_start3A_473, %dma_start3A_474] : memref<4096x128xf32, #tpu.memory_space<vmem_shared>> -> memref<4096x128xf32, #tpu.memory_space<vmem_shared>>
    tpu.enqueue_indirect_dma source(%dma_start3A_469 : memref<128x128xf32, #tpu.memory_space<vmem>>) target(%dma_start3A_475 : memref<4096x128xf32, #tpu.memory_space<vmem_shared>>) offsets(%dma_start3A_472 : memref<128xi32, #tpu.memory_space<vmem>>) semaphore(%arg19 : memref<!tpu.dma_semaphore, #tpu.memory_space<semaphore_mem>>) {add = true}
    %dma_start3A_476 = arith.constant 6 : i32
    %dma_start3A_477 = arith.constant 256 : i32
    %dma_start3A_478 = arith.constant 0 : i32
    %dma_start3A_479 = tpu.memref_slice %arg13[%dma_start3A_477, %dma_start3A_478] : memref<512x128xf32, #tpu.memory_space<vmem>> -> memref<128x128xf32, #tpu.memory_space<vmem>>
    %dma_start3A_480 = arith.constant 0 : i32
    %dma_start3A_481 = tpu.memref_slice %arg10[%dma_start3A_476, %dma_start3A_480] : memref<104x128xi32, #tpu.memory_space<vmem>> -> memref<1x128xi32, #tpu.memory_space<vmem>>
    %dma_start3A_482 = tpu.memref_squeeze %dma_start3A_481 : memref<1x128xi32, #tpu.memory_space<vmem>> -> memref<128xi32, #tpu.memory_space<vmem>>
    %dma_start3A_483 = arith.constant 0 : i32
    %dma_start3A_484 = arith.constant 0 : i32
    %dma_start3A_485 = tpu.memref_slice %arg7[%dma_start3A_483, %dma_start3A_484] : memref<100000x128xf32, #tpu.memory_space<hbm>> -> memref<100000x128xf32, #tpu.memory_space<hbm>>
    tpu.enqueue_indirect_dma source(%dma_start3A_485 : memref<100000x128xf32, #tpu.memory_space<hbm>>) target(%dma_start3A_479 : memref<128x128xf32, #tpu.memory_space<vmem>>) offsets(%dma_start3A_482 : memref<128xi32, #tpu.memory_space<vmem>>) semaphore(%arg17 : memref<!tpu.dma_semaphore, #tpu.memory_space<semaphore_mem>>)
    %dma_wait3A_486 = arith.constant 0 : i32
    %dma_wait3A_487 = arith.constant 128 : i32
    %dma_wait3A_488 = arith.constant 0 : i32
    %dma_wait3A_489 = tpu.memref_slice %arg13[%dma_wait3A_487, %dma_wait3A_488] : memref<512x128xf32, #tpu.memory_space<vmem>> -> memref<128x128xf32, #tpu.memory_space<vmem>>
    %dma_wait3A_490 = arith.constant 0 : i32
    %dma_wait3A_491 = tpu.memref_slice %arg10[%dma_wait3A_486, %dma_wait3A_490] : memref<104x128xi32, #tpu.memory_space<vmem>> -> memref<1x128xi32, #tpu.memory_space<vmem>>
    %dma_wait3A_492 = tpu.memref_squeeze %dma_wait3A_491 : memref<1x128xi32, #tpu.memory_space<vmem>> -> memref<128xi32, #tpu.memory_space<vmem>>
    %dma_wait3A_493 = arith.constant 0 : i32
    %dma_wait3A_494 = arith.constant 0 : i32
    %dma_wait3A_495 = tpu.memref_slice %arg7[%dma_wait3A_493, %dma_wait3A_494] : memref<100000x128xf32, #tpu.memory_space<hbm>> -> memref<100000x128xf32, #tpu.memory_space<hbm>>
    tpu.wait_indirect_dma semaphore(%arg16 : memref<!tpu.dma_semaphore, #tpu.memory_space<semaphore_mem>>) src(%dma_wait3A_495 : memref<100000x128xf32, #tpu.memory_space<hbm>>) dst(%dma_wait3A_489 : memref<128x128xf32, #tpu.memory_space<vmem>>)
    %dma_start3A_496 = arith.constant 5 : i32
    %dma_start3A_497 = arith.constant 128 : i32
    %dma_start3A_498 = arith.constant 0 : i32
    %dma_start3A_499 = tpu.memref_slice %arg13[%dma_start3A_497, %dma_start3A_498] : memref<512x128xf32, #tpu.memory_space<vmem>> -> memref<128x128xf32, #tpu.memory_space<vmem>>
    %dma_start3A_500 = arith.constant 0 : i32
    %dma_start3A_501 = tpu.memref_slice %arg11[%dma_start3A_496, %dma_start3A_500] : memref<104x128xi32, #tpu.memory_space<vmem>> -> memref<1x128xi32, #tpu.memory_space<vmem>>
    %dma_start3A_502 = tpu.memref_squeeze %dma_start3A_501 : memref<1x128xi32, #tpu.memory_space<vmem>> -> memref<128xi32, #tpu.memory_space<vmem>>
    %dma_start3A_503 = arith.constant 0 : i32
    %dma_start3A_504 = arith.constant 0 : i32
    %dma_start3A_505 = tpu.memref_slice %arg14[%dma_start3A_503, %dma_start3A_504] : memref<4096x128xf32, #tpu.memory_space<vmem_shared>> -> memref<4096x128xf32, #tpu.memory_space<vmem_shared>>
    tpu.enqueue_indirect_dma source(%dma_start3A_499 : memref<128x128xf32, #tpu.memory_space<vmem>>) target(%dma_start3A_505 : memref<4096x128xf32, #tpu.memory_space<vmem_shared>>) offsets(%dma_start3A_502 : memref<128xi32, #tpu.memory_space<vmem>>) semaphore(%arg20 : memref<!tpu.dma_semaphore, #tpu.memory_space<semaphore_mem>>) {add = true}
    %dma_start3A_506 = arith.constant 7 : i32
    %dma_start3A_507 = arith.constant 384 : i32
    %dma_start3A_508 = arith.constant 0 : i32
    %dma_start3A_509 = tpu.memref_slice %arg13[%dma_start3A_507, %dma_start3A_508] : memref<512x128xf32, #tpu.memory_space<vmem>> -> memref<128x128xf32, #tpu.memory_space<vmem>>
    %dma_start3A_510 = arith.constant 0 : i32
    %dma_start3A_511 = tpu.memref_slice %arg10[%dma_start3A_506, %dma_start3A_510] : memref<104x128xi32, #tpu.memory_space<vmem>> -> memref<1x128xi32, #tpu.memory_space<vmem>>
    %dma_start3A_512 = tpu.memref_squeeze %dma_start3A_511 : memref<1x128xi32, #tpu.memory_space<vmem>> -> memref<128xi32, #tpu.memory_space<vmem>>
    %dma_start3A_513 = arith.constant 0 : i32
    %dma_start3A_514 = arith.constant 0 : i32
    %dma_start3A_515 = tpu.memref_slice %arg7[%dma_start3A_513, %dma_start3A_514] : memref<100000x128xf32, #tpu.memory_space<hbm>> -> memref<100000x128xf32, #tpu.memory_space<hbm>>
    tpu.enqueue_indirect_dma source(%dma_start3A_515 : memref<100000x128xf32, #tpu.memory_space<hbm>>) target(%dma_start3A_509 : memref<128x128xf32, #tpu.memory_space<vmem>>) offsets(%dma_start3A_512 : memref<128xi32, #tpu.memory_space<vmem>>) semaphore(%arg18 : memref<!tpu.dma_semaphore, #tpu.memory_space<semaphore_mem>>)
    %dma_wait3A_516 = arith.constant 0 : i32
    %dma_wait3A_517 = arith.constant 256 : i32
    %dma_wait3A_518 = arith.constant 0 : i32
    %dma_wait3A_519 = tpu.memref_slice %arg13[%dma_wait3A_517, %dma_wait3A_518] : memref<512x128xf32, #tpu.memory_space<vmem>> -> memref<128x128xf32, #tpu.memory_space<vmem>>
    %dma_wait3A_520 = arith.constant 0 : i32
    %dma_wait3A_521 = tpu.memref_slice %arg10[%dma_wait3A_516, %dma_wait3A_520] : memref<104x128xi32, #tpu.memory_space<vmem>> -> memref<1x128xi32, #tpu.memory_space<vmem>>
    %dma_wait3A_522 = tpu.memref_squeeze %dma_wait3A_521 : memref<1x128xi32, #tpu.memory_space<vmem>> -> memref<128xi32, #tpu.memory_space<vmem>>
    %dma_wait3A_523 = arith.constant 0 : i32
    %dma_wait3A_524 = arith.constant 0 : i32
    %dma_wait3A_525 = tpu.memref_slice %arg7[%dma_wait3A_523, %dma_wait3A_524] : memref<100000x128xf32, #tpu.memory_space<hbm>> -> memref<100000x128xf32, #tpu.memory_space<hbm>>
    tpu.wait_indirect_dma semaphore(%arg17 : memref<!tpu.dma_semaphore, #tpu.memory_space<semaphore_mem>>) src(%dma_wait3A_525 : memref<100000x128xf32, #tpu.memory_space<hbm>>) dst(%dma_wait3A_519 : memref<128x128xf32, #tpu.memory_space<vmem>>)
    %dma_start3A_526 = arith.constant 6 : i32
    %dma_start3A_527 = arith.constant 256 : i32
    %dma_start3A_528 = arith.constant 0 : i32
    %dma_start3A_529 = tpu.memref_slice %arg13[%dma_start3A_527, %dma_start3A_528] : memref<512x128xf32, #tpu.memory_space<vmem>> -> memref<128x128xf32, #tpu.memory_space<vmem>>
    %dma_start3A_530 = arith.constant 0 : i32
    %dma_start3A_531 = tpu.memref_slice %arg11[%dma_start3A_526, %dma_start3A_530] : memref<104x128xi32, #tpu.memory_space<vmem>> -> memref<1x128xi32, #tpu.memory_space<vmem>>
    %dma_start3A_532 = tpu.memref_squeeze %dma_start3A_531 : memref<1x128xi32, #tpu.memory_space<vmem>> -> memref<128xi32, #tpu.memory_space<vmem>>
    %dma_start3A_533 = arith.constant 0 : i32
    %dma_start3A_534 = arith.constant 0 : i32
    %dma_start3A_535 = tpu.memref_slice %arg14[%dma_start3A_533, %dma_start3A_534] : memref<4096x128xf32, #tpu.memory_space<vmem_shared>> -> memref<4096x128xf32, #tpu.memory_space<vmem_shared>>
    tpu.enqueue_indirect_dma source(%dma_start3A_529 : memref<128x128xf32, #tpu.memory_space<vmem>>) target(%dma_start3A_535 : memref<4096x128xf32, #tpu.memory_space<vmem_shared>>) offsets(%dma_start3A_532 : memref<128xi32, #tpu.memory_space<vmem>>) semaphore(%arg21 : memref<!tpu.dma_semaphore, #tpu.memory_space<semaphore_mem>>) {add = true}
    %dma_wait3A_536 = arith.constant 0 : i32
    %dma_wait3A_537 = arith.constant 0 : i32
    %dma_wait3A_538 = arith.constant 0 : i32
    %dma_wait3A_539 = tpu.memref_slice %arg13[%dma_wait3A_537, %dma_wait3A_538] : memref<512x128xf32, #tpu.memory_space<vmem>> -> memref<128x128xf32, #tpu.memory_space<vmem>>
    %dma_wait3A_540 = arith.constant 0 : i32
    %dma_wait3A_541 = tpu.memref_slice %arg10[%dma_wait3A_536, %dma_wait3A_540] : memref<104x128xi32, #tpu.memory_space<vmem>> -> memref<1x128xi32, #tpu.memory_space<vmem>>
    %dma_wait3A_542 = tpu.memref_squeeze %dma_wait3A_541 : memref<1x128xi32, #tpu.memory_space<vmem>> -> memref<128xi32, #tpu.memory_space<vmem>>
    %dma_wait3A_543 = arith.constant 0 : i32
    %dma_wait3A_544 = arith.constant 0 : i32
    %dma_wait3A_545 = tpu.memref_slice %arg7[%dma_wait3A_543, %dma_wait3A_544] : memref<100000x128xf32, #tpu.memory_space<hbm>> -> memref<100000x128xf32, #tpu.memory_space<hbm>>
    tpu.wait_indirect_dma semaphore(%arg19 : memref<!tpu.dma_semaphore, #tpu.memory_space<semaphore_mem>>) src(%dma_wait3A_545 : memref<100000x128xf32, #tpu.memory_space<hbm>>) dst(%dma_wait3A_539 : memref<128x128xf32, #tpu.memory_space<vmem>>)
    %dma_start3A_546 = arith.constant 8 : i32
    %dma_start3A_547 = arith.constant 0 : i32
    %dma_start3A_548 = arith.constant 0 : i32
    %dma_start3A_549 = tpu.memref_slice %arg13[%dma_start3A_547, %dma_start3A_548] : memref<512x128xf32, #tpu.memory_space<vmem>> -> memref<128x128xf32, #tpu.memory_space<vmem>>
    %dma_start3A_550 = arith.constant 0 : i32
    %dma_start3A_551 = tpu.memref_slice %arg10[%dma_start3A_546, %dma_start3A_550] : memref<104x128xi32, #tpu.memory_space<vmem>> -> memref<1x128xi32, #tpu.memory_space<vmem>>
    %dma_start3A_552 = tpu.memref_squeeze %dma_start3A_551 : memref<1x128xi32, #tpu.memory_space<vmem>> -> memref<128xi32, #tpu.memory_space<vmem>>
    %dma_start3A_553 = arith.constant 0 : i32
    %dma_start3A_554 = arith.constant 0 : i32
    %dma_start3A_555 = tpu.memref_slice %arg7[%dma_start3A_553, %dma_start3A_554] : memref<100000x128xf32, #tpu.memory_space<hbm>> -> memref<100000x128xf32, #tpu.memory_space<hbm>>
    tpu.enqueue_indirect_dma source(%dma_start3A_555 : memref<100000x128xf32, #tpu.memory_space<hbm>>) target(%dma_start3A_549 : memref<128x128xf32, #tpu.memory_space<vmem>>) offsets(%dma_start3A_552 : memref<128xi32, #tpu.memory_space<vmem>>) semaphore(%arg15 : memref<!tpu.dma_semaphore, #tpu.memory_space<semaphore_mem>>)
    %dma_wait3A_556 = arith.constant 0 : i32
    %dma_wait3A_557 = arith.constant 384 : i32
    %dma_wait3A_558 = arith.constant 0 : i32
    %dma_wait3A_559 = tpu.memref_slice %arg13[%dma_wait3A_557, %dma_wait3A_558] : memref<512x128xf32, #tpu.memory_space<vmem>> -> memref<128x128xf32, #tpu.memory_space<vmem>>
    %dma_wait3A_560 = arith.constant 0 : i32
    %dma_wait3A_561 = tpu.memref_slice %arg10[%dma_wait3A_556, %dma_wait3A_560] : memref<104x128xi32, #tpu.memory_space<vmem>> -> memref<1x128xi32, #tpu.memory_space<vmem>>
    %dma_wait3A_562 = tpu.memref_squeeze %dma_wait3A_561 : memref<1x128xi32, #tpu.memory_space<vmem>> -> memref<128xi32, #tpu.memory_space<vmem>>
    %dma_wait3A_563 = arith.constant 0 : i32
    %dma_wait3A_564 = arith.constant 0 : i32
    %dma_wait3A_565 = tpu.memref_slice %arg7[%dma_wait3A_563, %dma_wait3A_564] : memref<100000x128xf32, #tpu.memory_space<hbm>> -> memref<100000x128xf32, #tpu.memory_space<hbm>>
    tpu.wait_indirect_dma semaphore(%arg18 : memref<!tpu.dma_semaphore, #tpu.memory_space<semaphore_mem>>) src(%dma_wait3A_565 : memref<100000x128xf32, #tpu.memory_space<hbm>>) dst(%dma_wait3A_559 : memref<128x128xf32, #tpu.memory_space<vmem>>)
    %dma_start3A_566 = arith.constant 7 : i32
    %dma_start3A_567 = arith.constant 384 : i32
    %dma_start3A_568 = arith.constant 0 : i32
    %dma_start3A_569 = tpu.memref_slice %arg13[%dma_start3A_567, %dma_start3A_568] : memref<512x128xf32, #tpu.memory_space<vmem>> -> memref<128x128xf32, #tpu.memory_space<vmem>>
    %dma_start3A_570 = arith.constant 0 : i32
    %dma_start3A_571 = tpu.memref_slice %arg11[%dma_start3A_566, %dma_start3A_570] : memref<104x128xi32, #tpu.memory_space<vmem>> -> memref<1x128xi32, #tpu.memory_space<vmem>>
    %dma_start3A_572 = tpu.memref_squeeze %dma_start3A_571 : memref<1x128xi32, #tpu.memory_space<vmem>> -> memref<128xi32, #tpu.memory_space<vmem>>
    %dma_start3A_573 = arith.constant 0 : i32
    %dma_start3A_574 = arith.constant 0 : i32
    %dma_start3A_575 = tpu.memref_slice %arg14[%dma_start3A_573, %dma_start3A_574] : memref<4096x128xf32, #tpu.memory_space<vmem_shared>> -> memref<4096x128xf32, #tpu.memory_space<vmem_shared>>
    tpu.enqueue_indirect_dma source(%dma_start3A_569 : memref<128x128xf32, #tpu.memory_space<vmem>>) target(%dma_start3A_575 : memref<4096x128xf32, #tpu.memory_space<vmem_shared>>) offsets(%dma_start3A_572 : memref<128xi32, #tpu.memory_space<vmem>>) semaphore(%arg22 : memref<!tpu.dma_semaphore, #tpu.memory_space<semaphore_mem>>) {add = true}
    %dma_wait3A_576 = arith.constant 0 : i32
    %dma_wait3A_577 = arith.constant 128 : i32
    %dma_wait3A_578 = arith.constant 0 : i32
    %dma_wait3A_579 = tpu.memref_slice %arg13[%dma_wait3A_577, %dma_wait3A_578] : memref<512x128xf32, #tpu.memory_space<vmem>> -> memref<128x128xf32, #tpu.memory_space<vmem>>
    %dma_wait3A_580 = arith.constant 0 : i32
    %dma_wait3A_581 = tpu.memref_slice %arg10[%dma_wait3A_576, %dma_wait3A_580] : memref<104x128xi32, #tpu.memory_space<vmem>> -> memref<1x128xi32, #tpu.memory_space<vmem>>
    %dma_wait3A_582 = tpu.memref_squeeze %dma_wait3A_581 : memref<1x128xi32, #tpu.memory_space<vmem>> -> memref<128xi32, #tpu.memory_space<vmem>>
    %dma_wait3A_583 = arith.constant 0 : i32
    %dma_wait3A_584 = arith.constant 0 : i32
    %dma_wait3A_585 = tpu.memref_slice %arg7[%dma_wait3A_583, %dma_wait3A_584] : memref<100000x128xf32, #tpu.memory_space<hbm>> -> memref<100000x128xf32, #tpu.memory_space<hbm>>
    tpu.wait_indirect_dma semaphore(%arg20 : memref<!tpu.dma_semaphore, #tpu.memory_space<semaphore_mem>>) src(%dma_wait3A_585 : memref<100000x128xf32, #tpu.memory_space<hbm>>) dst(%dma_wait3A_579 : memref<128x128xf32, #tpu.memory_space<vmem>>)
    %dma_start3A_586 = arith.constant 9 : i32
    %dma_start3A_587 = arith.constant 128 : i32
    %dma_start3A_588 = arith.constant 0 : i32
    %dma_start3A_589 = tpu.memref_slice %arg13[%dma_start3A_587, %dma_start3A_588] : memref<512x128xf32, #tpu.memory_space<vmem>> -> memref<128x128xf32, #tpu.memory_space<vmem>>
    %dma_start3A_590 = arith.constant 0 : i32
    %dma_start3A_591 = tpu.memref_slice %arg10[%dma_start3A_586, %dma_start3A_590] : memref<104x128xi32, #tpu.memory_space<vmem>> -> memref<1x128xi32, #tpu.memory_space<vmem>>
    %dma_start3A_592 = tpu.memref_squeeze %dma_start3A_591 : memref<1x128xi32, #tpu.memory_space<vmem>> -> memref<128xi32, #tpu.memory_space<vmem>>
    %dma_start3A_593 = arith.constant 0 : i32
    %dma_start3A_594 = arith.constant 0 : i32
    %dma_start3A_595 = tpu.memref_slice %arg7[%dma_start3A_593, %dma_start3A_594] : memref<100000x128xf32, #tpu.memory_space<hbm>> -> memref<100000x128xf32, #tpu.memory_space<hbm>>
    tpu.enqueue_indirect_dma source(%dma_start3A_595 : memref<100000x128xf32, #tpu.memory_space<hbm>>) target(%dma_start3A_589 : memref<128x128xf32, #tpu.memory_space<vmem>>) offsets(%dma_start3A_592 : memref<128xi32, #tpu.memory_space<vmem>>) semaphore(%arg16 : memref<!tpu.dma_semaphore, #tpu.memory_space<semaphore_mem>>)
    %scan3A_596 = arith.constant 0 : i32
    %scan3A_597 = arith.constant 1 : i32
    %scan3A_598 = arith.constant 23 : i32
    %scan3A_599 = arith.addi %scan3A_597, %scan3A_598 : i32
    %scan3A_600 = arith.constant 1 : i32
    scf.for %scan3A_764 = %scan3A_597 to %scan3A_599 step %scan3A_600  : i32 {
      %mul3A_765 = arith.constant 4 : i32
      %mul3A_766 = arith.muli %mul3A_765, %scan3A_764 : i32
      %dma_wait3A_767 = arith.constant 0 : i32
      %dma_wait3A_768 = arith.constant 0 : i32
      %dma_wait3A_769 = arith.constant 0 : i32
      %dma_wait3A_770 = tpu.memref_slice %arg13[%dma_wait3A_768, %dma_wait3A_769] : memref<512x128xf32, #tpu.memory_space<vmem>> -> memref<128x128xf32, #tpu.memory_space<vmem>>
      %dma_wait3A_771 = arith.constant 0 : i32
      %dma_wait3A_772 = tpu.memref_slice %arg10[%dma_wait3A_767, %dma_wait3A_771] : memref<104x128xi32, #tpu.memory_space<vmem>> -> memref<1x128xi32, #tpu.memory_space<vmem>>
      %dma_wait3A_773 = tpu.memref_squeeze %dma_wait3A_772 : memref<1x128xi32, #tpu.memory_space<vmem>> -> memref<128xi32, #tpu.memory_space<vmem>>
      %dma_wait3A_774 = arith.constant 0 : i32
      %dma_wait3A_775 = arith.constant 0 : i32
      %dma_wait3A_776 = tpu.memref_slice %arg7[%dma_wait3A_774, %dma_wait3A_775] : memref<100000x128xf32, #tpu.memory_space<hbm>> -> memref<100000x128xf32, #tpu.memory_space<hbm>>
      tpu.wait_indirect_dma semaphore(%arg15 : memref<!tpu.dma_semaphore, #tpu.memory_space<semaphore_mem>>) src(%dma_wait3A_776 : memref<100000x128xf32, #tpu.memory_space<hbm>>) dst(%dma_wait3A_770 : memref<128x128xf32, #tpu.memory_space<vmem>>)
      %add3A_777 = arith.constant 4 : i32
      %add3A_778 = arith.addi %mul3A_766, %add3A_777 : i32
      %dma_start3A_779 = arith.constant 0 : i32
      %dma_start3A_780 = arith.constant 0 : i32
      %dma_start3A_781 = tpu.memref_slice %arg13[%dma_start3A_779, %dma_start3A_780] : memref<512x128xf32, #tpu.memory_space<vmem>> -> memref<128x128xf32, #tpu.memory_space<vmem>>
      %dma_start3A_782 = arith.constant 0 : i32
      %dma_start3A_783 = tpu.memref_slice %arg11[%add3A_778, %dma_start3A_782] : memref<104x128xi32, #tpu.memory_space<vmem>> -> memref<1x128xi32, #tpu.memory_space<vmem>>
      %dma_start3A_784 = tpu.memref_squeeze %dma_start3A_783 : memref<1x128xi32, #tpu.memory_space<vmem>> -> memref<128xi32, #tpu.memory_space<vmem>>
      %dma_start3A_785 = arith.constant 0 : i32
      %dma_start3A_786 = arith.constant 0 : i32
      %dma_start3A_787 = tpu.memref_slice %arg14[%dma_start3A_785, %dma_start3A_786] : memref<4096x128xf32, #tpu.memory_space<vmem_shared>> -> memref<4096x128xf32, #tpu.memory_space<vmem_shared>>
      tpu.enqueue_indirect_dma source(%dma_start3A_781 : memref<128x128xf32, #tpu.memory_space<vmem>>) target(%dma_start3A_787 : memref<4096x128xf32, #tpu.memory_space<vmem_shared>>) offsets(%dma_start3A_784 : memref<128xi32, #tpu.memory_space<vmem>>) semaphore(%arg19 : memref<!tpu.dma_semaphore, #tpu.memory_space<semaphore_mem>>) {add = true}
      %dma_wait3A_788 = arith.constant 0 : i32
      %dma_wait3A_789 = arith.constant 256 : i32
      %dma_wait3A_790 = arith.constant 0 : i32
      %dma_wait3A_791 = tpu.memref_slice %arg13[%dma_wait3A_789, %dma_wait3A_790] : memref<512x128xf32, #tpu.memory_space<vmem>> -> memref<128x128xf32, #tpu.memory_space<vmem>>
      %dma_wait3A_792 = arith.constant 0 : i32
      %dma_wait3A_793 = tpu.memref_slice %arg10[%dma_wait3A_788, %dma_wait3A_792] : memref<104x128xi32, #tpu.memory_space<vmem>> -> memref<1x128xi32, #tpu.memory_space<vmem>>
      %dma_wait3A_794 = tpu.memref_squeeze %dma_wait3A_793 : memref<1x128xi32, #tpu.memory_space<vmem>> -> memref<128xi32, #tpu.memory_space<vmem>>
      %dma_wait3A_795 = arith.constant 0 : i32
      %dma_wait3A_796 = arith.constant 0 : i32
      %dma_wait3A_797 = tpu.memref_slice %arg7[%dma_wait3A_795, %dma_wait3A_796] : memref<100000x128xf32, #tpu.memory_space<hbm>> -> memref<100000x128xf32, #tpu.memory_space<hbm>>
      tpu.wait_indirect_dma semaphore(%arg21 : memref<!tpu.dma_semaphore, #tpu.memory_space<semaphore_mem>>) src(%dma_wait3A_797 : memref<100000x128xf32, #tpu.memory_space<hbm>>) dst(%dma_wait3A_791 : memref<128x128xf32, #tpu.memory_space<vmem>>)
      %add3A_798 = arith.constant 2 : i32
      %add3A_799 = arith.addi %mul3A_766, %add3A_798 : i32
      %add3A_800 = arith.constant 4 : i32
      %add3A_801 = arith.addi %add3A_799, %add3A_800 : i32
      %dma_start3A_802 = arith.constant 256 : i32
      %dma_start3A_803 = arith.constant 0 : i32
      %dma_start3A_804 = tpu.memref_slice %arg13[%dma_start3A_802, %dma_start3A_803] : memref<512x128xf32, #tpu.memory_space<vmem>> -> memref<128x128xf32, #tpu.memory_space<vmem>>
      %dma_start3A_805 = arith.constant 0 : i32
      %dma_start3A_806 = tpu.memref_slice %arg10[%add3A_801, %dma_start3A_805] : memref<104x128xi32, #tpu.memory_space<vmem>> -> memref<1x128xi32, #tpu.memory_space<vmem>>
      %dma_start3A_807 = tpu.memref_squeeze %dma_start3A_806 : memref<1x128xi32, #tpu.memory_space<vmem>> -> memref<128xi32, #tpu.memory_space<vmem>>
      %dma_start3A_808 = arith.constant 0 : i32
      %dma_start3A_809 = arith.constant 0 : i32
      %dma_start3A_810 = tpu.memref_slice %arg7[%dma_start3A_808, %dma_start3A_809] : memref<100000x128xf32, #tpu.memory_space<hbm>> -> memref<100000x128xf32, #tpu.memory_space<hbm>>
      tpu.enqueue_indirect_dma source(%dma_start3A_810 : memref<100000x128xf32, #tpu.memory_space<hbm>>) target(%dma_start3A_804 : memref<128x128xf32, #tpu.memory_space<vmem>>) offsets(%dma_start3A_807 : memref<128xi32, #tpu.memory_space<vmem>>) semaphore(%arg17 : memref<!tpu.dma_semaphore, #tpu.memory_space<semaphore_mem>>)
      %dma_wait3A_811 = arith.constant 0 : i32
      %dma_wait3A_812 = arith.constant 128 : i32
      %dma_wait3A_813 = arith.constant 0 : i32
      %dma_wait3A_814 = tpu.memref_slice %arg13[%dma_wait3A_812, %dma_wait3A_813] : memref<512x128xf32, #tpu.memory_space<vmem>> -> memref<128x128xf32, #tpu.memory_space<vmem>>
      %dma_wait3A_815 = arith.constant 0 : i32
      %dma_wait3A_816 = tpu.memref_slice %arg10[%dma_wait3A_811, %dma_wait3A_815] : memref<104x128xi32, #tpu.memory_space<vmem>> -> memref<1x128xi32, #tpu.memory_space<vmem>>
      %dma_wait3A_817 = tpu.memref_squeeze %dma_wait3A_816 : memref<1x128xi32, #tpu.memory_space<vmem>> -> memref<128xi32, #tpu.memory_space<vmem>>
      %dma_wait3A_818 = arith.constant 0 : i32
      %dma_wait3A_819 = arith.constant 0 : i32
      %dma_wait3A_820 = tpu.memref_slice %arg7[%dma_wait3A_818, %dma_wait3A_819] : memref<100000x128xf32, #tpu.memory_space<hbm>> -> memref<100000x128xf32, #tpu.memory_space<hbm>>
      tpu.wait_indirect_dma semaphore(%arg16 : memref<!tpu.dma_semaphore, #tpu.memory_space<semaphore_mem>>) src(%dma_wait3A_820 : memref<100000x128xf32, #tpu.memory_space<hbm>>) dst(%dma_wait3A_814 : memref<128x128xf32, #tpu.memory_space<vmem>>)
      %add3A_821 = arith.constant 1 : i32
      %add3A_822 = arith.addi %mul3A_766, %add3A_821 : i32
      %add3A_823 = arith.constant 4 : i32
      %add3A_824 = arith.addi %add3A_822, %add3A_823 : i32
      %dma_start3A_825 = arith.constant 128 : i32
      %dma_start3A_826 = arith.constant 0 : i32
      %dma_start3A_827 = tpu.memref_slice %arg13[%dma_start3A_825, %dma_start3A_826] : memref<512x128xf32, #tpu.memory_space<vmem>> -> memref<128x128xf32, #tpu.memory_space<vmem>>
      %dma_start3A_828 = arith.constant 0 : i32
      %dma_start3A_829 = tpu.memref_slice %arg11[%add3A_824, %dma_start3A_828] : memref<104x128xi32, #tpu.memory_space<vmem>> -> memref<1x128xi32, #tpu.memory_space<vmem>>
      %dma_start3A_830 = tpu.memref_squeeze %dma_start3A_829 : memref<1x128xi32, #tpu.memory_space<vmem>> -> memref<128xi32, #tpu.memory_space<vmem>>
      %dma_start3A_831 = arith.constant 0 : i32
      %dma_start3A_832 = arith.constant 0 : i32
      %dma_start3A_833 = tpu.memref_slice %arg14[%dma_start3A_831, %dma_start3A_832] : memref<4096x128xf32, #tpu.memory_space<vmem_shared>> -> memref<4096x128xf32, #tpu.memory_space<vmem_shared>>
      tpu.enqueue_indirect_dma source(%dma_start3A_827 : memref<128x128xf32, #tpu.memory_space<vmem>>) target(%dma_start3A_833 : memref<4096x128xf32, #tpu.memory_space<vmem_shared>>) offsets(%dma_start3A_830 : memref<128xi32, #tpu.memory_space<vmem>>) semaphore(%arg20 : memref<!tpu.dma_semaphore, #tpu.memory_space<semaphore_mem>>) {add = true}
      %dma_wait3A_834 = arith.constant 0 : i32
      %dma_wait3A_835 = arith.constant 384 : i32
      %dma_wait3A_836 = arith.constant 0 : i32
      %dma_wait3A_837 = tpu.memref_slice %arg13[%dma_wait3A_835, %dma_wait3A_836] : memref<512x128xf32, #tpu.memory_space<vmem>> -> memref<128x128xf32, #tpu.memory_space<vmem>>
      %dma_wait3A_838 = arith.constant 0 : i32
      %dma_wait3A_839 = tpu.memref_slice %arg10[%dma_wait3A_834, %dma_wait3A_838] : memref<104x128xi32, #tpu.memory_space<vmem>> -> memref<1x128xi32, #tpu.memory_space<vmem>>
      %dma_wait3A_840 = tpu.memref_squeeze %dma_wait3A_839 : memref<1x128xi32, #tpu.memory_space<vmem>> -> memref<128xi32, #tpu.memory_space<vmem>>
      %dma_wait3A_841 = arith.constant 0 : i32
      %dma_wait3A_842 = arith.constant 0 : i32
      %dma_wait3A_843 = tpu.memref_slice %arg7[%dma_wait3A_841, %dma_wait3A_842] : memref<100000x128xf32, #tpu.memory_space<hbm>> -> memref<100000x128xf32, #tpu.memory_space<hbm>>
      tpu.wait_indirect_dma semaphore(%arg22 : memref<!tpu.dma_semaphore, #tpu.memory_space<semaphore_mem>>) src(%dma_wait3A_843 : memref<100000x128xf32, #tpu.memory_space<hbm>>) dst(%dma_wait3A_837 : memref<128x128xf32, #tpu.memory_space<vmem>>)
      %add3A_844 = arith.constant 3 : i32
      %add3A_845 = arith.addi %mul3A_766, %add3A_844 : i32
      %add3A_846 = arith.constant 4 : i32
      %add3A_847 = arith.addi %add3A_845, %add3A_846 : i32
      %dma_start3A_848 = arith.constant 384 : i32
      %dma_start3A_849 = arith.constant 0 : i32
      %dma_start3A_850 = tpu.memref_slice %arg13[%dma_start3A_848, %dma_start3A_849] : memref<512x128xf32, #tpu.memory_space<vmem>> -> memref<128x128xf32, #tpu.memory_space<vmem>>
      %dma_start3A_851 = arith.constant 0 : i32
      %dma_start3A_852 = tpu.memref_slice %arg10[%add3A_847, %dma_start3A_851] : memref<104x128xi32, #tpu.memory_space<vmem>> -> memref<1x128xi32, #tpu.memory_space<vmem>>
      %dma_start3A_853 = tpu.memref_squeeze %dma_start3A_852 : memref<1x128xi32, #tpu.memory_space<vmem>> -> memref<128xi32, #tpu.memory_space<vmem>>
      %dma_start3A_854 = arith.constant 0 : i32
      %dma_start3A_855 = arith.constant 0 : i32
      %dma_start3A_856 = tpu.memref_slice %arg7[%dma_start3A_854, %dma_start3A_855] : memref<100000x128xf32, #tpu.memory_space<hbm>> -> memref<100000x128xf32, #tpu.memory_space<hbm>>
      tpu.enqueue_indirect_dma source(%dma_start3A_856 : memref<100000x128xf32, #tpu.memory_space<hbm>>) target(%dma_start3A_850 : memref<128x128xf32, #tpu.memory_space<vmem>>) offsets(%dma_start3A_853 : memref<128xi32, #tpu.memory_space<vmem>>) semaphore(%arg18 : memref<!tpu.dma_semaphore, #tpu.memory_space<semaphore_mem>>)
      %dma_wait3A_857 = arith.constant 0 : i32
      %dma_wait3A_858 = arith.constant 256 : i32
      %dma_wait3A_859 = arith.constant 0 : i32
      %dma_wait3A_860 = tpu.memref_slice %arg13[%dma_wait3A_858, %dma_wait3A_859] : memref<512x128xf32, #tpu.memory_space<vmem>> -> memref<128x128xf32, #tpu.memory_space<vmem>>
      %dma_wait3A_861 = arith.constant 0 : i32
      %dma_wait3A_862 = tpu.memref_slice %arg10[%dma_wait3A_857, %dma_wait3A_861] : memref<104x128xi32, #tpu.memory_space<vmem>> -> memref<1x128xi32, #tpu.memory_space<vmem>>
      %dma_wait3A_863 = tpu.memref_squeeze %dma_wait3A_862 : memref<1x128xi32, #tpu.memory_space<vmem>> -> memref<128xi32, #tpu.memory_space<vmem>>
      %dma_wait3A_864 = arith.constant 0 : i32
      %dma_wait3A_865 = arith.constant 0 : i32
      %dma_wait3A_866 = tpu.memref_slice %arg7[%dma_wait3A_864, %dma_wait3A_865] : memref<100000x128xf32, #tpu.memory_space<hbm>> -> memref<100000x128xf32, #tpu.memory_space<hbm>>
      tpu.wait_indirect_dma semaphore(%arg17 : memref<!tpu.dma_semaphore, #tpu.memory_space<semaphore_mem>>) src(%dma_wait3A_866 : memref<100000x128xf32, #tpu.memory_space<hbm>>) dst(%dma_wait3A_860 : memref<128x128xf32, #tpu.memory_space<vmem>>)
      %add3A_867 = arith.constant 2 : i32
      %add3A_868 = arith.addi %mul3A_766, %add3A_867 : i32
      %add3A_869 = arith.constant 4 : i32
      %add3A_870 = arith.addi %add3A_868, %add3A_869 : i32
      %dma_start3A_871 = arith.constant 256 : i32
      %dma_start3A_872 = arith.constant 0 : i32
      %dma_start3A_873 = tpu.memref_slice %arg13[%dma_start3A_871, %dma_start3A_872] : memref<512x128xf32, #tpu.memory_space<vmem>> -> memref<128x128xf32, #tpu.memory_space<vmem>>
      %dma_start3A_874 = arith.constant 0 : i32
      %dma_start3A_875 = tpu.memref_slice %arg11[%add3A_870, %dma_start3A_874] : memref<104x128xi32, #tpu.memory_space<vmem>> -> memref<1x128xi32, #tpu.memory_space<vmem>>
      %dma_start3A_876 = tpu.memref_squeeze %dma_start3A_875 : memref<1x128xi32, #tpu.memory_space<vmem>> -> memref<128xi32, #tpu.memory_space<vmem>>
      %dma_start3A_877 = arith.constant 0 : i32
      %dma_start3A_878 = arith.constant 0 : i32
      %dma_start3A_879 = tpu.memref_slice %arg14[%dma_start3A_877, %dma_start3A_878] : memref<4096x128xf32, #tpu.memory_space<vmem_shared>> -> memref<4096x128xf32, #tpu.memory_space<vmem_shared>>
      tpu.enqueue_indirect_dma source(%dma_start3A_873 : memref<128x128xf32, #tpu.memory_space<vmem>>) target(%dma_start3A_879 : memref<4096x128xf32, #tpu.memory_space<vmem_shared>>) offsets(%dma_start3A_876 : memref<128xi32, #tpu.memory_space<vmem>>) semaphore(%arg21 : memref<!tpu.dma_semaphore, #tpu.memory_space<semaphore_mem>>) {add = true}
      %dma_wait3A_880 = arith.constant 0 : i32
      %dma_wait3A_881 = arith.constant 0 : i32
      %dma_wait3A_882 = arith.constant 0 : i32
      %dma_wait3A_883 = tpu.memref_slice %arg13[%dma_wait3A_881, %dma_wait3A_882] : memref<512x128xf32, #tpu.memory_space<vmem>> -> memref<128x128xf32, #tpu.memory_space<vmem>>
      %dma_wait3A_884 = arith.constant 0 : i32
      %dma_wait3A_885 = tpu.memref_slice %arg10[%dma_wait3A_880, %dma_wait3A_884] : memref<104x128xi32, #tpu.memory_space<vmem>> -> memref<1x128xi32, #tpu.memory_space<vmem>>
      %dma_wait3A_886 = tpu.memref_squeeze %dma_wait3A_885 : memref<1x128xi32, #tpu.memory_space<vmem>> -> memref<128xi32, #tpu.memory_space<vmem>>
      %dma_wait3A_887 = arith.constant 0 : i32
      %dma_wait3A_888 = arith.constant 0 : i32
      %dma_wait3A_889 = tpu.memref_slice %arg7[%dma_wait3A_887, %dma_wait3A_888] : memref<100000x128xf32, #tpu.memory_space<hbm>> -> memref<100000x128xf32, #tpu.memory_space<hbm>>
      tpu.wait_indirect_dma semaphore(%arg19 : memref<!tpu.dma_semaphore, #tpu.memory_space<semaphore_mem>>) src(%dma_wait3A_889 : memref<100000x128xf32, #tpu.memory_space<hbm>>) dst(%dma_wait3A_883 : memref<128x128xf32, #tpu.memory_space<vmem>>)
      %add3A_890 = arith.constant 4 : i32
      %add3A_891 = arith.addi %mul3A_766, %add3A_890 : i32
      %add3A_892 = arith.constant 4 : i32
      %add3A_893 = arith.addi %add3A_891, %add3A_892 : i32
      %dma_start3A_894 = arith.constant 0 : i32
      %dma_start3A_895 = arith.constant 0 : i32
      %dma_start3A_896 = tpu.memref_slice %arg13[%dma_start3A_894, %dma_start3A_895] : memref<512x128xf32, #tpu.memory_space<vmem>> -> memref<128x128xf32, #tpu.memory_space<vmem>>
      %dma_start3A_897 = arith.constant 0 : i32
      %dma_start3A_898 = tpu.memref_slice %arg10[%add3A_893, %dma_start3A_897] : memref<104x128xi32, #tpu.memory_space<vmem>> -> memref<1x128xi32, #tpu.memory_space<vmem>>
      %dma_start3A_899 = tpu.memref_squeeze %dma_start3A_898 : memref<1x128xi32, #tpu.memory_space<vmem>> -> memref<128xi32, #tpu.memory_space<vmem>>
      %dma_start3A_900 = arith.constant 0 : i32
      %dma_start3A_901 = arith.constant 0 : i32
      %dma_start3A_902 = tpu.memref_slice %arg7[%dma_start3A_900, %dma_start3A_901] : memref<100000x128xf32, #tpu.memory_space<hbm>> -> memref<100000x128xf32, #tpu.memory_space<hbm>>
      tpu.enqueue_indirect_dma source(%dma_start3A_902 : memref<100000x128xf32, #tpu.memory_space<hbm>>) target(%dma_start3A_896 : memref<128x128xf32, #tpu.memory_space<vmem>>) offsets(%dma_start3A_899 : memref<128xi32, #tpu.memory_space<vmem>>) semaphore(%arg15 : memref<!tpu.dma_semaphore, #tpu.memory_space<semaphore_mem>>)
      %dma_wait3A_903 = arith.constant 0 : i32
      %dma_wait3A_904 = arith.constant 384 : i32
      %dma_wait3A_905 = arith.constant 0 : i32
      %dma_wait3A_906 = tpu.memref_slice %arg13[%dma_wait3A_904, %dma_wait3A_905] : memref<512x128xf32, #tpu.memory_space<vmem>> -> memref<128x128xf32, #tpu.memory_space<vmem>>
      %dma_wait3A_907 = arith.constant 0 : i32
      %dma_wait3A_908 = tpu.memref_slice %arg10[%dma_wait3A_903, %dma_wait3A_907] : memref<104x128xi32, #tpu.memory_space<vmem>> -> memref<1x128xi32, #tpu.memory_space<vmem>>
      %dma_wait3A_909 = tpu.memref_squeeze %dma_wait3A_908 : memref<1x128xi32, #tpu.memory_space<vmem>> -> memref<128xi32, #tpu.memory_space<vmem>>
      %dma_wait3A_910 = arith.constant 0 : i32
      %dma_wait3A_911 = arith.constant 0 : i32
      %dma_wait3A_912 = tpu.memref_slice %arg7[%dma_wait3A_910, %dma_wait3A_911] : memref<100000x128xf32, #tpu.memory_space<hbm>> -> memref<100000x128xf32, #tpu.memory_space<hbm>>
      tpu.wait_indirect_dma semaphore(%arg18 : memref<!tpu.dma_semaphore, #tpu.memory_space<semaphore_mem>>) src(%dma_wait3A_912 : memref<100000x128xf32, #tpu.memory_space<hbm>>) dst(%dma_wait3A_906 : memref<128x128xf32, #tpu.memory_space<vmem>>)
      %add3A_913 = arith.constant 3 : i32
      %add3A_914 = arith.addi %mul3A_766, %add3A_913 : i32
      %add3A_915 = arith.constant 4 : i32
      %add3A_916 = arith.addi %add3A_914, %add3A_915 : i32
      %dma_start3A_917 = arith.constant 384 : i32
      %dma_start3A_918 = arith.constant 0 : i32
      %dma_start3A_919 = tpu.memref_slice %arg13[%dma_start3A_917, %dma_start3A_918] : memref<512x128xf32, #tpu.memory_space<vmem>> -> memref<128x128xf32, #tpu.memory_space<vmem>>
      %dma_start3A_920 = arith.constant 0 : i32
      %dma_start3A_921 = tpu.memref_slice %arg11[%add3A_916, %dma_start3A_920] : memref<104x128xi32, #tpu.memory_space<vmem>> -> memref<1x128xi32, #tpu.memory_space<vmem>>
      %dma_start3A_922 = tpu.memref_squeeze %dma_start3A_921 : memref<1x128xi32, #tpu.memory_space<vmem>> -> memref<128xi32, #tpu.memory_space<vmem>>
      %dma_start3A_923 = arith.constant 0 : i32
      %dma_start3A_924 = arith.constant 0 : i32
      %dma_start3A_925 = tpu.memref_slice %arg14[%dma_start3A_923, %dma_start3A_924] : memref<4096x128xf32, #tpu.memory_space<vmem_shared>> -> memref<4096x128xf32, #tpu.memory_space<vmem_shared>>
      tpu.enqueue_indirect_dma source(%dma_start3A_919 : memref<128x128xf32, #tpu.memory_space<vmem>>) target(%dma_start3A_925 : memref<4096x128xf32, #tpu.memory_space<vmem_shared>>) offsets(%dma_start3A_922 : memref<128xi32, #tpu.memory_space<vmem>>) semaphore(%arg22 : memref<!tpu.dma_semaphore, #tpu.memory_space<semaphore_mem>>) {add = true}
      %dma_wait3A_926 = arith.constant 0 : i32
      %dma_wait3A_927 = arith.constant 128 : i32
      %dma_wait3A_928 = arith.constant 0 : i32
      %dma_wait3A_929 = tpu.memref_slice %arg13[%dma_wait3A_927, %dma_wait3A_928] : memref<512x128xf32, #tpu.memory_space<vmem>> -> memref<128x128xf32, #tpu.memory_space<vmem>>
      %dma_wait3A_930 = arith.constant 0 : i32
      %dma_wait3A_931 = tpu.memref_slice %arg10[%dma_wait3A_926, %dma_wait3A_930] : memref<104x128xi32, #tpu.memory_space<vmem>> -> memref<1x128xi32, #tpu.memory_space<vmem>>
      %dma_wait3A_932 = tpu.memref_squeeze %dma_wait3A_931 : memref<1x128xi32, #tpu.memory_space<vmem>> -> memref<128xi32, #tpu.memory_space<vmem>>
      %dma_wait3A_933 = arith.constant 0 : i32
      %dma_wait3A_934 = arith.constant 0 : i32
      %dma_wait3A_935 = tpu.memref_slice %arg7[%dma_wait3A_933, %dma_wait3A_934] : memref<100000x128xf32, #tpu.memory_space<hbm>> -> memref<100000x128xf32, #tpu.memory_space<hbm>>
      tpu.wait_indirect_dma semaphore(%arg20 : memref<!tpu.dma_semaphore, #tpu.memory_space<semaphore_mem>>) src(%dma_wait3A_935 : memref<100000x128xf32, #tpu.memory_space<hbm>>) dst(%dma_wait3A_929 : memref<128x128xf32, #tpu.memory_space<vmem>>)
      %add3A_936 = arith.constant 5 : i32
      %add3A_937 = arith.addi %mul3A_766, %add3A_936 : i32
      %add3A_938 = arith.constant 4 : i32
      %add3A_939 = arith.addi %add3A_937, %add3A_938 : i32
      %dma_start3A_940 = arith.constant 128 : i32
      %dma_start3A_941 = arith.constant 0 : i32
      %dma_start3A_942 = tpu.memref_slice %arg13[%dma_start3A_940, %dma_start3A_941] : memref<512x128xf32, #tpu.memory_space<vmem>> -> memref<128x128xf32, #tpu.memory_space<vmem>>
      %dma_start3A_943 = arith.constant 0 : i32
      %dma_start3A_944 = tpu.memref_slice %arg10[%add3A_939, %dma_start3A_943] : memref<104x128xi32, #tpu.memory_space<vmem>> -> memref<1x128xi32, #tpu.memory_space<vmem>>
      %dma_start3A_945 = tpu.memref_squeeze %dma_start3A_944 : memref<1x128xi32, #tpu.memory_space<vmem>> -> memref<128xi32, #tpu.memory_space<vmem>>
      %dma_start3A_946 = arith.constant 0 : i32
      %dma_start3A_947 = arith.constant 0 : i32
      %dma_start3A_948 = tpu.memref_slice %arg7[%dma_start3A_946, %dma_start3A_947] : memref<100000x128xf32, #tpu.memory_space<hbm>> -> memref<100000x128xf32, #tpu.memory_space<hbm>>
      tpu.enqueue_indirect_dma source(%dma_start3A_948 : memref<100000x128xf32, #tpu.memory_space<hbm>>) target(%dma_start3A_942 : memref<128x128xf32, #tpu.memory_space<vmem>>) offsets(%dma_start3A_945 : memref<128xi32, #tpu.memory_space<vmem>>) semaphore(%arg16 : memref<!tpu.dma_semaphore, #tpu.memory_space<semaphore_mem>>)
    }
    %scan3A_601 = arith.constant 23 : i32
    %dma_wait3A_602 = arith.constant 0 : i32
    %dma_wait3A_603 = arith.constant 0 : i32
    %dma_wait3A_604 = arith.constant 0 : i32
    %dma_wait3A_605 = tpu.memref_slice %arg13[%dma_wait3A_603, %dma_wait3A_604] : memref<512x128xf32, #tpu.memory_space<vmem>> -> memref<128x128xf32, #tpu.memory_space<vmem>>
    %dma_wait3A_606 = arith.constant 0 : i32
    %dma_wait3A_607 = tpu.memref_slice %arg10[%dma_wait3A_602, %dma_wait3A_606] : memref<104x128xi32, #tpu.memory_space<vmem>> -> memref<1x128xi32, #tpu.memory_space<vmem>>
    %dma_wait3A_608 = tpu.memref_squeeze %dma_wait3A_607 : memref<1x128xi32, #tpu.memory_space<vmem>> -> memref<128xi32, #tpu.memory_space<vmem>>
    %dma_wait3A_609 = arith.constant 0 : i32
    %dma_wait3A_610 = arith.constant 0 : i32
    %dma_wait3A_611 = tpu.memref_slice %arg7[%dma_wait3A_609, %dma_wait3A_610] : memref<100000x128xf32, #tpu.memory_space<hbm>> -> memref<100000x128xf32, #tpu.memory_space<hbm>>
    tpu.wait_indirect_dma semaphore(%arg15 : memref<!tpu.dma_semaphore, #tpu.memory_space<semaphore_mem>>) src(%dma_wait3A_611 : memref<100000x128xf32, #tpu.memory_space<hbm>>) dst(%dma_wait3A_605 : memref<128x128xf32, #tpu.memory_space<vmem>>)
    %dma_start3A_612 = arith.constant 100 : i32
    %dma_start3A_613 = arith.constant 0 : i32
    %dma_start3A_614 = arith.constant 0 : i32
    %dma_start3A_615 = tpu.memref_slice %arg13[%dma_start3A_613, %dma_start3A_614] : memref<512x128xf32, #tpu.memory_space<vmem>> -> memref<128x128xf32, #tpu.memory_space<vmem>>
    %dma_start3A_616 = arith.constant 0 : i32
    %dma_start3A_617 = tpu.memref_slice %arg11[%dma_start3A_612, %dma_start3A_616] : memref<104x128xi32, #tpu.memory_space<vmem>> -> memref<1x128xi32, #tpu.memory_space<vmem>>
    %dma_start3A_618 = tpu.memref_squeeze %dma_start3A_617 : memref<1x128xi32, #tpu.memory_space<vmem>> -> memref<128xi32, #tpu.memory_space<vmem>>
    %dma_start3A_619 = arith.constant 0 : i32
    %dma_start3A_620 = arith.constant 0 : i32
    %dma_start3A_621 = tpu.memref_slice %arg14[%dma_start3A_619, %dma_start3A_620] : memref<4096x128xf32, #tpu.memory_space<vmem_shared>> -> memref<4096x128xf32, #tpu.memory_space<vmem_shared>>
    tpu.enqueue_indirect_dma source(%dma_start3A_615 : memref<128x128xf32, #tpu.memory_space<vmem>>) target(%dma_start3A_621 : memref<4096x128xf32, #tpu.memory_space<vmem_shared>>) offsets(%dma_start3A_618 : memref<128xi32, #tpu.memory_space<vmem>>) semaphore(%arg19 : memref<!tpu.dma_semaphore, #tpu.memory_space<semaphore_mem>>) {add = true}
    %dma_wait3A_622 = arith.constant 0 : i32
    %dma_wait3A_623 = arith.constant 256 : i32
    %dma_wait3A_624 = arith.constant 0 : i32
    %dma_wait3A_625 = tpu.memref_slice %arg13[%dma_wait3A_623, %dma_wait3A_624] : memref<512x128xf32, #tpu.memory_space<vmem>> -> memref<128x128xf32, #tpu.memory_space<vmem>>
    %dma_wait3A_626 = arith.constant 0 : i32
    %dma_wait3A_627 = tpu.memref_slice %arg10[%dma_wait3A_622, %dma_wait3A_626] : memref<104x128xi32, #tpu.memory_space<vmem>> -> memref<1x128xi32, #tpu.memory_space<vmem>>
    %dma_wait3A_628 = tpu.memref_squeeze %dma_wait3A_627 : memref<1x128xi32, #tpu.memory_space<vmem>> -> memref<128xi32, #tpu.memory_space<vmem>>
    %dma_wait3A_629 = arith.constant 0 : i32
    %dma_wait3A_630 = arith.constant 0 : i32
    %dma_wait3A_631 = tpu.memref_slice %arg7[%dma_wait3A_629, %dma_wait3A_630] : memref<100000x128xf32, #tpu.memory_space<hbm>> -> memref<100000x128xf32, #tpu.memory_space<hbm>>
    tpu.wait_indirect_dma semaphore(%arg21 : memref<!tpu.dma_semaphore, #tpu.memory_space<semaphore_mem>>) src(%dma_wait3A_631 : memref<100000x128xf32, #tpu.memory_space<hbm>>) dst(%dma_wait3A_625 : memref<128x128xf32, #tpu.memory_space<vmem>>)
    %dma_start3A_632 = arith.constant 102 : i32
    %dma_start3A_633 = arith.constant 256 : i32
    %dma_start3A_634 = arith.constant 0 : i32
    %dma_start3A_635 = tpu.memref_slice %arg13[%dma_start3A_633, %dma_start3A_634] : memref<512x128xf32, #tpu.memory_space<vmem>> -> memref<128x128xf32, #tpu.memory_space<vmem>>
    %dma_start3A_636 = arith.constant 0 : i32
    %dma_start3A_637 = tpu.memref_slice %arg10[%dma_start3A_632, %dma_start3A_636] : memref<104x128xi32, #tpu.memory_space<vmem>> -> memref<1x128xi32, #tpu.memory_space<vmem>>
    %dma_start3A_638 = tpu.memref_squeeze %dma_start3A_637 : memref<1x128xi32, #tpu.memory_space<vmem>> -> memref<128xi32, #tpu.memory_space<vmem>>
    %dma_start3A_639 = arith.constant 0 : i32
    %dma_start3A_640 = arith.constant 0 : i32
    %dma_start3A_641 = tpu.memref_slice %arg7[%dma_start3A_639, %dma_start3A_640] : memref<100000x128xf32, #tpu.memory_space<hbm>> -> memref<100000x128xf32, #tpu.memory_space<hbm>>
    tpu.enqueue_indirect_dma source(%dma_start3A_641 : memref<100000x128xf32, #tpu.memory_space<hbm>>) target(%dma_start3A_635 : memref<128x128xf32, #tpu.memory_space<vmem>>) offsets(%dma_start3A_638 : memref<128xi32, #tpu.memory_space<vmem>>) semaphore(%arg17 : memref<!tpu.dma_semaphore, #tpu.memory_space<semaphore_mem>>)
    %dma_wait3A_642 = arith.constant 0 : i32
    %dma_wait3A_643 = arith.constant 128 : i32
    %dma_wait3A_644 = arith.constant 0 : i32
    %dma_wait3A_645 = tpu.memref_slice %arg13[%dma_wait3A_643, %dma_wait3A_644] : memref<512x128xf32, #tpu.memory_space<vmem>> -> memref<128x128xf32, #tpu.memory_space<vmem>>
    %dma_wait3A_646 = arith.constant 0 : i32
    %dma_wait3A_647 = tpu.memref_slice %arg10[%dma_wait3A_642, %dma_wait3A_646] : memref<104x128xi32, #tpu.memory_space<vmem>> -> memref<1x128xi32, #tpu.memory_space<vmem>>
    %dma_wait3A_648 = tpu.memref_squeeze %dma_wait3A_647 : memref<1x128xi32, #tpu.memory_space<vmem>> -> memref<128xi32, #tpu.memory_space<vmem>>
    %dma_wait3A_649 = arith.constant 0 : i32
    %dma_wait3A_650 = arith.constant 0 : i32
    %dma_wait3A_651 = tpu.memref_slice %arg7[%dma_wait3A_649, %dma_wait3A_650] : memref<100000x128xf32, #tpu.memory_space<hbm>> -> memref<100000x128xf32, #tpu.memory_space<hbm>>
    tpu.wait_indirect_dma semaphore(%arg16 : memref<!tpu.dma_semaphore, #tpu.memory_space<semaphore_mem>>) src(%dma_wait3A_651 : memref<100000x128xf32, #tpu.memory_space<hbm>>) dst(%dma_wait3A_645 : memref<128x128xf32, #tpu.memory_space<vmem>>)
    %dma_start3A_652 = arith.constant 101 : i32
    %dma_start3A_653 = arith.constant 128 : i32
    %dma_start3A_654 = arith.constant 0 : i32
    %dma_start3A_655 = tpu.memref_slice %arg13[%dma_start3A_653, %dma_start3A_654] : memref<512x128xf32, #tpu.memory_space<vmem>> -> memref<128x128xf32, #tpu.memory_space<vmem>>
    %dma_start3A_656 = arith.constant 0 : i32
    %dma_start3A_657 = tpu.memref_slice %arg11[%dma_start3A_652, %dma_start3A_656] : memref<104x128xi32, #tpu.memory_space<vmem>> -> memref<1x128xi32, #tpu.memory_space<vmem>>
    %dma_start3A_658 = tpu.memref_squeeze %dma_start3A_657 : memref<1x128xi32, #tpu.memory_space<vmem>> -> memref<128xi32, #tpu.memory_space<vmem>>
    %dma_start3A_659 = arith.constant 0 : i32
    %dma_start3A_660 = arith.constant 0 : i32
    %dma_start3A_661 = tpu.memref_slice %arg14[%dma_start3A_659, %dma_start3A_660] : memref<4096x128xf32, #tpu.memory_space<vmem_shared>> -> memref<4096x128xf32, #tpu.memory_space<vmem_shared>>
    tpu.enqueue_indirect_dma source(%dma_start3A_655 : memref<128x128xf32, #tpu.memory_space<vmem>>) target(%dma_start3A_661 : memref<4096x128xf32, #tpu.memory_space<vmem_shared>>) offsets(%dma_start3A_658 : memref<128xi32, #tpu.memory_space<vmem>>) semaphore(%arg20 : memref<!tpu.dma_semaphore, #tpu.memory_space<semaphore_mem>>) {add = true}
    %dma_wait3A_662 = arith.constant 0 : i32
    %dma_wait3A_663 = arith.constant 384 : i32
    %dma_wait3A_664 = arith.constant 0 : i32
    %dma_wait3A_665 = tpu.memref_slice %arg13[%dma_wait3A_663, %dma_wait3A_664] : memref<512x128xf32, #tpu.memory_space<vmem>> -> memref<128x128xf32, #tpu.memory_space<vmem>>
    %dma_wait3A_666 = arith.constant 0 : i32
    %dma_wait3A_667 = tpu.memref_slice %arg10[%dma_wait3A_662, %dma_wait3A_666] : memref<104x128xi32, #tpu.memory_space<vmem>> -> memref<1x128xi32, #tpu.memory_space<vmem>>
    %dma_wait3A_668 = tpu.memref_squeeze %dma_wait3A_667 : memref<1x128xi32, #tpu.memory_space<vmem>> -> memref<128xi32, #tpu.memory_space<vmem>>
    %dma_wait3A_669 = arith.constant 0 : i32
    %dma_wait3A_670 = arith.constant 0 : i32
    %dma_wait3A_671 = tpu.memref_slice %arg7[%dma_wait3A_669, %dma_wait3A_670] : memref<100000x128xf32, #tpu.memory_space<hbm>> -> memref<100000x128xf32, #tpu.memory_space<hbm>>
    tpu.wait_indirect_dma semaphore(%arg22 : memref<!tpu.dma_semaphore, #tpu.memory_space<semaphore_mem>>) src(%dma_wait3A_671 : memref<100000x128xf32, #tpu.memory_space<hbm>>) dst(%dma_wait3A_665 : memref<128x128xf32, #tpu.memory_space<vmem>>)
    %dma_start3A_672 = arith.constant 103 : i32
    %dma_start3A_673 = arith.constant 384 : i32
    %dma_start3A_674 = arith.constant 0 : i32
    %dma_start3A_675 = tpu.memref_slice %arg13[%dma_start3A_673, %dma_start3A_674] : memref<512x128xf32, #tpu.memory_space<vmem>> -> memref<128x128xf32, #tpu.memory_space<vmem>>
    %dma_start3A_676 = arith.constant 0 : i32
    %dma_start3A_677 = tpu.memref_slice %arg10[%dma_start3A_672, %dma_start3A_676] : memref<104x128xi32, #tpu.memory_space<vmem>> -> memref<1x128xi32, #tpu.memory_space<vmem>>
    %dma_start3A_678 = tpu.memref_squeeze %dma_start3A_677 : memref<1x128xi32, #tpu.memory_space<vmem>> -> memref<128xi32, #tpu.memory_space<vmem>>
    %dma_start3A_679 = arith.constant 0 : i32
    %dma_start3A_680 = arith.constant 0 : i32
    %dma_start3A_681 = tpu.memref_slice %arg7[%dma_start3A_679, %dma_start3A_680] : memref<100000x128xf32, #tpu.memory_space<hbm>> -> memref<100000x128xf32, #tpu.memory_space<hbm>>
    tpu.enqueue_indirect_dma source(%dma_start3A_681 : memref<100000x128xf32, #tpu.memory_space<hbm>>) target(%dma_start3A_675 : memref<128x128xf32, #tpu.memory_space<vmem>>) offsets(%dma_start3A_678 : memref<128xi32, #tpu.memory_space<vmem>>) semaphore(%arg18 : memref<!tpu.dma_semaphore, #tpu.memory_space<semaphore_mem>>)
    %dma_wait3A_682 = arith.constant 0 : i32
    %dma_wait3A_683 = arith.constant 256 : i32
    %dma_wait3A_684 = arith.constant 0 : i32
    %dma_wait3A_685 = tpu.memref_slice %arg13[%dma_wait3A_683, %dma_wait3A_684] : memref<512x128xf32, #tpu.memory_space<vmem>> -> memref<128x128xf32, #tpu.memory_space<vmem>>
    %dma_wait3A_686 = arith.constant 0 : i32
    %dma_wait3A_687 = tpu.memref_slice %arg10[%dma_wait3A_682, %dma_wait3A_686] : memref<104x128xi32, #tpu.memory_space<vmem>> -> memref<1x128xi32, #tpu.memory_space<vmem>>
    %dma_wait3A_688 = tpu.memref_squeeze %dma_wait3A_687 : memref<1x128xi32, #tpu.memory_space<vmem>> -> memref<128xi32, #tpu.memory_space<vmem>>
    %dma_wait3A_689 = arith.constant 0 : i32
    %dma_wait3A_690 = arith.constant 0 : i32
    %dma_wait3A_691 = tpu.memref_slice %arg7[%dma_wait3A_689, %dma_wait3A_690] : memref<100000x128xf32, #tpu.memory_space<hbm>> -> memref<100000x128xf32, #tpu.memory_space<hbm>>
    tpu.wait_indirect_dma semaphore(%arg17 : memref<!tpu.dma_semaphore, #tpu.memory_space<semaphore_mem>>) src(%dma_wait3A_691 : memref<100000x128xf32, #tpu.memory_space<hbm>>) dst(%dma_wait3A_685 : memref<128x128xf32, #tpu.memory_space<vmem>>)
    %dma_start3A_692 = arith.constant 102 : i32
    %dma_start3A_693 = arith.constant 256 : i32
    %dma_start3A_694 = arith.constant 0 : i32
    %dma_start3A_695 = tpu.memref_slice %arg13[%dma_start3A_693, %dma_start3A_694] : memref<512x128xf32, #tpu.memory_space<vmem>> -> memref<128x128xf32, #tpu.memory_space<vmem>>
    %dma_start3A_696 = arith.constant 0 : i32
    %dma_start3A_697 = tpu.memref_slice %arg11[%dma_start3A_692, %dma_start3A_696] : memref<104x128xi32, #tpu.memory_space<vmem>> -> memref<1x128xi32, #tpu.memory_space<vmem>>
    %dma_start3A_698 = tpu.memref_squeeze %dma_start3A_697 : memref<1x128xi32, #tpu.memory_space<vmem>> -> memref<128xi32, #tpu.memory_space<vmem>>
    %dma_start3A_699 = arith.constant 0 : i32
    %dma_start3A_700 = arith.constant 0 : i32
    %dma_start3A_701 = tpu.memref_slice %arg14[%dma_start3A_699, %dma_start3A_700] : memref<4096x128xf32, #tpu.memory_space<vmem_shared>> -> memref<4096x128xf32, #tpu.memory_space<vmem_shared>>
    tpu.enqueue_indirect_dma source(%dma_start3A_695 : memref<128x128xf32, #tpu.memory_space<vmem>>) target(%dma_start3A_701 : memref<4096x128xf32, #tpu.memory_space<vmem_shared>>) offsets(%dma_start3A_698 : memref<128xi32, #tpu.memory_space<vmem>>) semaphore(%arg21 : memref<!tpu.dma_semaphore, #tpu.memory_space<semaphore_mem>>) {add = true}
    %dma_wait3A_702 = arith.constant 0 : i32
    %dma_wait3A_703 = arith.constant 0 : i32
    %dma_wait3A_704 = arith.constant 0 : i32
    %dma_wait3A_705 = tpu.memref_slice %arg13[%dma_wait3A_703, %dma_wait3A_704] : memref<512x128xf32, #tpu.memory_space<vmem>> -> memref<128x128xf32, #tpu.memory_space<vmem>>
    %dma_wait3A_706 = arith.constant 0 : i32
    %dma_wait3A_707 = tpu.memref_slice %arg10[%dma_wait3A_702, %dma_wait3A_706] : memref<104x128xi32, #tpu.memory_space<vmem>> -> memref<1x128xi32, #tpu.memory_space<vmem>>
    %dma_wait3A_708 = tpu.memref_squeeze %dma_wait3A_707 : memref<1x128xi32, #tpu.memory_space<vmem>> -> memref<128xi32, #tpu.memory_space<vmem>>
    %dma_wait3A_709 = arith.constant 0 : i32
    %dma_wait3A_710 = arith.constant 0 : i32
    %dma_wait3A_711 = tpu.memref_slice %arg7[%dma_wait3A_709, %dma_wait3A_710] : memref<100000x128xf32, #tpu.memory_space<hbm>> -> memref<100000x128xf32, #tpu.memory_space<hbm>>
    tpu.wait_indirect_dma semaphore(%arg19 : memref<!tpu.dma_semaphore, #tpu.memory_space<semaphore_mem>>) src(%dma_wait3A_711 : memref<100000x128xf32, #tpu.memory_space<hbm>>) dst(%dma_wait3A_705 : memref<128x128xf32, #tpu.memory_space<vmem>>)
    %dma_wait3A_712 = arith.constant 0 : i32
    %dma_wait3A_713 = arith.constant 384 : i32
    %dma_wait3A_714 = arith.constant 0 : i32
    %dma_wait3A_715 = tpu.memref_slice %arg13[%dma_wait3A_713, %dma_wait3A_714] : memref<512x128xf32, #tpu.memory_space<vmem>> -> memref<128x128xf32, #tpu.memory_space<vmem>>
    %dma_wait3A_716 = arith.constant 0 : i32
    %dma_wait3A_717 = tpu.memref_slice %arg10[%dma_wait3A_712, %dma_wait3A_716] : memref<104x128xi32, #tpu.memory_space<vmem>> -> memref<1x128xi32, #tpu.memory_space<vmem>>
    %dma_wait3A_718 = tpu.memref_squeeze %dma_wait3A_717 : memref<1x128xi32, #tpu.memory_space<vmem>> -> memref<128xi32, #tpu.memory_space<vmem>>
    %dma_wait3A_719 = arith.constant 0 : i32
    %dma_wait3A_720 = arith.constant 0 : i32
    %dma_wait3A_721 = tpu.memref_slice %arg7[%dma_wait3A_719, %dma_wait3A_720] : memref<100000x128xf32, #tpu.memory_space<hbm>> -> memref<100000x128xf32, #tpu.memory_space<hbm>>
    tpu.wait_indirect_dma semaphore(%arg18 : memref<!tpu.dma_semaphore, #tpu.memory_space<semaphore_mem>>) src(%dma_wait3A_721 : memref<100000x128xf32, #tpu.memory_space<hbm>>) dst(%dma_wait3A_715 : memref<128x128xf32, #tpu.memory_space<vmem>>)
    %dma_start3A_722 = arith.constant 103 : i32
    %dma_start3A_723 = arith.constant 384 : i32
    %dma_start3A_724 = arith.constant 0 : i32
    %dma_start3A_725 = tpu.memref_slice %arg13[%dma_start3A_723, %dma_start3A_724] : memref<512x128xf32, #tpu.memory_space<vmem>> -> memref<128x128xf32, #tpu.memory_space<vmem>>
    %dma_start3A_726 = arith.constant 0 : i32
    %dma_start3A_727 = tpu.memref_slice %arg11[%dma_start3A_722, %dma_start3A_726] : memref<104x128xi32, #tpu.memory_space<vmem>> -> memref<1x128xi32, #tpu.memory_space<vmem>>
    %dma_start3A_728 = tpu.memref_squeeze %dma_start3A_727 : memref<1x128xi32, #tpu.memory_space<vmem>> -> memref<128xi32, #tpu.memory_space<vmem>>
    %dma_start3A_729 = arith.constant 0 : i32
    %dma_start3A_730 = arith.constant 0 : i32
    %dma_start3A_731 = tpu.memref_slice %arg14[%dma_start3A_729, %dma_start3A_730] : memref<4096x128xf32, #tpu.memory_space<vmem_shared>> -> memref<4096x128xf32, #tpu.memory_space<vmem_shared>>
    tpu.enqueue_indirect_dma source(%dma_start3A_725 : memref<128x128xf32, #tpu.memory_space<vmem>>) target(%dma_start3A_731 : memref<4096x128xf32, #tpu.memory_space<vmem_shared>>) offsets(%dma_start3A_728 : memref<128xi32, #tpu.memory_space<vmem>>) semaphore(%arg22 : memref<!tpu.dma_semaphore, #tpu.memory_space<semaphore_mem>>) {add = true}
    %dma_wait3A_732 = arith.constant 0 : i32
    %dma_wait3A_733 = arith.constant 128 : i32
    %dma_wait3A_734 = arith.constant 0 : i32
    %dma_wait3A_735 = tpu.memref_slice %arg13[%dma_wait3A_733, %dma_wait3A_734] : memref<512x128xf32, #tpu.memory_space<vmem>> -> memref<128x128xf32, #tpu.memory_space<vmem>>
    %dma_wait3A_736 = arith.constant 0 : i32
    %dma_wait3A_737 = tpu.memref_slice %arg10[%dma_wait3A_732, %dma_wait3A_736] : memref<104x128xi32, #tpu.memory_space<vmem>> -> memref<1x128xi32, #tpu.memory_space<vmem>>
    %dma_wait3A_738 = tpu.memref_squeeze %dma_wait3A_737 : memref<1x128xi32, #tpu.memory_space<vmem>> -> memref<128xi32, #tpu.memory_space<vmem>>
    %dma_wait3A_739 = arith.constant 0 : i32
    %dma_wait3A_740 = arith.constant 0 : i32
    %dma_wait3A_741 = tpu.memref_slice %arg7[%dma_wait3A_739, %dma_wait3A_740] : memref<100000x128xf32, #tpu.memory_space<hbm>> -> memref<100000x128xf32, #tpu.memory_space<hbm>>
    tpu.wait_indirect_dma semaphore(%arg20 : memref<!tpu.dma_semaphore, #tpu.memory_space<semaphore_mem>>) src(%dma_wait3A_741 : memref<100000x128xf32, #tpu.memory_space<hbm>>) dst(%dma_wait3A_735 : memref<128x128xf32, #tpu.memory_space<vmem>>)
    %dma_wait3A_742 = arith.constant 0 : i32
    %dma_wait3A_743 = arith.constant 256 : i32
    %dma_wait3A_744 = arith.constant 0 : i32
    %dma_wait3A_745 = tpu.memref_slice %arg13[%dma_wait3A_743, %dma_wait3A_744] : memref<512x128xf32, #tpu.memory_space<vmem>> -> memref<128x128xf32, #tpu.memory_space<vmem>>
    %dma_wait3A_746 = arith.constant 0 : i32
    %dma_wait3A_747 = tpu.memref_slice %arg10[%dma_wait3A_742, %dma_wait3A_746] : memref<104x128xi32, #tpu.memory_space<vmem>> -> memref<1x128xi32, #tpu.memory_space<vmem>>
    %dma_wait3A_748 = tpu.memref_squeeze %dma_wait3A_747 : memref<1x128xi32, #tpu.memory_space<vmem>> -> memref<128xi32, #tpu.memory_space<vmem>>
    %dma_wait3A_749 = arith.constant 0 : i32
    %dma_wait3A_750 = arith.constant 0 : i32
    %dma_wait3A_751 = tpu.memref_slice %arg7[%dma_wait3A_749, %dma_wait3A_750] : memref<100000x128xf32, #tpu.memory_space<hbm>> -> memref<100000x128xf32, #tpu.memory_space<hbm>>
    tpu.wait_indirect_dma semaphore(%arg21 : memref<!tpu.dma_semaphore, #tpu.memory_space<semaphore_mem>>) src(%dma_wait3A_751 : memref<100000x128xf32, #tpu.memory_space<hbm>>) dst(%dma_wait3A_745 : memref<128x128xf32, #tpu.memory_space<vmem>>)
    %dma_wait3A_752 = arith.constant 0 : i32
    %dma_wait3A_753 = arith.constant 384 : i32
    %dma_wait3A_754 = arith.constant 0 : i32
    %dma_wait3A_755 = tpu.memref_slice %arg13[%dma_wait3A_753, %dma_wait3A_754] : memref<512x128xf32, #tpu.memory_space<vmem>> -> memref<128x128xf32, #tpu.memory_space<vmem>>
    %dma_wait3A_756 = arith.constant 0 : i32
    %dma_wait3A_757 = tpu.memref_slice %arg10[%dma_wait3A_752, %dma_wait3A_756] : memref<104x128xi32, #tpu.memory_space<vmem>> -> memref<1x128xi32, #tpu.memory_space<vmem>>
    %dma_wait3A_758 = tpu.memref_squeeze %dma_wait3A_757 : memref<1x128xi32, #tpu.memory_space<vmem>> -> memref<128xi32, #tpu.memory_space<vmem>>
    %dma_wait3A_759 = arith.constant 0 : i32
    %dma_wait3A_760 = arith.constant 0 : i32
    %dma_wait3A_761 = tpu.memref_slice %arg7[%dma_wait3A_759, %dma_wait3A_760] : memref<100000x128xf32, #tpu.memory_space<hbm>> -> memref<100000x128xf32, #tpu.memory_space<hbm>>
    tpu.wait_indirect_dma semaphore(%arg22 : memref<!tpu.dma_semaphore, #tpu.memory_space<semaphore_mem>>) src(%dma_wait3A_761 : memref<100000x128xf32, #tpu.memory_space<hbm>>) dst(%dma_wait3A_755 : memref<128x128xf32, #tpu.memory_space<vmem>>)
    %add3A_762 = arith.constant 256 : i32
    %add3A_763 = arith.addi %mul3A_2, %add3A_762 : i32
    "tpu.region"() ({
      %run_scoped3A = tpu.sem_alloc : memref<!tpu.dma_semaphore, #tpu.memory_space<semaphore_mem>>
      %dma_start3A_764 = arith.constant 0 : i32
      %dma_start3A_765 = tpu.memref_slice %arg9[%add3A_763, %dma_start3A_764] : memref<16384x128xf32, #tpu.memory_space<hbm>> -> memref<256x128xf32, #tpu.memory_space<hbm>>
      %dma_start3A_766 = arith.constant 0 : i32
      %dma_start3A_767 = tpu.memref_slice %arg14[%mul3A_4, %dma_start3A_766] : memref<4096x128xf32, #tpu.memory_space<vmem_shared>> -> memref<256x128xf32, #tpu.memory_space<vmem_shared>>
      tpu.enqueue_dma source(%dma_start3A_767 : memref<256x128xf32, #tpu.memory_space<vmem_shared>>) target(%dma_start3A_765 : memref<256x128xf32, #tpu.memory_space<hbm>>) target_semaphore(%run_scoped3A : memref<!tpu.dma_semaphore, #tpu.memory_space<semaphore_mem>>)
      %dma_wait3A_768 = arith.constant 0 : i32
      %dma_wait3A_769 = tpu.memref_slice %arg9[%add3A_763, %dma_wait3A_768] : memref<16384x128xf32, #tpu.memory_space<hbm>> -> memref<256x128xf32, #tpu.memory_space<hbm>>
      %dma_wait3A_770 = arith.constant 0 : i32
      %dma_wait3A_771 = tpu.memref_slice %arg14[%mul3A_4, %dma_wait3A_770] : memref<4096x128xf32, #tpu.memory_space<vmem_shared>> -> memref<256x128xf32, #tpu.memory_space<vmem_shared>>
      tpu.wait_dma2 semaphore(%run_scoped3A : memref<!tpu.dma_semaphore, #tpu.memory_space<semaphore_mem>>) src(%dma_wait3A_771 : memref<256x128xf32, #tpu.memory_space<vmem_shared>>) dst(%dma_wait3A_769 : memref<256x128xf32, #tpu.memory_space<hbm>>)
      tpu.yield
    }) : () -> ()
    return
  }
}

module attributes {stable_mosaic.version = 14 : i64} {
  func.func @body(%arg0: i32, %arg1: memref<100x2048xf32, #tpu.memory_space<vmem>>, %arg2: memref<2048x128xf32, #tpu.memory_space<vmem>>) attributes {dimension_semantics = [#tpu.dimension_semantics<arbitrary>], iteration_bounds = array<i64: 49>, scalar_prefetch = 0 : i64, scratch_operands = 0 : i64, tpu.core_type = #tpu.core_type<tc>, window_params = [{transform_indices = @transform_0, window_bounds = array<i64: 100, 2048>}, {transform_indices = @transform_1, window_bounds = array<i64: 2048, 128>}]} {
    %get3A = arith.constant 0 : index
    %get3A_0 = arith.constant 0 : index
    %get3A_1 = vector.load %arg1[%get3A, %get3A_0] : memref<100x2048xf32, #tpu.memory_space<vmem>>, vector<100x2048xf32>
    %transpose3A = tpu.transpose %get3A_1, [1, 0] : vector<100x2048xf32> -> vector<2048x100xf32>
    %broadcast_in_dim3A = arith.constant 0.000000e+00 : f32
    %broadcast_in_dim3A_2 = vector.broadcast %broadcast_in_dim3A : f32 to vector<2048x28xf32>
    %concatenate3A = tpu.concatenate %transpose3A, %broadcast_in_dim3A_2 in 1 : vector<2048x100xf32>, vector<2048x28xf32> -> vector<2048x128xf32>
    %swap3A = arith.constant 0 : index
    %swap3A_3 = arith.constant 0 : index
    %swap3A_4 = vector.load %arg2[%swap3A, %swap3A_3] : memref<2048x128xf32, #tpu.memory_space<vmem>>, vector<2048x128xf32>
    tpu.vector_store %arg2[%swap3A, %swap3A_3], %concatenate3A {strides = array<i32>} : memref<2048x128xf32, #tpu.memory_space<vmem>>, vector<2048x128xf32>,
    return
  }
  func.func @transform_0(%arg0: i32) -> (i32, i32) {
    %c0_i32 = arith.constant 0 : i32
    %c0_i32_0 = arith.constant 0 : i32
    return %c0_i32, %arg0 : i32, i32
  }
  func.func @transform_1(%arg0: i32) -> (i32, i32) {
    %c0_i32 = arith.constant 0 : i32
    %c0_i32_0 = arith.constant 0 : i32
    return %arg0, %c0_i32 : i32, i32
  }
}

module attributes {stable_mosaic.version = 14 : i64} {
  func.func @body(%arg0: i32, %arg1: memref<50x2048xf32, #tpu.memory_space<vmem>>, %arg2: memref<2048x128xf32, #tpu.memory_space<vmem>>) attributes {dimension_semantics = [#tpu.dimension_semantics<arbitrary>], iteration_bounds = array<i64: 49>, scalar_prefetch = 0 : i64, scratch_operands = 0 : i64, tpu.core_type = #tpu.core_type<tc>, window_params = [{transform_indices = @transform_0, window_bounds = array<i64: 50, 2048>}, {transform_indices = @transform_1, window_bounds = array<i64: 2048, 128>}]} {
    %get3A = arith.constant 0 : index
    %get3A_0 = arith.constant 0 : index
    %get3A_1 = vector.load %arg1[%get3A, %get3A_0] : memref<50x2048xf32, #tpu.memory_space<vmem>>, vector<50x2048xf32>
    %transpose3A = tpu.transpose %get3A_1, [1, 0] : vector<50x2048xf32> -> vector<2048x50xf32>
    %broadcast_in_dim3A = arith.constant 0.000000e+00 : f32
    %broadcast_in_dim3A_2 = vector.broadcast %broadcast_in_dim3A : f32 to vector<2048x78xf32>
    %concatenate3A = tpu.concatenate %transpose3A, %broadcast_in_dim3A_2 in 1 : vector<2048x50xf32>, vector<2048x78xf32> -> vector<2048x128xf32>
    %swap3A = arith.constant 0 : index
    %swap3A_3 = arith.constant 0 : index
    %swap3A_4 = vector.load %arg2[%swap3A, %swap3A_3] : memref<2048x128xf32, #tpu.memory_space<vmem>>, vector<2048x128xf32>
    tpu.vector_store %arg2[%swap3A, %swap3A_3], %concatenate3A {strides = array<i32>} : memref<2048x128xf32, #tpu.memory_space<vmem>>, vector<2048x128xf32>,
    return
  }
  func.func @transform_0(%arg0: i32) -> (i32, i32) {
    %c0_i32 = arith.constant 0 : i32
    %c0_i32_0 = arith.constant 0 : i32
    return %c0_i32, %arg0 : i32, i32
  }
  func.func @transform_1(%arg0: i32) -> (i32, i32) {
    %c0_i32 = arith.constant 0 : i32
    %c0_i32_0 = arith.constant 0 : i32
    return %arg0, %c0_i32 : i32, i32
  }
}

module attributes {stable_mosaic.version = 14 : i64} {
  func.func @body(%arg0: i32, %arg1: memref<2048x100xf32, #tpu.memory_space<vmem>>, %arg2: memref<2048x128xf32, #tpu.memory_space<vmem>>, %arg3: memref<2048x20xf32, #tpu.memory_space<vmem>>, %arg4: memref<2048x128xf32, #tpu.memory_space<vmem>>, %arg5: memref<2048x7xf32, #tpu.memory_space<vmem>>, %arg6: memref<100x128xf32, #tpu.memory_space<vmem>>, %arg7: memref<128x128xf32, #tpu.memory_space<vmem>>, %arg8: memref<20x128xf32, #tpu.memory_space<vmem>>, %arg9: memref<128x128xf32, #tpu.memory_space<vmem>>, %arg10: memref<7x128xf32, #tpu.memory_space<vmem>>, %arg11: memref<1x128xf32, #tpu.memory_space<vmem>>, %arg12: memref<1x128xf32, #tpu.memory_space<vmem>>, %arg13: memref<1x1xf32, #tpu.memory_space<vmem>>, %arg14: memref<2048xf32, #tpu.memory_space<vmem>>) attributes {dimension_semantics = [#tpu.dimension_semantics<arbitrary>], iteration_bounds = array<i64: 8>, scalar_prefetch = 0 : i64, scratch_operands = 0 : i64, tpu.core_type = #tpu.core_type<tc>, window_params = [{transform_indices = @transform_0, window_bounds = array<i64: 2048, 100>}, {transform_indices = @transform_1, window_bounds = array<i64: 2048, 128>}, {transform_indices = @transform_2, window_bounds = array<i64: 2048, 20>}, {transform_indices = @transform_3, window_bounds = array<i64: 2048, 128>}, {transform_indices = @transform_4, window_bounds = array<i64: 2048, 7>}, {pipeline_mode = #tpu.pipeline_mode<synchronous>, transform_indices = @transform_5, window_bounds = array<i64: 100, 128>}, {pipeline_mode = #tpu.pipeline_mode<synchronous>, transform_indices = @transform_6, window_bounds = array<i64: 128, 128>}, {pipeline_mode = #tpu.pipeline_mode<synchronous>, transform_indices = @transform_7, window_bounds = array<i64: 20, 128>}, {pipeline_mode = #tpu.pipeline_mode<synchronous>, transform_indices = @transform_8, window_bounds = array<i64: 128, 128>}, {pipeline_mode = #tpu.pipeline_mode<synchronous>, transform_indices = @transform_9, window_bounds = array<i64: 7, 128>}, {pipeline_mode = #tpu.pipeline_mode<synchronous>, transform_indices = @transform_10, window_bounds = array<i64: 1, 128>}, {pipeline_mode = #tpu.pipeline_mode<synchronous>, transform_indices = @transform_11, window_bounds = array<i64: 1, 128>}, {pipeline_mode = #tpu.pipeline_mode<synchronous>, transform_indices = @transform_12, window_bounds = array<i64: 1, 1>}, {transform_indices = @transform_13, window_bounds = array<i64: 2048>}]} {
    %get3A = arith.constant 0 : index
    %get3A_0 = arith.constant 0 : index
    %get3A_1 = vector.load %arg1[%get3A, %get3A_0] : memref<2048x100xf32, #tpu.memory_space<vmem>>, vector<2048x100xf32>
    %get3A_2 = arith.constant 0 : index
    %get3A_3 = arith.constant 0 : index
    %get3A_4 = vector.load %arg6[%get3A_2, %get3A_3] : memref<100x128xf32, #tpu.memory_space<vmem>>, vector<100x128xf32>
    %dot_general3A = arith.constant dense<0.000000e+00> : vector<2048x128xf32>
    %dot_general3A_5 = tpu.matmul %get3A_1, %get3A_4, %dot_general3A {dimension_numbers = #tpu.dot_dimension_numbers<[1], [0], [0], [1], [0, 0, 1, 1], [], []>, transpose_lhs_hint = false} : vector<2048x100xf32>, vector<100x128xf32>, vector<2048x128xf32> -> vector<2048x128xf32>
    %get3A_6 = arith.constant 0 : index
    %get3A_7 = arith.constant 0 : index
    %get3A_8 = vector.load %arg2[%get3A_6, %get3A_7] : memref<2048x128xf32, #tpu.memory_space<vmem>>, vector<2048x128xf32>
    %get3A_9 = arith.constant 0 : index
    %get3A_10 = arith.constant 0 : index
    %get3A_11 = vector.load %arg7[%get3A_9, %get3A_10] : memref<128x128xf32, #tpu.memory_space<vmem>>, vector<128x128xf32>
    %dot_general3A_12 = arith.constant dense<0.000000e+00> : vector<2048x128xf32>
    %dot_general3A_13 = tpu.matmul %get3A_8, %get3A_11, %dot_general3A_12 {dimension_numbers = #tpu.dot_dimension_numbers<[1], [0], [0], [1], [0, 0, 1, 1], [], []>, transpose_lhs_hint = false} : vector<2048x128xf32>, vector<128x128xf32>, vector<2048x128xf32> -> vector<2048x128xf32>
    %add3A = arith.addf %dot_general3A_5, %dot_general3A_13 : vector<2048x128xf32>
    %get3A_14 = arith.constant 0 : index
    %get3A_15 = arith.constant 0 : index
    %get3A_16 = vector.load %arg3[%get3A_14, %get3A_15] : memref<2048x20xf32, #tpu.memory_space<vmem>>, vector<2048x20xf32>
    %get3A_17 = arith.constant 0 : index
    %get3A_18 = arith.constant 0 : index
    %get3A_19 = vector.load %arg8[%get3A_17, %get3A_18] : memref<20x128xf32, #tpu.memory_space<vmem>>, vector<20x128xf32>
    %dot_general3A_20 = arith.constant dense<0.000000e+00> : vector<2048x128xf32>
    %dot_general3A_21 = tpu.matmul %get3A_16, %get3A_19, %dot_general3A_20 {dimension_numbers = #tpu.dot_dimension_numbers<[1], [0], [0], [1], [0, 0, 1, 1], [], []>, transpose_lhs_hint = false} : vector<2048x20xf32>, vector<20x128xf32>, vector<2048x128xf32> -> vector<2048x128xf32>
    %add3A_22 = arith.addf %add3A, %dot_general3A_21 : vector<2048x128xf32>
    %get3A_23 = arith.constant 0 : index
    %get3A_24 = arith.constant 0 : index
    %get3A_25 = vector.load %arg4[%get3A_23, %get3A_24] : memref<2048x128xf32, #tpu.memory_space<vmem>>, vector<2048x128xf32>
    %mul3A = arith.constant 2.000000e-02 : f32
    %mul3A_26 = vector.broadcast %mul3A : f32 to vector<2048x128xf32>
    %mul3A_27 = arith.mulf %get3A_25, %mul3A_26 : vector<2048x128xf32>
    %get3A_28 = arith.constant 0 : index
    %get3A_29 = arith.constant 0 : index
    %get3A_30 = vector.load %arg9[%get3A_28, %get3A_29] : memref<128x128xf32, #tpu.memory_space<vmem>>, vector<128x128xf32>
    %dot_general3A_31 = arith.constant dense<0.000000e+00> : vector<2048x128xf32>
    %dot_general3A_32 = tpu.matmul %mul3A_27, %get3A_30, %dot_general3A_31 {dimension_numbers = #tpu.dot_dimension_numbers<[1], [0], [0], [1], [0, 0, 1, 1], [], []>, transpose_lhs_hint = false} : vector<2048x128xf32>, vector<128x128xf32>, vector<2048x128xf32> -> vector<2048x128xf32>
    %add3A_33 = arith.addf %add3A_22, %dot_general3A_32 : vector<2048x128xf32>
    %get3A_34 = arith.constant 0 : index
    %get3A_35 = arith.constant 0 : index
    %get3A_36 = vector.load %arg5[%get3A_34, %get3A_35] : memref<2048x7xf32, #tpu.memory_space<vmem>>, vector<2048x7xf32>
    %get3A_37 = arith.constant 0 : index
    %get3A_38 = arith.constant 0 : index
    %get3A_39 = vector.load %arg10[%get3A_37, %get3A_38] : memref<7x128xf32, #tpu.memory_space<vmem>>, vector<7x128xf32>
    %dot_general3A_40 = arith.constant dense<0.000000e+00> : vector<2048x128xf32>
    %dot_general3A_41 = tpu.matmul %get3A_36, %get3A_39, %dot_general3A_40 {dimension_numbers = #tpu.dot_dimension_numbers<[1], [0], [0], [1], [0, 0, 1, 1], [], []>, transpose_lhs_hint = false} : vector<2048x7xf32>, vector<7x128xf32>, vector<2048x128xf32> -> vector<2048x128xf32>
    %add3A_42 = arith.addf %add3A_33, %dot_general3A_41 : vector<2048x128xf32>
    %get3A_43 = arith.constant 0 : index
    %get3A_44 = arith.constant 0 : index
    %get3A_45 = vector.load %arg11[%get3A_43, %get3A_44] : memref<1x128xf32, #tpu.memory_space<vmem>>, vector<1x128xf32>
    %add3A_46 = vector.broadcast %get3A_45 : vector<1x128xf32> to vector<2048x128xf32>
    %add3A_47 = arith.addf %add3A_42, %add3A_46 : vector<2048x128xf32>
    %max3A = arith.constant 0.000000e+00 : f32
    %max3A_48 = vector.broadcast %max3A : f32 to vector<2048x128xf32>
    %max3A_49 = arith.maximumf %add3A_47, %max3A_48 : vector<2048x128xf32>
    %get3A_50 = arith.constant 0 : index
    %get3A_51 = arith.constant 0 : index
    %get3A_52 = vector.load %arg12[%get3A_50, %get3A_51] : memref<1x128xf32, #tpu.memory_space<vmem>>, vector<1x128xf32>
    %mul3A_53 = vector.broadcast %get3A_52 : vector<1x128xf32> to vector<2048x128xf32>
    %mul3A_54 = arith.mulf %max3A_49, %mul3A_53 : vector<2048x128xf32>
    %reduce_sum3A = arith.constant dense<0.000000e+00> : vector<2048xf32>
    %reduce_sum3A_55 = vector.multi_reduction <add>, %mul3A_54, %reduce_sum3A [1] : vector<2048x128xf32> to vector<2048xf32>
    %get3A_56 = arith.constant 0 : index
    %get3A_57 = arith.constant 0 : index
    %get3A_58 = vector.load %arg13[%get3A_56, %get3A_57] : memref<1x1xf32, #tpu.memory_space<vmem>>, vector<1x1xf32>
    %get3A_59 = vector.extract %get3A_58[0, 0] : f32 from vector<1x1xf32>
    %add3A_60 = vector.broadcast %get3A_59 : f32 to vector<2048xf32>
    %add3A_61 = arith.addf %reduce_sum3A_55, %add3A_60 : vector<2048xf32>
    %logistic3A = arith.negf %add3A_61 : vector<2048xf32>
    %logistic3A_62 = math.exp %logistic3A : vector<2048xf32>
    %logistic3A_63 = arith.constant 1.000000e+00 : f32
    %logistic3A_64 = vector.broadcast %logistic3A_63 : f32 to vector<2048xf32>
    %logistic3A_65 = arith.addf %logistic3A_64, %logistic3A_62 : vector<2048xf32>
    %logistic3A_66 = arith.divf %logistic3A_64, %logistic3A_65 : vector<2048xf32>
    %mul3A_67 = arith.constant 4.500000e+00 : f32
    %mul3A_68 = vector.broadcast %mul3A_67 : f32 to vector<2048xf32>
    %mul3A_69 = arith.mulf %logistic3A_66, %mul3A_68 : vector<2048xf32>
    %add3A_70 = arith.constant 5.000000e-01 : f32
    %add3A_71 = vector.broadcast %add3A_70 : f32 to vector<2048xf32>
    %add3A_72 = arith.addf %mul3A_69, %add3A_71 : vector<2048xf32>
    %swap3A = arith.constant 0 : index
    %swap3A_73 = vector.load %arg14[%swap3A] : memref<2048xf32, #tpu.memory_space<vmem>>, vector<2048xf32>
    tpu.vector_store %arg14[%swap3A], %add3A_72 {strides = array<i32>} : memref<2048xf32, #tpu.memory_space<vmem>>, vector<2048xf32>,
    return
  }
  func.func @transform_0(%arg0: i32) -> (i32, i32) {
    %c0_i32 = arith.constant 0 : i32
    %c0_i32_0 = arith.constant 0 : i32
    return %arg0, %c0_i32 : i32, i32
  }
  func.func @transform_1(%arg0: i32) -> (i32, i32) {
    %c0_i32 = arith.constant 0 : i32
    %c0_i32_0 = arith.constant 0 : i32
    return %arg0, %c0_i32 : i32, i32
  }
  func.func @transform_2(%arg0: i32) -> (i32, i32) {
    %c0_i32 = arith.constant 0 : i32
    %c0_i32_0 = arith.constant 0 : i32
    return %arg0, %c0_i32 : i32, i32
  }
  func.func @transform_3(%arg0: i32) -> (i32, i32) {
    %c0_i32 = arith.constant 0 : i32
    %c0_i32_0 = arith.constant 0 : i32
    return %arg0, %c0_i32 : i32, i32
  }
  func.func @transform_4(%arg0: i32) -> (i32, i32) {
    %c0_i32 = arith.constant 0 : i32
    %c0_i32_0 = arith.constant 0 : i32
    return %arg0, %c0_i32 : i32, i32
  }
  func.func @transform_5(%arg0: i32) -> (i32, i32) {
    %c0_i32 = arith.constant 0 : i32
    %c0_i32_0 = arith.constant 0 : i32
    %c0_i32_1 = arith.constant 0 : i32
    return %c0_i32, %c0_i32_0 : i32, i32
  }
  func.func @transform_6(%arg0: i32) -> (i32, i32) {
    %c0_i32 = arith.constant 0 : i32
    %c0_i32_0 = arith.constant 0 : i32
    %c0_i32_1 = arith.constant 0 : i32
    return %c0_i32, %c0_i32_0 : i32, i32
  }
  func.func @transform_7(%arg0: i32) -> (i32, i32) {
    %c0_i32 = arith.constant 0 : i32
    %c0_i32_0 = arith.constant 0 : i32
    %c0_i32_1 = arith.constant 0 : i32
    return %c0_i32, %c0_i32_0 : i32, i32
  }
  func.func @transform_8(%arg0: i32) -> (i32, i32) {
    %c0_i32 = arith.constant 0 : i32
    %c0_i32_0 = arith.constant 0 : i32
    %c0_i32_1 = arith.constant 0 : i32
    return %c0_i32, %c0_i32_0 : i32, i32
  }
  func.func @transform_9(%arg0: i32) -> (i32, i32) {
    %c0_i32 = arith.constant 0 : i32
    %c0_i32_0 = arith.constant 0 : i32
    %c0_i32_1 = arith.constant 0 : i32
    return %c0_i32, %c0_i32_0 : i32, i32
  }
  func.func @transform_10(%arg0: i32) -> (i32, i32) {
    %c0_i32 = arith.constant 0 : i32
    %c0_i32_0 = arith.constant 0 : i32
    %c0_i32_1 = arith.constant 0 : i32
    return %c0_i32, %c0_i32_0 : i32, i32
  }
  func.func @transform_11(%arg0: i32) -> (i32, i32) {
    %c0_i32 = arith.constant 0 : i32
    %c0_i32_0 = arith.constant 0 : i32
    %c0_i32_1 = arith.constant 0 : i32
    return %c0_i32, %c0_i32_0 : i32, i32
  }
  func.func @transform_12(%arg0: i32) -> (i32, i32) {
    %c0_i32 = arith.constant 0 : i32
    %c0_i32_0 = arith.constant 0 : i32
    %c0_i32_1 = arith.constant 0 : i32
    return %c0_i32, %c0_i32_0 : i32, i32
  }
  func.func @transform_13(%arg0: i32) -> i32 {
    %c0_i32 = arith.constant 0 : i32
    return %arg0 : i32
  }
}

</mosaic_0001>

<sc_bundles>
// kernel: gather_offload_async_start
scs
__scs_entry_jumppad:
0x0: {  	(pc) =	sbr.rel $0x88, $3  }
0x1: {  	(tag) =	ssettag $0x0;
	lr =	simm.s32 $0x1  }
0x2: {  	[smem:$0x3F8F] =	sst lr;
	_ =	strace $0xD0000000  }
0x3: {  	_ = 	snop  }
0x4: {  	_ = 	snop  }
0x5: {  	_ = 	snop  }
0x6: {  	_ = 	snop  }
0x7: {  	_ = 	snop  }
__scs_overlays_trampoline_lowered:
0x8: {  	[smem:$0x3F9E] =	sst s0  }
0x9: {  	[smem:$0x3F9F] =	sst s1  }
0xa: {  	[smem:$0x3FA0] =	sst s2  }
0xb: {  	[smem:$0x3FA1] =	sst s3  }
0xc: {  	[smem:$0x3FA2] =	sst s4  }
0xd: {  	[smem:$0x3FA3] =	sst s5  }
0xe: {  	[smem:$0x3FA4] =	sst s6  }
0xf: {  	[smem:$0x3FA5] =	sst s7  }
0x10: {  	[smem:$0x3FA6] =	sst s8  }
0x11: {  	[smem:$0x3FA7] =	sst s9;
	s0 =	simm.s32 @!p0 $0x0  }
0x12: {  	s1 =	sld [smem:$0x3F8D];
	s0 =	simm.s32 @p0 $0x1  }
0x13: {  	[smem:$0x3FA8] =	sst s0;
	s0 =	simm.s32 @!p1 $0x0  }
0x14: {  	s2 =	sld [smem:$0x3F8C];
	s0 =	simm.s32 @p1 $0x1  }
0x15: {  	[smem:$0x3FA9] =	sst s0;
	s0 =	simm.s32 @!p2 $0x0  }
0x16: {  	s3 =	sld [smem:$0x3FDB];
	s0 =	simm.s32 @p2 $0x1  }
0x17: {  	s4 =	simm.s32 $0x1BF5;
	[smem:$0x3FAB] =	sst s0  }
0x18: {  	s0 =	sld [smem:$0x3F8E];
	_ =	swait.ge [sflag:s4], $0x0  }
0x19: {  	s7 =	sld [smem:$0x3F8F]  }
0x1a: {  	s8 =	sadd.s32 $0xFFFFE003, lr  }
0x1b: {  	s9 =	sadd.s32 $0xFFFFFEF7, lr;
	s5 =	simm.s32 $0xFFFFFFFF;
	p2 =	slt.u32 s8, $0xFFFFF086  }
0x1c: {  	p1 =	slt.u32 s9, $0xF7A;
	s5 =	simm.s32 @!p2 $0x0  }
0x1d: {  	s5 =	simm.s32 @p1 $0x1;
	p0 =	seq.s32 s7, s2  }
0x1e: {  	s7 =	smul.u32 @!p0 $0xF7A, s2;
	p2 =	seq.s32 @!p0 s5, $0x0  }
0x1f: {  	s9 =	smul.u32 $0xF7A, s1;
	s8 =	simm.s32 @!p0 $0x1BF5;
	p2 =	por !p2, p0  }
0x20: {  	[sflag:s8] =	ssyncset.s32 @!p0 $0xFFFFF086;
	s6 =	sadd.s32 @!p0 s3, s7;
	s7 =	simm.s32 @!p0 $0x108  }
0x21: {  	s3 =	sadd.s32 s3, s9;
	s6 =	sadd.s32 @!p0 $0x88, s6;
	s7 =	simm.s32 @p2 $0x1082  }
0x22: {  	[simem:s7], [sflag:s8] =	dma.local @!p0 [hbm:s6], $0xF7A  }
0x23: {  	s9 =	sor.u32 $0xD0000000, s2;
	s6 =	simm.s32 $0x108;
	_ =	swait.ge @!p0 [sflag:s8], $0x0  }
0x24: {  	s3 =	sadd.s32 $0x88, s3;
	s6 =	simm.s32 @!p1 $0x1082;
	[sflag:s4] =	ssyncset.s32 $0xFFFFF086  }
0x25: {  	[simem:s6], [sflag:s4] =	dma.local [hbm:s3], $0xF7A  }
0x26: {  	[smem:$0x3F8F] =	sst s1;
	(tag) =	ssettag s2;
	_ =	strace s9  }
0x27: {  	s1 =	sld [smem:$0x3F9F]  }
0x28: {  	s2 =	sld [smem:$0x3FA0]  }
0x29: {  	s4 =	sld [smem:$0x3FA2]  }
0x2a: {  	p0 =	seq.s32 s5, $0x0;
	s5 =	sld [smem:$0x3FA3]  }
0x2b: {  	s6 =	sld [smem:$0x3FA4]  }
0x2c: {  	s7 =	sld [smem:$0x3FA5]  }
0x2d: {  	s3 =	simm.s32 $0x108;
	s8 =	sld [smem:$0x3FA6]  }
0x2e: {  	s3 =	simm.s32 @!p0 $0x1082;
	s9 =	sld [smem:$0x3FA7]  }
0x2f: {  	lr =	sadd.s32 s0, s3;
	s0 =	sld [smem:$0x3F9E]  }
0x30: {  	s3 =	sld [smem:$0x3FA1]  }
0x31: {  	[smem:$0x3FAA] =	sst s10  }
0x32: {  	s10 =	sld [smem:$0x3FA8];
	_ =	sdelay $0x3  }
0x33: {  	p0 =	seq.s32 s10, $0x1;
	s10 =	sld [smem:$0x3FAA];
	_ =	sdelay $0x3  }
0x34: {  	[smem:$0x3FAA] =	sst s10  }
0x35: {  	s10 =	sld [smem:$0x3FA9];
	_ =	sdelay $0x3  }
0x36: {  	p1 =	seq.s32 s10, $0x1;
	s10 =	sld [smem:$0x3FAA];
	_ =	sdelay $0x3  }
0x37: {  	[smem:$0x3FAA] =	sst s10  }
0x38: {  	s10 =	sld [smem:$0x3FAB]  }
0x39: {  	_ = 	snop;
	(pc) =	sbr.ind lr, $3  }
0x3a: {  	_ = 	snop  }
0x3b: {  	_ = 	snop  }
0x3c: {  	p2 =	seq.s32 s10, $0x1;
	s10 =	sld [smem:$0x3FAA]  }
0x3d: {  	_ =	shalt  }
0x3e: {  	_ =	shalt  }
0x3f: {  	_ =	shalt  }
0x40: {  	_ =	shalt  }
0x41: {  	_ =	shalt  }
0x42: {  	_ =	shalt  }
0x43: {  	_ =	shalt  }
0x44: {  	_ =	shalt  }
0x45: {  	_ =	shalt  }
0x46: {  	_ =	shalt  }
0x47: {  	_ =	shalt  }
0x48: {  	_ =	shalt  }
0x49: {  	_ =	shalt  }
0x4a: {  	_ =	shalt  }
0x4b: {  	_ =	shalt  }
0x4c: {  	_ =	shalt  }
0x4d: {  	_ =	shalt  }
0x4e: {  	_ =	shalt  }
0x4f: {  	_ =	shalt  }
0x50: {  	_ =	shalt  }
0x51: {  	_ =	shalt  }
0x52: {  	_ =	shalt  }
0x53: {  	_ =	shalt  }
0x54: {  	_ =	shalt  }
0x55: {  	_ =	shalt  }
0x56: {  	_ =	shalt  }
0x57: {  	_ =	shalt  }
0x58: {  	_ =	shalt  }
0x59: {  	_ =	shalt  }
0x5a: {  	_ =	shalt  }
0x5b: {  	_ =	shalt  }
0x5c: {  	_ =	shalt  }
0x5d: {  	_ =	shalt  }
0x5e: {  	_ =	shalt  }
0x5f: {  	_ =	shalt  }
0x60: {  	_ =	shalt  }
0x61: {  	_ =	shalt  }
0x62: {  	_ =	shalt  }
0x63: {  	_ =	shalt  }
0x64: {  	_ =	shalt  }
0x65: {  	_ =	shalt  }
0x66: {  	_ =	shalt  }
0x67: {  	_ =	shalt  }
0x68: {  	_ =	shalt  }
0x69: {  	_ =	shalt  }
0x6a: {  	_ =	shalt  }
0x6b: {  	_ =	shalt  }
0x6c: {  	_ =	shalt  }
0x6d: {  	_ =	shalt  }
0x6e: {  	_ =	shalt  }
0x6f: {  	_ =	shalt  }
0x70: {  	_ =	shalt  }
0x71: {  	_ =	shalt  }
0x72: {  	_ =	shalt  }
0x73: {  	_ =	shalt  }
0x74: {  	_ =	shalt  }
0x75: {  	_ =	shalt  }
0x76: {  	_ =	shalt  }
0x77: {  	_ =	shalt  }
0x78: {  	_ =	shalt  }
0x79: {  	_ =	shalt  }
0x7a: {  	_ =	shalt  }
0x7b: {  	_ =	shalt  }
0x7c: {  	_ =	shalt  }
0x7d: {  	_ =	shalt  }
0x7e: {  	_ =	shalt  }
0x7f: {  	_ =	shalt  }
0x80: {  	_ =	shalt  }
0x81: {  	_ =	shalt  }
0x82: {  	_ =	shalt  }
0x83: {  	_ =	shalt  }
0x84: {  	_ =	shalt  }
0x85: {  	_ =	shalt  }
0x86: {  	_ =	shalt  }
0x87: {  	_ =	shalt  }
.Lfunc_end0:
.L_simem_size_0:
called_computation_lowered:
.L_overlay_start_0:
0x88: {  	s2 =	sld [smem:$0x3FD9]  }
0x89: {  	s3 =	sld [smem:$0x3FFE];
	_ =	sdelay $0x1  }
0x8a: {  	s1 =	srdreg.scid  }
0x8b: {  	s0 =	sand.u32 $0x1, s1  }
0x8c: {  	s17 =	sshll.u32 s0, $0xA;
	s2 =	sadd.s32 s3, s2  }
0x8d: {  	s2 =	sadd.s32 s2, s17  }
0x8e: {  	[smem:$0x3FB6] =	sst s2  }
0x8f: {  	_ = 	snop  }
0x90: {  	s2 =	sld [smem:$0x3FBE];
	(tm) =	ssettm $0x1  }
0x91: {  	s18 =	sld [smem:$0x3FFB];
	_ =	sdelay $0x3  }
0x92: {  	_ =	strace s18  }
0x93: {  	s3 =	sld [smem:$0x3FFC];
	_ =	sdelay $0x3  }
0x94: {  	_ =	strace s3  }
0x95: {  	s3 =	sld [smem:$0x3FFD];
	_ =	sdelay $0x3  }
0x96: {  	_ =	strace s3  }
0x97: {  	_ =	strace $0x8FFFFFFF  }
0x98: {  	s19 =	sld [smem:$0x3FDB];
	_ =	sdelay $0x1  }
0x99: {  	s4 =	simm.s32 $_scs_section_size  }
0x9a: {  	s5 =	simm.s32 $_size__tile_overlayer_lowered;
	s6 =	simm.s32 $_tile_overlayer_lowered  }
0x9b: {  	s22 =	simm.s32 $0x1BFF;
	s21 =	sshll.u32 s6, $0x1;
	s3 =	sadd.s32 s4, s19  }
0x9c: {  	s7 =	simm.s32 $0x0;
	s20 =	sshll.u32 s5, $0x1;
	s5 =	sadd.s32 s21, s3  }
0x9d: {  	[timem:s7], [sflag:s22] =	dma.local [hbm:s5], s20  }
0x9e: {  	_ =	swait.ge [sflag:s22], s20  }
0x9f: {  	s4 =	ssub.s32 $0x0, s20;
	[sflag:s22] =	ssyncset.done $0x0  }
0xa0: {  	[sflag:s22] =	ssyncadd.s32 s4;
	_ =	sdelay $0x1  }
0xa1: {  	s23 =	simm.s32 $0x1B8B  }
0xa2: {  	_ =	swait.ge [sflag:s23], $0x1  }
0xa3: {  	[sflag:s23] =	ssyncset.done $0x0  }
0xa4: {  	s25 =	simm.s32 $0x1B8E;
	s24 =	sld [smem:$0x3FFE];
	[sflag:s23] =	ssyncadd.s32 $0xFFFFFFFF  }
0xa5: {  	s26 =	simm.s32 $execute0_lowered;
	[smem:$0x3FD2] =	sst s25  }
0xa6: {  	s5 =	sshll.u32 s26, $0x1;
	_ =	strace $0x80000046;
	[dreg:$0x1] =	wrdreg $0xFFFFFFFF  }
0xa7: {  	s28 =	simm.s32 $_size_execute0_lowered;
	s3 =	sadd.s32 s3, s5;
	[dreg:$0x0] =	wrdreg $0x0  }
0xa8: {  	s5 =	sshll.u32 s28, $0x1;
	[dreg:$0x2] =	wrdreg s3  }
0xa9: {  	[dreg:$0x3] =	wrdreg s5  }
0xaa: {  	[dreg:$0x4] =	wrdreg $0xC0  }
0xab: {  	_ =	task [dreg:s7], $0x5FFFF  }
0xac: {  	[dreg:$0x1] =	wrdreg $0xFFFFFFFF  }
0xad: {  	[dreg:$0x0] =	wrdreg $0x60  }
0xae: {  	[dreg:$0x2] =	wrdreg s2  }
0xaf: {  	[dreg:$0x3] =	wrdreg s24  }
0xb0: {  	[dreg:$0x4] =	wrdreg $0x9  }
0xb1: {  	_ =	task.clear_ibuf [dreg:s7], $0x5FFFF;
	_ =	strace $0x90000046  }
0xb2: {  	s29 =	simm.s32 $0x9;
	_ =	strace $0x80000048  }
0xb3: {  	_ =	swait.ge [sflag:s29], $0x1  }
0xb4: {  	[sflag:s29] =	ssyncadd.s32 $0xFFFFFFFF  }
0xb5: {  	_ =	strace $0x90000048  }
0xb6: {  	_ =	sfence  }
0xb7: {  	s30 =	sld [smem:$0x0];
	_ =	sdelay $0x2  }
0xb8: {  	s31 =	sshll.u32 s1, $0xD;
	s1 =	sshrl.u32 s1, $0x2  }
0xb9: {  	s3 =	sand.u32 $0x4000, s31;
	s1 =	sadd.s32 s1, s30  }
0xba: {  	s0 =	sor.u32 s3, s0;
	s1 =	sshll.u32 s1, $0x11  }
0xbb: {  	s0 =	sor.u32 s1, s0  }
0xbc: {  	s0 =	sadd.s32 $0x8F2B, s0  }
0xbd: {  	[sflag:s0] =	ssyncadd.remote.s32 $0x1  }
0xbe: {  	_ =	sfence.sel $0xFFFF  }
0xbf: {  	[dreg:$0x0] =	wrdreg $0xFFFFFFFF;
	(pc) =	sbr.abs _section_cstart, $3  }
0xc0: {  	[dreg:$0x1] =	wrdreg $0xFFFFFFFF  }
0xc1: {  	_ =	task.clear_ibuf [dreg:s7], $0x2FFFF;
	_ =	strace $0x9FFFFFFF  }
0xc2: {  	(tm) =	ssettm $0x7FFFFFFF  }
0xc3: {  	_ =	shalt  }
tec
execute0_lowered:
.L_overlay_start_1:
0x0: {  	(tag) =	ssettag $0x1  }
0x1: {  	s1 =	srdreg.scid;
	s2 =	rddreg [dreg:$0x0]  }
0x2: {  	s0 =	stileid.u32;
	s5 =	rddreg [dreg:$0x1];
	s6 =	simm.s32 $0x1  }
0x3: {  	s9 =	simm.s32 $0x1;
	s10 =	simm.s32 $0x3;
	s1 =	sshll.u32 s1, $0xF  }
0x4: {  	s13 =	simm.s32 $0x0;
	s3 =	sshll.u32 s0, $0x10;
	s4 =	sand.u32 $0x8000, s1  }
0x5: {  	s12 =	simm.s32 $0x0;
	s1 =	rddreg [dreg:$0x2];
	s3 =	sor.u32 s3, s4  }
0x6: {  	_ =	strace $0x80000047;
	s4 =	sadd.s32 $0x342000, s5;
	s8 =	ssub.s32 $0x190000, s3  }
.Ltmp0:
0x7: {  	s5 =	sadd.s32 $0x374000, s5;
	s7 =	sand.u32 $0xF8000, s8;
	(pc) =	sbr.rel .LBB2_1-.Ltmp0, $4  }
0x8: {  	[sflag:s6] =	ssyncpa.u1 $0x0;
	s11 =	smov.u32 s3;
	p0 =	sne.s32 s7, $0x0  }
0x9: {  	s8 =	sshrl.u32 s8, $0x14;
	s7 =	simm.s32 $0x2;
	s9 =	simm.s32 @!p0 $0x0  }
0xa: {  	[sflag:s7] =	ssyncpa.u1 $0x0;
	p0 =	por $0x0, $0x0;
	s8 =	sadd.s32 s9, s8  }
0xb: {  	vm0 =	vmmov $0xffff;
	[sflag:s10] =	ssyncpa.u1 $0x0;
	s10 =	simm.s32 $0x0;
	s9 =	sadd.s32 $0x1, s8  }
.LBB2_4:
0xc: {  	vm2 =	veq.s32 v2, $0x80000000;
	v4 =	vand.u32 $0x7F, v4;
	v5 =	vor.u32 v6, v5  }
0xd: {  	v1 =	vand.u32 $0xFFFFF, v1;
	v7 =	vshrl.u32 v2, $0x14;
	v55 =	vand.u32 $0xFFFFF, v2  }
0xe: {  	v4 =	vsel vm1, $0xFFFFFFFF, v4;
	v3 =	vor.u32 v3, v5;
	v1 =	vsel vm1, $0xFFFFFFFF, v1  }
0xf: {  	vm1 =	vmmov vm2;
	v7 =	vand.u32 $0x7F, v7;
	v53 =	vshrl.u32 v4, $0x3  }
0x10: {  	v4 =	vshll.u32 v4, $0x7;
	v54 =	vshll.u32 v1, $0x3;
	v56 =	vsel vm1, $0xFFFFFFFF, v7  }
0x11: {  	v2 =	vsel vm1, $0xFFFFFFFF, v55;
	v1 =	vand.u32 $0x7F, v1;
	v5 =	vmul.u32 $0x7A1400, v53  }
0x12: {  	v6 =	vand.u32 $0xFFFFFC00, v54;
	v4 =	vand.u32 $0x380, v4;
	v7 =	vshrl.u32 v56, $0x3  }
0x13: {  	v58 =	vshll.u32 v2, $0x3;
	v57 =	vmul.u32 $0x7A1400, v7;
	v5 =	vadd.s32 v6, v5  }
0x14: {  	v7 =	vand.u32 $0xFFFFFC00, v58;
	v6 =	vshll.u32 v56, $0x7;
	v4 =	vor.u32 v4, v5  }
0x15: {  	v59 =	vadd.s32 v7, v57;
	v60 =	vand.u32 $0x380, v6;
	v1 =	vor.u32 v1, v4  }
0x16: {  	[tilespmem:s16], [sflag:$0x1] =	stream.indirect_vreg.gather [hbm4b:s2+s10], $0x1, v0, vm0, $0x4038;
	v61 =	vand.u32 $0x7F, v2;
	v62 =	vor.u32 v60, v59;
	v63 =	vld [tilespmem:$0x0]  }
0x17: {  	(ifvalue) =	ssetifvalue $0x7FFFFFFF;
	v0 =	vor.u32 v61, v62  }
0x18: {  	[tilespmem:s15], [sflag:$0x1] =	stream.indirect_vreg.gather [hbm4b:s2+s10], $0x1, v3, vm0, $0x4038;
	v63 =	vld [tilespmem:$0x0]  }
0x19: {  	s29 =	sadd.s32 $0x10, s15;
	(ifvalue) =	ssetifvalue $0x7FFFFFFF  }
0x1a: {  	[tilespmem:s29], [sflag:$0x1] =	stream.indirect_vreg.gather [hbm4b:s2+s10], $0x1, v1, vm0, $0x4038;
	v63 =	vld [tilespmem:$0x0]  }
0x1b: {  	s15 =	sadd.s32 $0x10, s29;
	(ifvalue) =	ssetifvalue $0x7FFFFFFF  }
0x1c: {  	[tilespmem:s15], [sflag:$0x1] =	stream.indirect_vreg.gather [hbm4b:s2+s10], $0x1, v0, vm0, $0x4038;
	v63 =	vld [tilespmem:$0x0]  }
0x1d: {  	_ =	swait.ge [sflag:s6], $0x8000  }
0x1e: {  	s30 =	sshrl.u32 s13, $0x3;
	[sflag:s6] =	ssyncset.done $0x0  }
0x1f: {  	s31 =	sand.u32 $0x7, s13;
	s15 =	sadd.s32 s5, s30;
	[sflag:s6] =	ssyncadd.s32 $0xFFFF8000  }
0x20: {  	[hbm4b:s15+s31] =	stream.linear.scatter [tilespmem:s14], [sflag:$0x3], $0x8000, $0x38;
	v63 =	vld [tilespmem:$0x0]  }
.LBB2_5:
0x21: {  	s15 =	sadd.s32 $0x100000, s11  }
0x22: {  	p2 =	sgt.s32 s15, $0x18FFFF  }
0x23: {  	s15 =	smov.u32 @p2 s3;
	p2 =	sne.s32 s12, s9  }
.Ltmp1:
0x24: {  	p1 =	slt.u32 s12, $0x2;
	(pc) =	sbr.rel @!p2 .LBB2_6-.Ltmp1, $4  }
0x25: {  	s14 =	simm.s32 @!p1 $0x3  }
0x26: {  	s16 =	sadd.s32 $0x1, s12;
	_ =	swait.ge @!p1 [sflag:s14], $0x8000  }
0x27: {  	s13 =	smov.u32 s11;
	p0 =	por !p0, !p0;
	[sflag:s14] =	ssyncset.done @!p1 $0x0  }
0x28: {  	s12 =	smov.u32 s16;
	s11 =	smov.u32 s15;
	[sflag:s14] =	ssyncadd.s32 @!p1 $0xFFFF8000  }
.LBB2_1:
0x29: {  	p1 =	sge.u32 s12, s8  }
0x2a: {  	s14 =	sxor.u32 @!p1 $0xFFFFFFFF, s12  }
0x2b: {  	s31 =	sadd.s32 $0xFFFFFFFF, s12;
	s15 =	sshrl.u32 @!p1 s11, $0x3;
	s14 =	sshll.u32 @!p1 s14, $0xF  }
0x2c: {  	s16 =	sand.u32 @!p1 $0x7, s11;
	s15 =	sadd.s32 @!p1 s4, s15;
	s14 =	sand.u32 @!p1 $0x8000, s14  }
0x2d: {  	[tilespmem:s14], [sflag:$0x2] =	stream.linear.gather @!p1 [hbm4b:s15+s16], $0x8000, $0x38;
	v63 =	vld [tilespmem:$0x0]  }
0x2e: {  	p1 =	sge.u32 s31, s8  }
.Ltmp2:
0x2f: {  	_ = 	snop;
	(pc) =	sbr.rel @p1 .LBB2_5-.Ltmp2, $1  }
0x30: {  	_ =	sdelay $0x3  }
0x31: {  	s14 =	simm.s32 $0x1  }
0x32: {  	_ =	swait.ge [sflag:s7], $0x8000;
	s14 =	simm.s32 @!p0 $0x0  }
0x33: {  	[sflag:s7] =	ssyncset.done $0x0;
	s14 =	sshll.u32 s14, $0xF  }
0x34: {  	[sflag:s7] =	ssyncadd.s32 $0xFFFF8000;
	(ifvalue) =	ssetifvalue $0x7FFFFFFF;
	v0 =	vld.msk [tilespmem:s14+$0x0 ss:$0x1], $0xffff;
	_ =	sdelay $0x2  }
0x35: {  	s15 =	sadd.s32 $0x10, s14  }
0x36: {  	v2 =	vld.msk [tilespmem:s15+$0x0 ss:$0x1], $0xffff  }
0x37: {  	vm1 =	veq.s32 v0, $0x80000000;
	v1 =	vshrl.u32 v0, $0x14  }
0x38: {  	vm1 =	vmmov vm1;
	v3 =	vand.u32 $0x7F, v1  }
0x39: {  	v0 =	vand.u32 $0xFFFFF, v0;
	v3 =	vsel vm1, $0xFFFFFFFF, v3  }
0x3a: {  	s15 =	sadd.s32 $0x10, s15;
	v0 =	vsel vm1, $0xFFFFFFFF, v0;
	v4 =	vshrl.u32 v3, $0x3  }
0x3b: {  	v1 =	vld.msk [tilespmem:s15+$0x0 ss:$0x1], $0xffff;
	v6 =	vshrl.u32 v2, $0x14;
	v5 =	vshll.u32 v0, $0x3;
	v4 =	vmul.u32 $0x7A1400, v4  }
0x3c: {  	vm1 =	veq.s32 v2, $0x80000000;
	v3 =	vshll.u32 v3, $0x7;
	v5 =	vand.u32 $0xFFFFFC00, v5  }
0x3d: {  	v0 =	vand.u32 $0x7F, v0;
	v3 =	vand.u32 $0x380, v3;
	v4 =	vadd.s32 v5, v4  }
0x3e: {  	vm1 =	vmmov vm1;
	v5 =	vand.u32 $0x7F, v6;
	v3 =	vor.u32 v3, v4  }
0x3f: {  	v2 =	vand.u32 $0xFFFFF, v2;
	v4 =	vsel vm1, $0xFFFFFFFF, v5;
	v0 =	vor.u32 v0, v3  }
0x40: {  	s16 =	sshll.u32 s12, $0xF;
	s15 =	sadd.s32 $0x10, s15;
	vm2 =	veq.s32 v1, $0x80000000;
	v3 =	vsel vm1, $0xFFFFFFFF, v2;
	v2 =	vshrl.u32 v4, $0x3  }
0x41: {  	s17 =	sand.u32 $0x8000, s16;
	v6 =	vshll.u32 v4, $0x7;
	v5 =	vmul.u32 $0x7A1400, v2;
	v4 =	vshll.u32 v3, $0x3;
	v2 =	vld.msk [tilespmem:s15+$0x0 ss:$0x1], $0xffff  }
0x42: {  	s16 =	sor.u32 $0x10000, s14;
	s14 =	sor.u32 $0x10000, s17;
	s17 =	simm.s32 $0x30;
	vm1 =	vmmov vm2;
	v3 =	vand.u32 $0x7F, v3;
	v7 =	vand.u32 $0xFFFFFC00, v4  }
0x43: {  	s18 =	sadd.s32 $0x10, s15;
	v6 =	vand.u32 $0x380, v6;
	(ifvalue) =	ssetifvalue $0x7FFFFFFF;
	s15 =	sadd.s32 $0x10, s16;
	v4 =	vshrl.u32 v1, $0x14;
	v5 =	vadd.s32 v7, v5  }
.LBB2_3:
0x44: {  	[tilespmem:s16], [sflag:$0x1] =	stream.indirect_vreg.gather [hbm4b:s2+s10], $0x1, v0, vm0, $0x4038;
	v63 =	vld [tilespmem:$0x0]  }
0x45: {  	s17 =	sadd.s32 $0x10, s17  }
0x46: {  	vm2 =	veq.s32 v2, $0x80000000;
	v4 =	vand.u32 $0x7F, v4;
	v5 =	vor.u32 v6, v5;
	v6 =	vmovc v2;
	v2 =	vld.msk [tilespmem:s18+$0x0 ss:$0x1], $0xffff;
	p1 =	slt.u32 s17, $0x7FF0  }
.Ltmp3:
0x47: {  	v7 =	vand.u32 $0xFFFFF, v1;
	s16 =	smov.u32 s15;
	v4 =	vsel vm1, $0xFFFFFFFF, v4;
	v0 =	vor.u32 v3, v5;
	v1 =	vmovc v6;
	(pc) =	sbr.rel @p1 .LBB2_3-.Ltmp3, $4  }
0x48: {  	v5 =	vsel vm1, $0xFFFFFFFF, v7;
	v6 =	vshrl.u32 v4, $0x3;
	v7 =	vshll.u32 v4, $0x7  }
0x49: {  	v3 =	vand.u32 $0x7F, v5;
	v4 =	vshll.u32 v5, $0x3;
	v6 =	vmul.u32 $0x7A1400, v6  }
0x4a: {  	vm1 =	vmmov vm2;
	v5 =	vand.u32 $0xFFFFFC00, v4  }
0x4b: {  	s18 =	sadd.s32 $0x10, s18;
	s15 =	sadd.s32 $0x10, s15;
	v4 =	vshrl.u32 v1, $0x14;
	v5 =	vadd.s32 v5, v6;
	v6 =	vand.u32 $0x380, v7;
	(ifvalue) =	ssetifvalue $0x7FFFFFFF  }
.Ltmp4:
0x4c: {  	_ = 	snop;
	(pc) =	sbr.rel .LBB2_4-.Ltmp4, $1  }
0x4d: {  	_ =	sdelay $0x3  }
.LBB2_6:
0x4e: {  	_ =	sfence.sel $0x180000  }
0x4f: {  	s2 =	simm.s32 $0x2;
	[bflag:$0x0] =	sbarrier.arrive $0xFFFF  }
0x50: {  	s30 =	simm.s32 $0x3;
	[sflag:s2] =	ssyncpa.u1 $0x1  }
0x51: {  	s31 =	simm.s32 $0x1;
	[sflag:s30] =	ssyncpa.u1 $0x1  }
0x52: {  	[sflag:s31] =	ssyncpa.u1 $0x1  }
0x53: {  	p0 =	sne.s32 s0, $0x0;
	_ =	strace $0x90000047  }
0x54: {  	s0 =	sadd.s32 @!p0 $0x100000, s1;
	[bflag:$0x2] =	sbarrier.arrive $0xFFFF  }
0x55: {  	[sflag:s0] =	ssyncadd.tile.s32 @!p0 $0x1;
	_ =	shalt  }
.Lfunc_end2:
_tile_overlayer_lowered:
.L_overlay_start_2:
0x56: {  	(tag) =	ssettag $0x2  }
0x57: {  	s0 =	rddreg [dreg:$0x0];
	s2 =	stileid.u32  }
0x58: {  	s1 =	rddreg [dreg:$0x1];
	p0 =	sne.s32 s2, $0x0  }
0x59: {  	s3 =	rddreg [dreg:$0x2];
	[bflag:$0x3] =	sbarrier.arrive $0xFFFF;
	s2 =	simm.s32 @!p0 $0x1C01  }
0x5a: {  	[timem:s3], [sflag:s2] =	dma.local @!p0 [hbm:s0], s1  }
0x5b: {  	s0 =	simm.s32 @!p0 $0x1  }
0x5c: {  	_ =	swait.ge @!p0 [sflag:s0], s1  }
0x5d: {  	s1 =	ssub.s32 @!p0 $0x0, s1;
	[sflag:s0] =	ssyncset.done @!p0 $0x0  }
0x5e: {  	[sflag:s0] =	ssyncadd.s32 @!p0 s1  }
0x5f: {  	[bflag:$0x3] =	sbarrier.arrive $0xFFFF  }
0x60: {  	_ =	shalt  }

// kernel: kernel.6.cloned.1.call-start
scs
__scs_entry_jumppad:
0x0: {  	(pc) =	sbr.rel $0x88, $3  }
0x1: {  	(tag) =	ssettag $0x0;
	lr =	simm.s32 $0x1  }
0x2: {  	[smem:$0x3F8F] =	sst lr;
	_ =	strace $0xD0000000  }
0x3: {  	_ = 	snop  }
0x4: {  	_ = 	snop  }
0x5: {  	_ = 	snop  }
0x6: {  	_ = 	snop  }
0x7: {  	_ = 	snop  }
__scs_overlays_trampoline_lowered:
0x8: {  	[smem:$0x3F9E] =	sst s0  }
0x9: {  	[smem:$0x3F9F] =	sst s1  }
0xa: {  	[smem:$0x3FA0] =	sst s2  }
0xb: {  	[smem:$0x3FA1] =	sst s3  }
0xc: {  	[smem:$0x3FA2] =	sst s4  }
0xd: {  	[smem:$0x3FA3] =	sst s5  }
0xe: {  	[smem:$0x3FA4] =	sst s6  }
0xf: {  	[smem:$0x3FA5] =	sst s7  }
0x10: {  	[smem:$0x3FA6] =	sst s8  }
0x11: {  	[smem:$0x3FA7] =	sst s9;
	s0 =	simm.s32 @!p0 $0x0  }
0x12: {  	s1 =	sld [smem:$0x3F8D];
	s0 =	simm.s32 @p0 $0x1  }
0x13: {  	[smem:$0x3FA8] =	sst s0;
	s0 =	simm.s32 @!p1 $0x0  }
0x14: {  	s2 =	sld [smem:$0x3F8C];
	s0 =	simm.s32 @p1 $0x1  }
0x15: {  	[smem:$0x3FA9] =	sst s0;
	s0 =	simm.s32 @!p2 $0x0  }
0x16: {  	s3 =	sld [smem:$0x3FDB];
	s0 =	simm.s32 @p2 $0x1  }
0x17: {  	s4 =	simm.s32 $0x1BF5;
	[smem:$0x3FAB] =	sst s0  }
0x18: {  	s0 =	sld [smem:$0x3F8E];
	_ =	swait.ge [sflag:s4], $0x0  }
0x19: {  	s7 =	sld [smem:$0x3F8F]  }
0x1a: {  	s8 =	sadd.s32 $0xFFFFE003, lr  }
0x1b: {  	s9 =	sadd.s32 $0xFFFFFEF7, lr;
	s5 =	simm.s32 $0xFFFFFFFF;
	p2 =	slt.u32 s8, $0xFFFFF086  }
0x1c: {  	p1 =	slt.u32 s9, $0xF7A;
	s5 =	simm.s32 @!p2 $0x0  }
0x1d: {  	s5 =	simm.s32 @p1 $0x1;
	p0 =	seq.s32 s7, s2  }
0x1e: {  	s7 =	smul.u32 @!p0 $0xF7A, s2;
	p2 =	seq.s32 @!p0 s5, $0x0  }
0x1f: {  	s9 =	smul.u32 $0xF7A, s1;
	s8 =	simm.s32 @!p0 $0x1BF5;
	p2 =	por !p2, p0  }
0x20: {  	[sflag:s8] =	ssyncset.s32 @!p0 $0xFFFFF086;
	s6 =	sadd.s32 @!p0 s3, s7;
	s7 =	simm.s32 @!p0 $0x108  }
0x21: {  	s3 =	sadd.s32 s3, s9;
	s6 =	sadd.s32 @!p0 $0x88, s6;
	s7 =	simm.s32 @p2 $0x1082  }
0x22: {  	[simem:s7], [sflag:s8] =	dma.local @!p0 [hbm:s6], $0xF7A  }
0x23: {  	s9 =	sor.u32 $0xD0000000, s2;
	s6 =	simm.s32 $0x108;
	_ =	swait.ge @!p0 [sflag:s8], $0x0  }
0x24: {  	s3 =	sadd.s32 $0x88, s3;
	s6 =	simm.s32 @!p1 $0x1082;
	[sflag:s4] =	ssyncset.s32 $0xFFFFF086  }
0x25: {  	[simem:s6], [sflag:s4] =	dma.local [hbm:s3], $0xF7A  }
0x26: {  	[smem:$0x3F8F] =	sst s1;
	(tag) =	ssettag s2;
	_ =	strace s9  }
0x27: {  	s1 =	sld [smem:$0x3F9F]  }
0x28: {  	s2 =	sld [smem:$0x3FA0]  }
0x29: {  	s4 =	sld [smem:$0x3FA2]  }
0x2a: {  	p0 =	seq.s32 s5, $0x0;
	s5 =	sld [smem:$0x3FA3]  }
0x2b: {  	s6 =	sld [smem:$0x3FA4]  }
0x2c: {  	s7 =	sld [smem:$0x3FA5]  }
0x2d: {  	s3 =	simm.s32 $0x108;
	s8 =	sld [smem:$0x3FA6]  }
0x2e: {  	s3 =	simm.s32 @!p0 $0x1082;
	s9 =	sld [smem:$0x3FA7]  }
0x2f: {  	lr =	sadd.s32 s0, s3;
	s0 =	sld [smem:$0x3F9E]  }
0x30: {  	s3 =	sld [smem:$0x3FA1]  }
0x31: {  	[smem:$0x3FAA] =	sst s10  }
0x32: {  	s10 =	sld [smem:$0x3FA8];
	_ =	sdelay $0x3  }
0x33: {  	p0 =	seq.s32 s10, $0x1;
	s10 =	sld [smem:$0x3FAA];
	_ =	sdelay $0x3  }
0x34: {  	[smem:$0x3FAA] =	sst s10  }
0x35: {  	s10 =	sld [smem:$0x3FA9];
	_ =	sdelay $0x3  }
0x36: {  	p1 =	seq.s32 s10, $0x1;
	s10 =	sld [smem:$0x3FAA];
	_ =	sdelay $0x3  }
0x37: {  	[smem:$0x3FAA] =	sst s10  }
0x38: {  	s10 =	sld [smem:$0x3FAB]  }
0x39: {  	_ = 	snop;
	(pc) =	sbr.ind lr, $3  }
0x3a: {  	_ = 	snop  }
0x3b: {  	_ = 	snop  }
0x3c: {  	p2 =	seq.s32 s10, $0x1;
	s10 =	sld [smem:$0x3FAA]  }
0x3d: {  	_ =	shalt  }
0x3e: {  	_ =	shalt  }
0x3f: {  	_ =	shalt  }
0x40: {  	_ =	shalt  }
0x41: {  	_ =	shalt  }
0x42: {  	_ =	shalt  }
0x43: {  	_ =	shalt  }
0x44: {  	_ =	shalt  }
0x45: {  	_ =	shalt  }
0x46: {  	_ =	shalt  }
0x47: {  	_ =	shalt  }
0x48: {  	_ =	shalt  }
0x49: {  	_ =	shalt  }
0x4a: {  	_ =	shalt  }
0x4b: {  	_ =	shalt  }
0x4c: {  	_ =	shalt  }
0x4d: {  	_ =	shalt  }
0x4e: {  	_ =	shalt  }
0x4f: {  	_ =	shalt  }
0x50: {  	_ =	shalt  }
0x51: {  	_ =	shalt  }
0x52: {  	_ =	shalt  }
0x53: {  	_ =	shalt  }
0x54: {  	_ =	shalt  }
0x55: {  	_ =	shalt  }
0x56: {  	_ =	shalt  }
0x57: {  	_ =	shalt  }
0x58: {  	_ =	shalt  }
0x59: {  	_ =	shalt  }
0x5a: {  	_ =	shalt  }
0x5b: {  	_ =	shalt  }
0x5c: {  	_ =	shalt  }
0x5d: {  	_ =	shalt  }
0x5e: {  	_ =	shalt  }
0x5f: {  	_ =	shalt  }
0x60: {  	_ =	shalt  }
0x61: {  	_ =	shalt  }
0x62: {  	_ =	shalt  }
0x63: {  	_ =	shalt  }
0x64: {  	_ =	shalt  }
0x65: {  	_ =	shalt  }
0x66: {  	_ =	shalt  }
0x67: {  	_ =	shalt  }
0x68: {  	_ =	shalt  }
0x69: {  	_ =	shalt  }
0x6a: {  	_ =	shalt  }
0x6b: {  	_ =	shalt  }
0x6c: {  	_ =	shalt  }
0x6d: {  	_ =	shalt  }
0x6e: {  	_ =	shalt  }
0x6f: {  	_ =	shalt  }
0x70: {  	_ =	shalt  }
0x71: {  	_ =	shalt  }
0x72: {  	_ =	shalt  }
0x73: {  	_ =	shalt  }
0x74: {  	_ =	shalt  }
0x75: {  	_ =	shalt  }
0x76: {  	_ =	shalt  }
0x77: {  	_ =	shalt  }
0x78: {  	_ =	shalt  }
0x79: {  	_ =	shalt  }
0x7a: {  	_ =	shalt  }
0x7b: {  	_ =	shalt  }
0x7c: {  	_ =	shalt  }
0x7d: {  	_ =	shalt  }
0x7e: {  	_ =	shalt  }
0x7f: {  	_ =	shalt  }
0x80: {  	_ =	shalt  }
0x81: {  	_ =	shalt  }
0x82: {  	_ =	shalt  }
0x83: {  	_ =	shalt  }
0x84: {  	_ =	shalt  }
0x85: {  	_ =	shalt  }
0x86: {  	_ =	shalt  }
0x87: {  	_ =	shalt  }
.Lfunc_end0:
.L_simem_size_0:
called_computation.1_lowered:
.L_overlay_start_0:
0x88: {  	s2 =	sld [smem:$0x3FD9]  }
0x89: {  	s3 =	sld [smem:$0x3FFE];
	_ =	sdelay $0x1  }
0x8a: {  	s1 =	srdreg.scid  }
0x8b: {  	s0 =	sand.u32 $0x1, s1  }
0x8c: {  	s17 =	sshll.u32 s0, $0xA;
	s2 =	sadd.s32 s3, s2  }
0x8d: {  	s2 =	sadd.s32 s2, s17  }
0x8e: {  	[smem:$0x3FB6] =	sst s2  }
0x8f: {  	_ = 	snop  }
0x90: {  	s18 =	sld [smem:$0x3FC8];
	(tm) =	ssettm $0x1  }
0x91: {  	s19 =	sld [smem:$0x3FFB];
	_ =	sdelay $0x3  }
0x92: {  	_ =	strace s19  }
0x93: {  	s2 =	sld [smem:$0x3FFC];
	_ =	sdelay $0x3  }
0x94: {  	_ =	strace s2  }
0x95: {  	s2 =	sld [smem:$0x3FFD];
	_ =	sdelay $0x3  }
0x96: {  	_ =	strace s2  }
0x97: {  	_ =	strace $0x8FFFFFFF  }
0x98: {  	s20 =	sld [smem:$0x3FDB];
	_ =	sdelay $0x1  }
0x99: {  	s4 =	simm.s32 $_scs_section_size  }
0x9a: {  	s5 =	simm.s32 $_size__tile_overlayer_lowered;
	s6 =	simm.s32 $_tile_overlayer_lowered  }
0x9b: {  	s7 =	simm.s32 $0x1BFF;
	s21 =	sshll.u32 s6, $0x1;
	s4 =	sadd.s32 s4, s20  }
0x9c: {  	s22 =	simm.s32 $0x0;
	s5 =	sshll.u32 s5, $0x1;
	s6 =	sadd.s32 s21, s4  }
0x9d: {  	[timem:s22], [sflag:s7] =	dma.local [hbm:s6], s5  }
0x9e: {  	_ =	swait.ge [sflag:s7], s5  }
0x9f: {  	s5 =	ssub.s32 $0x0, s5;
	[sflag:s7] =	ssyncset.done $0x0  }
0xa0: {  	[sflag:s7] =	ssyncadd.s32 s5;
	_ =	sdelay $0x1  }
0xa1: {  	s23 =	simm.s32 $0x1B8B  }
0xa2: {  	_ =	swait.ge [sflag:s23], $0x1  }
0xa3: {  	[sflag:s23] =	ssyncset.done $0x0  }
0xa4: {  	[sflag:s23] =	ssyncadd.s32 $0xFFFFFFFF  }
0xa5: {  	s5 =	sld [smem:$0x0]  }
0xa6: {  	s6 =	sand.u32 $0xFFFFFFFE, s1  }
0xa7: {  	p0 =	sne.s32 s1, s6  }
0xa8: {  	s6 =	sshll.u32 @p0 s6, $0xE  }
0xa9: {  	s6 =	sadd.s32 @p0 $0x11B8D, s6;
	s7 =	sshll.u32 @p0 s5, $0x11  }
0xaa: {  	s6 =	sor.u32 @p0 s7, s6  }
0xab: {  	[sflag:s6] =	ssyncadd.remote.s32 @p0 $0x1;
	_ =	sdelay $0x1  }
0xac: {  	s6 =	simm.s32 @p0 $0x1B8D  }
0xad: {  	_ =	swait.eq @p0 [sflag:s6], $0x1  }
0xae: {  	[sflag:s6] =	ssyncadd.s32 @p0 $0xFFFFFFFF  }
0xaf: {  	s7 =	sshll.u32 @!p0 s1, $0xE  }
0xb0: {  	s7 =	sor.u32 @!p0 $0x4000, s7;
	s6 =	simm.s32 @!p0 $0x1B8D  }
0xb1: {  	s5 =	sshll.u32 @!p0 s5, $0x11;
	s7 =	sadd.s32 @!p0 $0x11B8D, s7;
	_ =	swait.eq @!p0 [sflag:s6], $0x1  }
0xb2: {  	s5 =	sor.u32 @!p0 s5, s7;
	[sflag:s6] =	ssyncadd.s32 @!p0 $0xFFFFFFFF  }
0xb3: {  	s25 =	simm.s32 $0x1B8E;
	s24 =	sld [smem:$0x3FFE];
	[sflag:s5] =	ssyncadd.remote.s32 @!p0 $0x1  }
0xb4: {  	s26 =	simm.s32 $execute0_lowered;
	[smem:$0x3FD2] =	sst s25  }
0xb5: {  	s6 =	sshll.u32 s26, $0x1;
	_ =	strace $0x80000049;
	[dreg:$0x1] =	wrdreg $0xFFFFFFFF  }
0xb6: {  	s28 =	simm.s32 $_size_execute0_lowered;
	s4 =	sadd.s32 s4, s6;
	[dreg:$0x0] =	wrdreg $0x0  }
0xb7: {  	s6 =	sshll.u32 s28, $0x1;
	[dreg:$0x2] =	wrdreg s4  }
0xb8: {  	[dreg:$0x3] =	wrdreg s6  }
0xb9: {  	[dreg:$0x4] =	wrdreg $0xC0  }
0xba: {  	_ =	task [dreg:s22], $0x5FFFF  }
0xbb: {  	[dreg:$0x1] =	wrdreg $0xFFFFFFFF  }
0xbc: {  	[dreg:$0x0] =	wrdreg $0x60  }
0xbd: {  	[dreg:$0x2] =	wrdreg s18  }
0xbe: {  	[dreg:$0x3] =	wrdreg s24  }
0xbf: {  	[dreg:$0x4] =	wrdreg $0x16A000  }
0xc0: {  	[dreg:$0x5] =	wrdreg $0xA  }
0xc1: {  	_ =	task.clear_ibuf [dreg:s22], $0x6FFFF;
	_ =	strace $0x90000049  }
0xc2: {  	s29 =	simm.s32 $0xA;
	_ =	strace $0x8000004B  }
0xc3: {  	_ =	swait.ge [sflag:s29], $0x1  }
0xc4: {  	[sflag:s29] =	ssyncadd.s32 $0xFFFFFFFF  }
0xc5: {  	_ =	strace $0x9000004B  }
0xc6: {  	_ =	sfence  }
0xc7: {  	s30 =	sld [smem:$0x0];
	_ =	sdelay $0x2  }
0xc8: {  	s31 =	sshll.u32 s1, $0xD;
	s1 =	sshrl.u32 s1, $0x2  }
0xc9: {  	s4 =	sand.u32 $0x4000, s31;
	s1 =	sadd.s32 s1, s30  }
0xca: {  	s0 =	sor.u32 s4, s0;
	s1 =	sshll.u32 s1, $0x11  }
0xcb: {  	s0 =	sor.u32 s1, s0  }
0xcc: {  	s0 =	sadd.s32 $0x8F2B, s0  }
0xcd: {  	[sflag:s0] =	ssyncadd.remote.s32 $0x1  }
0xce: {  	_ =	sfence.sel $0xFFFF  }
0xcf: {  	[dreg:$0x0] =	wrdreg $0xFFFFFFFF;
	(pc) =	sbr.abs _section_cstart, $3  }
0xd0: {  	[dreg:$0x1] =	wrdreg $0xFFFFFFFF  }
0xd1: {  	_ =	task.clear_ibuf [dreg:s22], $0x2FFFF;
	_ =	strace $0x9FFFFFFF  }
0xd2: {  	(tm) =	ssettm $0x7FFFFFFF  }
0xd3: {  	_ =	shalt  }
tec
execute0_lowered:
.L_overlay_start_1:
0x0: {  	(tag) =	ssettag $0x1  }
0x1: {  	s0 =	rddreg [dreg:$0x0]  }
0x2: {  	s6 =	rddreg [dreg:$0x1]  }
0x3: {  	s1 =	rddreg [dreg:$0x2]  }
0x4: {  	s2 =	simm.s32 $0x0;
	s9 =	srdreg.scid;
	s15 =	stileid.u32  }
0x5: {  	s28 =	simm.s32 $0x1;
	s30 =	simm.s32 $0x2;
	s29 =	simm.s32 $0x3  }
0x6: {  	s31 =	simm.s32 $0x5;
	[smem:$0x7FF] =	sst s2;
	s7 =	sadd.s32 $0x310000, s6  }
0x7: {  	s8 =	sadd.s32 $0x329000, s6;
	s3 =	sadd.s32 $0x3A6000, s6;
	s4 =	sadd.s32 $0x2C00, s6  }
0x8: {  	s5 =	sadd.s32 $0x189600, s6;
	s10 =	sadd.s32 $0x3A7000, s6;
	s6 =	sadd.s32 $0x3E7000, s6  }
0x9: {  	s9 =	sand.u32 $0x1, s9;
	s14 =	sshll.u32 s15, $0x6;
	s23 =	sshll.u32 s15, $0xF  }
0xa: {  	_ =	strace $0x8000004A;
	s11 =	ssub.s32 $0x2, s9;
	s9 =	sshll.u32 s9, $0x4  }
0xb: {  	[dreg:$0x4] =	wrdreg s14;
	s16 =	sand.u32 $0x40, s14;
	s14 =	simm.s32 $0x0  }
0xc: {  	s12 =	sshrl.u32 s11, $0x1;
	s13 =	sor.u32 s15, s9;
	s0 =	sadd.s32 s0, s16  }
0xd: {  	s11 =	ssub.s32 s11, s12;
	s9 =	sshll.u32 s13, $0x6;
	s18 =	smul.u32 $0xC80, s13  }
0xe: {  	s17 =	sshll.u32 s13, $0xD;
	s13 =	smul.u32 $0x6400, s13;
	s12 =	simm.s32 $0x280  }
0xf: {  	s9 =	sand.u32 $0x780, s9;
	s20 =	sor.u32 $0x1000, s17;
	s25 =	sadd.s32 s6, s17  }
0x10: {  	s0 =	sadd.s32 s9, s0;
	s9 =	sadd.s32 s10, s17;
	[dreg:$0xc] =	wrdreg s25  }
0x11: {  	s10 =	sadd.s32 s10, s20;
	s22 =	sadd.s32 s7, s18;
	[dreg:$0x5] =	wrdreg s0  }
0x12: {  	s24 =	sshrl.u32 s13, $0x3;
	s25 =	simm.s32 $0xEA00;
	[dreg:$0x7] =	wrdreg s10  }
0x13: {  	s13 =	simm.s32 $0x7;
	s19 =	sadd.s32 $0x800, s9;
	[dreg:$0x9] =	wrdreg s22  }
0x14: {  	s21 =	sadd.s32 $0x1800, s9;
	s0 =	sadd.s32 s8, s18;
	[dreg:$0x6] =	wrdreg s19  }
0x15: {  	s26 =	sadd.s32 $0x600, s24;
	s22 =	simm.s32 $0x9;
	[dreg:$0x8] =	wrdreg s21  }
0x16: {  	s24 =	simm.s32 $0x6A00;
	s10 =	simm.s32 $0x4;
	[dreg:$0xa] =	wrdreg s0  }
0x17: {  	s0 =	sadd.s32 s23, s1;
	s7 =	sadd.s32 s7, s26;
	s19 =	sadd.s32 s6, s20  }
0x18: {  	s20 =	smax.u32 s11, $0x1;
	s23 =	simm.s32 $0x80;
	[dreg:$0xb] =	wrdreg s0  }
0x19: {  	s6 =	simm.s32 $0x12A00;
	s11 =	simm.s32 $0x6;
	[dreg:$0xd] =	wrdreg s7  }
0x1a: {  	s0 =	sadd.s32 s8, s26;
	s26 =	simm.s32 $0xAA00;
	s8 =	simm.s32 $0x200  }
0x1b: {  	s7 =	simm.s32 $0x8;
	[dreg:$0xe] =	wrdreg s0;
	s0 =	simm.s32 $0x3400  }
.LBB2_1:
0x1c: {  	s15 =	rddreg [dreg:$0x5];
	s16 =	simm.s32 $0x6800  }
0x1d: {  	[tilespmem:s16], [sflag:$0x9] =	stream.linear.gather [hbm4b:s15+s2], $0x200, $0x38;
	[tilespmem:$0x1EA00] =	vst v63  }
0x1e: {  	_ =	swait.ge [sflag:s22], $0x200  }
0x1f: {  	[sflag:s22] =	ssyncset.done $0x0  }
0x20: {  	[sflag:s22] =	ssyncadd.s32 $0xFFFFFE00  }
0x21: {  	[tilespmem:s24], [sflag:$0x1] =	stream.indirect.gather [hbm4b:s4+s23], $0x80, s16, s23, $0xb8;
	[tilespmem:$0x1EA00] =	vst v63  }
0x22: {  	s21 =	simm.s32 $0x6880  }
0x23: {  	[tilespmem:s26], [sflag:$0x2] =	stream.indirect.gather [hbm4b:s4+s23], $0x80, s21, s23, $0xb8;
	[tilespmem:$0x1EA00] =	vst v63  }
0x24: {  	_ =	swait.ge [sflag:s28], $0x4000  }
0x25: {  	[sflag:s28] =	ssyncset.done $0x0  }
0x26: {  	[sflag:s28] =	ssyncadd.s32 $0xFFFFC000  }
0x27: {  	[hbm4b:s9+s2] =	stream.linear.scatter [tilespmem:s24], [sflag:$0x9], $0x4000, $0x38;
	[tilespmem:$0x1EA00] =	vst v63  }
0x28: {  	_ =	swait.ge [sflag:s22], $0x4000  }
0x29: {  	[sflag:s22] =	ssyncset.done $0x0  }
0x2a: {  	s16 =	simm.s32 $0x6900;
	[sflag:s22] =	ssyncadd.s32 $0xFFFFC000  }
0x2b: {  	[tilespmem:s24], [sflag:$0x1] =	stream.indirect.gather [hbm4b:s4+s23], $0x80, s16, s23, $0xb8;
	[tilespmem:$0x1EA00] =	vst v63  }
0x2c: {  	_ =	swait.ge [sflag:s30], $0x4000  }
0x2d: {  	[sflag:s30] =	ssyncset.done $0x0  }
0x2e: {  	s17 =	rddreg [dreg:$0x6];
	[sflag:s30] =	ssyncadd.s32 $0xFFFFC000  }
0x2f: {  	[hbm4b:s17+s2] =	stream.linear.scatter [tilespmem:s26], [sflag:$0x9], $0x4000, $0x38;
	[tilespmem:$0x1EA00] =	vst v63  }
0x30: {  	_ =	swait.ge [sflag:s22], $0x4000  }
0x31: {  	[sflag:s22] =	ssyncset.done $0x0  }
0x32: {  	s18 =	simm.s32 $0x6980;
	[sflag:s22] =	ssyncadd.s32 $0xFFFFC000  }
0x33: {  	[tilespmem:s26], [sflag:$0x2] =	stream.indirect.gather [hbm4b:s4+s23], $0x80, s18, s23, $0xb8;
	[tilespmem:$0x1EA00] =	vst v63  }
0x34: {  	_ =	swait.ge [sflag:s28], $0x4000  }
0x35: {  	[sflag:s28] =	ssyncset.done $0x0  }
0x36: {  	s21 =	rddreg [dreg:$0x7];
	[sflag:s28] =	ssyncadd.s32 $0xFFFFC000  }
0x37: {  	[hbm4b:s21+s2] =	stream.linear.scatter [tilespmem:s24], [sflag:$0x9], $0x4000, $0x38;
	[tilespmem:$0x1EA00] =	vst v63  }
0x38: {  	_ =	swait.ge [sflag:s22], $0x4000  }
0x39: {  	[sflag:s22] =	ssyncset.done $0x0  }
0x3a: {  	[sflag:s22] =	ssyncadd.s32 $0xFFFFC000  }
0x3b: {  	_ =	swait.ge [sflag:s30], $0x4000  }
0x3c: {  	[sflag:s30] =	ssyncset.done $0x0  }
0x3d: {  	s16 =	rddreg [dreg:$0x8];
	[sflag:s30] =	ssyncadd.s32 $0xFFFFC000  }
0x3e: {  	[hbm4b:s16+s2] =	stream.linear.scatter [tilespmem:s26], [sflag:$0x9], $0x4000, $0x38;
	[tilespmem:$0x1EA00] =	vst v63  }
0x3f: {  	_ =	swait.ge [sflag:s22], $0x4000  }
0x40: {  	[sflag:s22] =	ssyncset.done $0x0  }
0x41: {  	s17 =	rddreg [dreg:$0x9];
	[sflag:s22] =	ssyncadd.s32 $0xFFFFC000  }
0x42: {  	[tilespmem:s2], [sflag:$0x9] =	stream.linear.gather [hbm4b:s17+s2], $0x3400, $0x38;
	[tilespmem:$0x1EA00] =	vst v63  }
0x43: {  	_ =	swait.ge [sflag:s22], $0x3400  }
0x44: {  	[sflag:s22] =	ssyncset.done $0x0  }
0x45: {  	s18 =	rddreg [dreg:$0xa];
	[sflag:s22] =	ssyncadd.s32 $0xFFFFCC00  }
0x46: {  	[tilespmem:s0], [sflag:$0x9] =	stream.linear.gather [hbm4b:s18+s2], $0x3400, $0x38;
	[tilespmem:$0x1EA00] =	vst v63  }
0x47: {  	_ =	swait.ge [sflag:s22], $0x3400  }
0x48: {  	[sflag:s22] =	ssyncset.done $0x0;
	s21 =	rddreg [dreg:$0x4]  }
0x49: {  	s16 =	rddreg [dreg:$0xb];
	[sflag:s22] =	ssyncadd.s32 $0xFFFFCC00  }
0x4a: {  	[tilespmem:s24], [sflag:$0x1] =	stream.indirect.gather [hbm4b:s5+s23], $0x80, s2, s23, $0xb8;
	[tilespmem:$0x1EA00] =	vst v63  }
0x4b: {  	s21 =	sor.u32 $0x1C09, s21;
	s15 =	sshrl.u32 s16, $0x3  }
0x4c: {  	[tilespmem:s26], [sflag:$0x2] =	stream.indirect.gather [hbm4b:s5+s23], $0x80, s23, s23, $0xb8;
	[tilespmem:$0x1EA00] =	vst v63  }
0x4d: {  	[spmem:s15], [sflag:s21] =	dma.local [hbm:s3], $0x1000  }
0x4e: {  	_ =	swait.ge [sflag:s22], $0x1000  }
0x4f: {  	[sflag:s22] =	ssyncset.done $0x0  }
0x50: {  	[sflag:s22] =	ssyncadd.s32 $0xFFFFF000  }
0x51: {  	_ =	swait.ge [sflag:s28], $0x4000  }
0x52: {  	[sflag:s28] =	ssyncset.done $0x0  }
0x53: {  	[sflag:s28] =	ssyncadd.s32 $0xFFFFC000  }
0x54: {  	[spmem:s1] =	stream.indirect.scatter.add.f32 [tilespmem:s24], [sflag:$0x5], $0x80, s0, s23, $0xb8;
	[tilespmem:$0x1EA00] =	vst v63  }
0x55: {  	s17 =	simm.s32 $0x100  }
0x56: {  	[tilespmem:s25], [sflag:$0x3] =	stream.indirect.gather [hbm4b:s5+s23], $0x80, s17, s23, $0xb8;
	[tilespmem:$0x1EA00] =	vst v63  }
0x57: {  	_ =	swait.ge [sflag:s30], $0x4000  }
0x58: {  	[sflag:s30] =	ssyncset.done $0x0  }
0x59: {  	s18 =	simm.s32 $0x3480;
	[sflag:s30] =	ssyncadd.s32 $0xFFFFC000  }
0x5a: {  	[spmem:s1] =	stream.indirect.scatter.add.f32 [tilespmem:s26], [sflag:$0x6], $0x80, s18, s23, $0xb8;
	[tilespmem:$0x1EA00] =	vst v63  }
0x5b: {  	s17 =	simm.s32 $0x180  }
0x5c: {  	[tilespmem:s6], [sflag:$0x4] =	stream.indirect.gather [hbm4b:s5+s23], $0x80, s17, s23, $0xb8;
	[tilespmem:$0x1EA00] =	vst v63  }
0x5d: {  	_ =	swait.ge [sflag:s29], $0x4000  }
0x5e: {  	[sflag:s29] =	ssyncset.done $0x0  }
0x5f: {  	s18 =	simm.s32 $0x3500;
	[sflag:s29] =	ssyncadd.s32 $0xFFFFC000  }
0x60: {  	[spmem:s1] =	stream.indirect.scatter.add.f32 [tilespmem:s25], [sflag:$0x7], $0x80, s18, s23, $0xb8;
	[tilespmem:$0x1EA00] =	vst v63  }
0x61: {  	_ =	swait.ge [sflag:s31], $0x4000  }
0x62: {  	[sflag:s31] =	ssyncset.done $0x0  }
0x63: {  	[sflag:s31] =	ssyncadd.s32 $0xFFFFC000  }
0x64: {  	[tilespmem:s24], [sflag:$0x1] =	stream.indirect.gather [hbm4b:s5+s23], $0x80, s8, s23, $0xb8;
	[tilespmem:$0x1EA00] =	vst v63  }
0x65: {  	_ =	swait.ge [sflag:s10], $0x4000  }
0x66: {  	[sflag:s10] =	ssyncset.done $0x0  }
0x67: {  	s17 =	simm.s32 $0x3580;
	[sflag:s10] =	ssyncadd.s32 $0xFFFFC000  }
0x68: {  	[spmem:s1] =	stream.indirect.scatter.add.f32 [tilespmem:s6], [sflag:$0x8], $0x80, s17, s23, $0xb8;
	[tilespmem:$0x1EA00] =	vst v63  }
0x69: {  	_ =	swait.ge [sflag:s11], $0x4000  }
0x6a: {  	[sflag:s11] =	ssyncset.done $0x0  }
0x6b: {  	[sflag:s11] =	ssyncadd.s32 $0xFFFFC000  }
0x6c: {  	[tilespmem:s26], [sflag:$0x2] =	stream.indirect.gather [hbm4b:s5+s23], $0x80, s12, s23, $0xb8;
	[tilespmem:$0x1EA00] =	vst v63  }
0x6d: {  	_ =	swait.ge [sflag:s28], $0x4000  }
0x6e: {  	[sflag:s28] =	ssyncset.done $0x0  }
0x6f: {  	s18 =	simm.s32 $0x3600;
	[sflag:s28] =	ssyncadd.s32 $0xFFFFC000  }
0x70: {  	[spmem:s1] =	stream.indirect.scatter.add.f32 [tilespmem:s24], [sflag:$0x5], $0x80, s18, s23, $0xb8;
	[tilespmem:$0x1EA00] =	vst v63  }
0x71: {  	_ =	swait.ge [sflag:s13], $0x4000  }
0x72: {  	[sflag:s13] =	ssyncset.done $0x0  }
0x73: {  	s17 =	simm.s32 $0x300;
	[sflag:s13] =	ssyncadd.s32 $0xFFFFC000  }
0x74: {  	[tilespmem:s25], [sflag:$0x3] =	stream.indirect.gather [hbm4b:s5+s23], $0x80, s17, s23, $0xb8;
	[tilespmem:$0x1EA00] =	vst v63  }
0x75: {  	_ =	swait.ge [sflag:s30], $0x4000  }
0x76: {  	[sflag:s30] =	ssyncset.done $0x0  }
0x77: {  	s18 =	simm.s32 $0x3680;
	[sflag:s30] =	ssyncadd.s32 $0xFFFFC000  }
0x78: {  	[spmem:s1] =	stream.indirect.scatter.add.f32 [tilespmem:s26], [sflag:$0x6], $0x80, s18, s23, $0xb8;
	[tilespmem:$0x1EA00] =	vst v63  }
0x79: {  	_ =	swait.ge [sflag:s7], $0x4000  }
0x7a: {  	[sflag:s7] =	ssyncset.done $0x0  }
0x7b: {  	s17 =	simm.s32 $0x380;
	[sflag:s7] =	ssyncadd.s32 $0xFFFFC000  }
0x7c: {  	[tilespmem:s6], [sflag:$0x4] =	stream.indirect.gather [hbm4b:s5+s23], $0x80, s17, s23, $0xb8;
	[tilespmem:$0x1EA00] =	vst v63  }
0x7d: {  	_ =	swait.ge [sflag:s29], $0x4000  }
0x7e: {  	[sflag:s29] =	ssyncset.done $0x0  }
0x7f: {  	s18 =	simm.s32 $0x3700;
	[sflag:s29] =	ssyncadd.s32 $0xFFFFC000  }
0x80: {  	[spmem:s1] =	stream.indirect.scatter.add.f32 [tilespmem:s25], [sflag:$0x7], $0x80, s18, s23, $0xb8;
	[tilespmem:$0x1EA00] =	vst v63  }
0x81: {  	_ =	swait.ge [sflag:s31], $0x4000  }
0x82: {  	[sflag:s31] =	ssyncset.done $0x0  }
0x83: {  	s17 =	simm.s32 $0x400;
	[sflag:s31] =	ssyncadd.s32 $0xFFFFC000  }
0x84: {  	[tilespmem:s24], [sflag:$0x1] =	stream.indirect.gather [hbm4b:s5+s23], $0x80, s17, s23, $0xb8;
	[tilespmem:$0x1EA00] =	vst v63  }
0x85: {  	_ =	swait.ge [sflag:s10], $0x4000  }
0x86: {  	[sflag:s10] =	ssyncset.done $0x0  }
0x87: {  	s18 =	simm.s32 $0x3780;
	[sflag:s10] =	ssyncadd.s32 $0xFFFFC000  }
0x88: {  	[spmem:s1] =	stream.indirect.scatter.add.f32 [tilespmem:s6], [sflag:$0x8], $0x80, s18, s23, $0xb8;
	[tilespmem:$0x1EA00] =	vst v63  }
0x89: {  	_ =	swait.ge [sflag:s11], $0x4000  }
0x8a: {  	[sflag:s11] =	ssyncset.done $0x0  }
0x8b: {  	s16 =	simm.s32 $0x800;
	s17 =	simm.s32 $0x480;
	[sflag:s11] =	ssyncadd.s32 $0xFFFFC000  }
.LBB2_2:
0x8c: {  	[tilespmem:s26], [sflag:$0x2] =	stream.indirect.gather [hbm4b:s5+s23], $0x80, s17, s23, $0xb8;
	[tilespmem:$0x1EA00] =	vst v63  }
0x8d: {  	s17 =	smov.u32 s16  }
0x8e: {  	p0 =	sne.s32 s16, $0xB000;
	s16 =	sadd.s32 $0x800, s16;
	_ =	swait.ge [sflag:s28], $0x4000  }
0x8f: {  	s17 =	sshra.s32 s17, $0x2;
	[sflag:s28] =	ssyncset.done $0x0  }
0x90: {  	s18 =	sadd.s32 $0x3600, s17;
	[sflag:s28] =	ssyncadd.s32 $0xFFFFC000  }
0x91: {  	[spmem:s1] =	stream.indirect.scatter.add.f32 [tilespmem:s24], [sflag:$0x5], $0x80, s18, s23, $0xb8;
	[tilespmem:$0x1EA00] =	vst v63  }
0x92: {  	_ =	swait.ge [sflag:s13], $0x4000  }
0x93: {  	[sflag:s13] =	ssyncset.done $0x0  }
0x94: {  	s18 =	sadd.s32 $0x300, s17;
	[sflag:s13] =	ssyncadd.s32 $0xFFFFC000  }
0x95: {  	[tilespmem:s25], [sflag:$0x3] =	stream.indirect.gather [hbm4b:s5+s23], $0x80, s18, s23, $0xb8;
	[tilespmem:$0x1EA00] =	vst v63  }
0x96: {  	_ =	swait.ge [sflag:s30], $0x4000  }
0x97: {  	[sflag:s30] =	ssyncset.done $0x0  }
0x98: {  	s18 =	sadd.s32 $0x3680, s17;
	[sflag:s30] =	ssyncadd.s32 $0xFFFFC000  }
0x99: {  	[spmem:s1] =	stream.indirect.scatter.add.f32 [tilespmem:s26], [sflag:$0x6], $0x80, s18, s23, $0xb8;
	[tilespmem:$0x1EA00] =	vst v63  }
0x9a: {  	_ =	swait.ge [sflag:s7], $0x4000  }
0x9b: {  	[sflag:s7] =	ssyncset.done $0x0  }
0x9c: {  	s18 =	sadd.s32 $0x380, s17;
	[sflag:s7] =	ssyncadd.s32 $0xFFFFC000  }
0x9d: {  	[tilespmem:s6], [sflag:$0x4] =	stream.indirect.gather [hbm4b:s5+s23], $0x80, s18, s23, $0xb8;
	[tilespmem:$0x1EA00] =	vst v63  }
0x9e: {  	_ =	swait.ge [sflag:s29], $0x4000  }
0x9f: {  	[sflag:s29] =	ssyncset.done $0x0  }
0xa0: {  	s18 =	sadd.s32 $0x3700, s17;
	[sflag:s29] =	ssyncadd.s32 $0xFFFFC000  }
0xa1: {  	[spmem:s1] =	stream.indirect.scatter.add.f32 [tilespmem:s25], [sflag:$0x7], $0x80, s18, s23, $0xb8;
	[tilespmem:$0x1EA00] =	vst v63  }
0xa2: {  	_ =	swait.ge [sflag:s31], $0x4000  }
0xa3: {  	[sflag:s31] =	ssyncset.done $0x0  }
0xa4: {  	s18 =	sadd.s32 $0x400, s17;
	[sflag:s31] =	ssyncadd.s32 $0xFFFFC000  }
0xa5: {  	[tilespmem:s24], [sflag:$0x1] =	stream.indirect.gather [hbm4b:s5+s23], $0x80, s18, s23, $0xb8;
	[tilespmem:$0x1EA00] =	vst v63  }
0xa6: {  	_ =	swait.ge [sflag:s10], $0x4000  }
0xa7: {  	[sflag:s10] =	ssyncset.done $0x0  }
.Ltmp0:
0xa8: {  	s18 =	sadd.s32 $0x3780, s17;
	[sflag:s10] =	ssyncadd.s32 $0xFFFFC000;
	(pc) =	sbr.rel @p0 .LBB2_2-.Ltmp0, $4  }
0xa9: {  	[spmem:s1] =	stream.indirect.scatter.add.f32 [tilespmem:s6], [sflag:$0x8], $0x80, s18, s23, $0xb8;
	[tilespmem:$0x1EA00] =	vst v63  }
0xaa: {  	_ =	swait.ge [sflag:s11], $0x4000  }
0xab: {  	[sflag:s11] =	ssyncset.done $0x0  }
0xac: {  	s17 =	sadd.s32 $0x480, s17;
	[sflag:s11] =	ssyncadd.s32 $0xFFFFC000  }
0xad: {  	[tilespmem:s26], [sflag:$0x2] =	stream.indirect.gather [hbm4b:s5+s23], $0x80, s17, s23, $0xb8;
	[tilespmem:$0x1EA00] =	vst v63  }
0xae: {  	_ =	swait.ge [sflag:s28], $0x4000  }
0xaf: {  	[sflag:s28] =	ssyncset.done $0x0  }
0xb0: {  	s16 =	simm.s32 $0x6400;
	[sflag:s28] =	ssyncadd.s32 $0xFFFFC000  }
0xb1: {  	[spmem:s1] =	stream.indirect.scatter.add.f32 [tilespmem:s24], [sflag:$0x5], $0x80, s16, s23, $0xb8;
	[tilespmem:$0x1EA00] =	vst v63  }
0xb2: {  	_ =	swait.ge [sflag:s13], $0x4000  }
0xb3: {  	[sflag:s13] =	ssyncset.done $0x0  }
0xb4: {  	s18 =	simm.s32 $0x3100;
	[sflag:s13] =	ssyncadd.s32 $0xFFFFC000  }
0xb5: {  	[tilespmem:s25], [sflag:$0x3] =	stream.indirect.gather [hbm4b:s5+s23], $0x80, s18, s23, $0xb8;
	[tilespmem:$0x1EA00] =	vst v63  }
0xb6: {  	_ =	swait.ge [sflag:s30], $0x4000  }
0xb7: {  	[sflag:s30] =	ssyncset.done $0x0  }
0xb8: {  	s17 =	simm.s32 $0x6480;
	[sflag:s30] =	ssyncadd.s32 $0xFFFFC000  }
0xb9: {  	[spmem:s1] =	stream.indirect.scatter.add.f32 [tilespmem:s26], [sflag:$0x6], $0x80, s17, s23, $0xb8;
	[tilespmem:$0x1EA00] =	vst v63  }
0xba: {  	_ =	swait.ge [sflag:s7], $0x4000  }
0xbb: {  	[sflag:s7] =	ssyncset.done $0x0  }
0xbc: {  	s18 =	simm.s32 $0x3180;
	[sflag:s7] =	ssyncadd.s32 $0xFFFFC000  }
0xbd: {  	[tilespmem:s6], [sflag:$0x4] =	stream.indirect.gather [hbm4b:s5+s23], $0x80, s18, s23, $0xb8;
	[tilespmem:$0x1EA00] =	vst v63  }
0xbe: {  	_ =	swait.ge [sflag:s29], $0x4000  }
0xbf: {  	[sflag:s29] =	ssyncset.done $0x0  }
0xc0: {  	s17 =	simm.s32 $0x6500;
	[sflag:s29] =	ssyncadd.s32 $0xFFFFC000  }
0xc1: {  	[spmem:s1] =	stream.indirect.scatter.add.f32 [tilespmem:s25], [sflag:$0x7], $0x80, s17, s23, $0xb8;
	[tilespmem:$0x1EA00] =	vst v63  }
0xc2: {  	_ =	swait.ge [sflag:s31], $0x4000  }
0xc3: {  	[sflag:s31] =	ssyncset.done $0x0  }
0xc4: {  	[sflag:s31] =	ssyncadd.s32 $0xFFFFC000  }
0xc5: {  	_ =	swait.ge [sflag:s10], $0x4000  }
0xc6: {  	[sflag:s10] =	ssyncset.done $0x0  }
0xc7: {  	s18 =	simm.s32 $0x6580;
	[sflag:s10] =	ssyncadd.s32 $0xFFFFC000  }
0xc8: {  	[spmem:s1] =	stream.indirect.scatter.add.f32 [tilespmem:s6], [sflag:$0x8], $0x80, s18, s23, $0xb8;
	[tilespmem:$0x1EA00] =	vst v63  }
0xc9: {  	_ =	swait.ge [sflag:s11], $0x4000  }
0xca: {  	[sflag:s11] =	ssyncset.done $0x0  }
0xcb: {  	[sflag:s11] =	ssyncadd.s32 $0xFFFFC000  }
0xcc: {  	_ =	swait.ge [sflag:s13], $0x4000  }
0xcd: {  	[sflag:s13] =	ssyncset.done $0x0  }
0xce: {  	[sflag:s13] =	ssyncadd.s32 $0xFFFFC000  }
0xcf: {  	_ =	swait.ge [sflag:s7], $0x4000  }
0xd0: {  	[sflag:s7] =	ssyncset.done $0x0  }
0xd1: {  	s17 =	rddreg [dreg:$0xc];
	[sflag:s7] =	ssyncadd.s32 $0xFFFFC000  }
0xd2: {  	[hbm:s17], [sflag:s21] =	dma.local [spmem:s15], $0x1000  }
0xd3: {  	_ =	swait.ge [sflag:s22], $0x1000  }
0xd4: {  	[sflag:s22] =	ssyncset.done $0x0  }
0xd5: {  	s16 =	simm.s32 $0x0;
	s18 =	rddreg [dreg:$0xd];
	[sflag:s22] =	ssyncadd.s32 $0xFFFFF000  }
0xd6: {  	[tilespmem:s16], [sflag:$0x9] =	stream.linear.gather [hbm4b:s18+s16], $0x3400, $0x38;
	[tilespmem:$0x1EA00] =	vst v63  }
0xd7: {  	_ =	swait.ge [sflag:s22], $0x3400  }
0xd8: {  	[sflag:s22] =	ssyncset.done $0x0  }
0xd9: {  	s18 =	rddreg [dreg:$0xe];
	[sflag:s22] =	ssyncadd.s32 $0xFFFFCC00  }
0xda: {  	[tilespmem:s0], [sflag:$0x9] =	stream.linear.gather [hbm4b:s18+s16], $0x3400, $0x38;
	[tilespmem:$0x1EA00] =	vst v63  }
0xdb: {  	_ =	swait.ge [sflag:s22], $0x3400  }
0xdc: {  	[sflag:s22] =	ssyncset.done $0x0  }
0xdd: {  	[sflag:s22] =	ssyncadd.s32 $0xFFFFCC00  }
0xde: {  	[tilespmem:s24], [sflag:$0x1] =	stream.indirect.gather [hbm4b:s5+s23], $0x80, s8, s23, $0xb8;
	[tilespmem:$0x1EA00] =	vst v63  }
0xdf: {  	_ = 	snop  }
0xe0: {  	[tilespmem:s26], [sflag:$0x2] =	stream.indirect.gather [hbm4b:s5+s23], $0x80, s12, s23, $0xb8;
	[tilespmem:$0x1EA00] =	vst v63  }
0xe1: {  	[spmem:s15], [sflag:s21] =	dma.local [hbm:s3], $0x1000  }
0xe2: {  	_ =	swait.ge [sflag:s22], $0x1000  }
0xe3: {  	[sflag:s22] =	ssyncset.done $0x0  }
0xe4: {  	[sflag:s22] =	ssyncadd.s32 $0xFFFFF000  }
0xe5: {  	_ =	swait.ge [sflag:s28], $0x4000  }
0xe6: {  	[sflag:s28] =	ssyncset.done $0x0  }
0xe7: {  	s18 =	simm.s32 $0x3600;
	[sflag:s28] =	ssyncadd.s32 $0xFFFFC000  }
0xe8: {  	[spmem:s1] =	stream.indirect.scatter.add.f32 [tilespmem:s24], [sflag:$0x5], $0x80, s18, s23, $0xb8;
	[tilespmem:$0x1EA00] =	vst v63  }
0xe9: {  	s17 =	simm.s32 $0x300  }
0xea: {  	[tilespmem:s25], [sflag:$0x3] =	stream.indirect.gather [hbm4b:s5+s23], $0x80, s17, s23, $0xb8;
	[tilespmem:$0x1EA00] =	vst v63  }
0xeb: {  	_ =	swait.ge [sflag:s30], $0x4000  }
0xec: {  	[sflag:s30] =	ssyncset.done $0x0  }
0xed: {  	s18 =	simm.s32 $0x3680;
	[sflag:s30] =	ssyncadd.s32 $0xFFFFC000  }
0xee: {  	[spmem:s1] =	stream.indirect.scatter.add.f32 [tilespmem:s26], [sflag:$0x6], $0x80, s18, s23, $0xb8;
	[tilespmem:$0x1EA00] =	vst v63  }
0xef: {  	s17 =	simm.s32 $0x380  }
0xf0: {  	[tilespmem:s6], [sflag:$0x4] =	stream.indirect.gather [hbm4b:s5+s23], $0x80, s17, s23, $0xb8;
	[tilespmem:$0x1EA00] =	vst v63  }
0xf1: {  	_ =	swait.ge [sflag:s29], $0x4000  }
0xf2: {  	[sflag:s29] =	ssyncset.done $0x0  }
0xf3: {  	s18 =	simm.s32 $0x3700;
	[sflag:s29] =	ssyncadd.s32 $0xFFFFC000  }
0xf4: {  	[spmem:s1] =	stream.indirect.scatter.add.f32 [tilespmem:s25], [sflag:$0x7], $0x80, s18, s23, $0xb8;
	[tilespmem:$0x1EA00] =	vst v63  }
0xf5: {  	_ =	swait.ge [sflag:s31], $0x4000  }
0xf6: {  	[sflag:s31] =	ssyncset.done $0x0  }
0xf7: {  	s17 =	simm.s32 $0x400;
	[sflag:s31] =	ssyncadd.s32 $0xFFFFC000  }
0xf8: {  	[tilespmem:s24], [sflag:$0x1] =	stream.indirect.gather [hbm4b:s5+s23], $0x80, s17, s23, $0xb8;
	[tilespmem:$0x1EA00] =	vst v63  }
0xf9: {  	_ =	swait.ge [sflag:s10], $0x4000  }
0xfa: {  	[sflag:s10] =	ssyncset.done $0x0  }
0xfb: {  	s18 =	simm.s32 $0x3780;
	[sflag:s10] =	ssyncadd.s32 $0xFFFFC000  }
0xfc: {  	[spmem:s1] =	stream.indirect.scatter.add.f32 [tilespmem:s6], [sflag:$0x8], $0x80, s18, s23, $0xb8;
	[tilespmem:$0x1EA00] =	vst v63  }
0xfd: {  	_ =	swait.ge [sflag:s11], $0x4000  }
0xfe: {  	[sflag:s11] =	ssyncset.done $0x0  }
0xff: {  	s17 =	simm.s32 $0x480;
	[sflag:s11] =	ssyncadd.s32 $0xFFFFC000  }
0x100: {  	[tilespmem:s26], [sflag:$0x2] =	stream.indirect.gather [hbm4b:s5+s23], $0x80, s17, s23, $0xb8;
	[tilespmem:$0x1EA00] =	vst v63  }
0x101: {  	_ =	swait.ge [sflag:s28], $0x4000  }
0x102: {  	[sflag:s28] =	ssyncset.done $0x0  }
0x103: {  	s18 =	simm.s32 $0x3800;
	[sflag:s28] =	ssyncadd.s32 $0xFFFFC000  }
0x104: {  	[spmem:s1] =	stream.indirect.scatter.add.f32 [tilespmem:s24], [sflag:$0x5], $0x80, s18, s23, $0xb8;
	[tilespmem:$0x1EA00] =	vst v63  }
0x105: {  	_ =	swait.ge [sflag:s13], $0x4000  }
0x106: {  	[sflag:s13] =	ssyncset.done $0x0  }
0x107: {  	s17 =	simm.s32 $0x500;
	[sflag:s13] =	ssyncadd.s32 $0xFFFFC000  }
0x108: {  	[tilespmem:s25], [sflag:$0x3] =	stream.indirect.gather [hbm4b:s5+s23], $0x80, s17, s23, $0xb8;
	[tilespmem:$0x1EA00] =	vst v63  }
0x109: {  	_ =	swait.ge [sflag:s30], $0x4000  }
0x10a: {  	[sflag:s30] =	ssyncset.done $0x0  }
0x10b: {  	s18 =	simm.s32 $0x3880;
	[sflag:s30] =	ssyncadd.s32 $0xFFFFC000  }
0x10c: {  	[spmem:s1] =	stream.indirect.scatter.add.f32 [tilespmem:s26], [sflag:$0x6], $0x80, s18, s23, $0xb8;
	[tilespmem:$0x1EA00] =	vst v63  }
0x10d: {  	_ =	swait.ge [sflag:s7], $0x4000  }
0x10e: {  	[sflag:s7] =	ssyncset.done $0x0  }
0x10f: {  	s17 =	simm.s32 $0x580;
	[sflag:s7] =	ssyncadd.s32 $0xFFFFC000  }
0x110: {  	[tilespmem:s6], [sflag:$0x4] =	stream.indirect.gather [hbm4b:s5+s23], $0x80, s17, s23, $0xb8;
	[tilespmem:$0x1EA00] =	vst v63  }
0x111: {  	_ =	swait.ge [sflag:s29], $0x4000  }
0x112: {  	[sflag:s29] =	ssyncset.done $0x0  }
0x113: {  	s18 =	simm.s32 $0x3900;
	[sflag:s29] =	ssyncadd.s32 $0xFFFFC000  }
0x114: {  	[spmem:s1] =	stream.indirect.scatter.add.f32 [tilespmem:s25], [sflag:$0x7], $0x80, s18, s23, $0xb8;
	[tilespmem:$0x1EA00] =	vst v63  }
0x115: {  	_ =	swait.ge [sflag:s31], $0x4000  }
0x116: {  	[sflag:s31] =	ssyncset.done $0x0  }
0x117: {  	s17 =	simm.s32 $0x600;
	[sflag:s31] =	ssyncadd.s32 $0xFFFFC000  }
0x118: {  	[tilespmem:s24], [sflag:$0x1] =	stream.indirect.gather [hbm4b:s5+s23], $0x80, s17, s23, $0xb8;
	[tilespmem:$0x1EA00] =	vst v63  }
0x119: {  	_ =	swait.ge [sflag:s10], $0x4000  }
0x11a: {  	[sflag:s10] =	ssyncset.done $0x0  }
0x11b: {  	s18 =	simm.s32 $0x3980;
	[sflag:s10] =	ssyncadd.s32 $0xFFFFC000  }
0x11c: {  	[spmem:s1] =	stream.indirect.scatter.add.f32 [tilespmem:s6], [sflag:$0x8], $0x80, s18, s23, $0xb8;
	[tilespmem:$0x1EA00] =	vst v63  }
0x11d: {  	_ =	swait.ge [sflag:s11], $0x4000  }
0x11e: {  	[sflag:s11] =	ssyncset.done $0x0  }
0x11f: {  	s16 =	simm.s32 $0x800;
	s17 =	simm.s32 $0x680;
	[sflag:s11] =	ssyncadd.s32 $0xFFFFC000  }
.LBB2_4:
0x120: {  	[tilespmem:s26], [sflag:$0x2] =	stream.indirect.gather [hbm4b:s5+s23], $0x80, s17, s23, $0xb8;
	[tilespmem:$0x1EA00] =	vst v63  }
0x121: {  	s17 =	smov.u32 s16  }
0x122: {  	p0 =	sne.s32 s16, $0xB000;
	s16 =	sadd.s32 $0x800, s16;
	_ =	swait.ge [sflag:s28], $0x4000  }
0x123: {  	s17 =	sshra.s32 s17, $0x2;
	[sflag:s28] =	ssyncset.done $0x0  }
0x124: {  	s18 =	sadd.s32 $0x3800, s17;
	[sflag:s28] =	ssyncadd.s32 $0xFFFFC000  }
0x125: {  	[spmem:s1] =	stream.indirect.scatter.add.f32 [tilespmem:s24], [sflag:$0x5], $0x80, s18, s23, $0xb8;
	[tilespmem:$0x1EA00] =	vst v63  }
0x126: {  	_ =	swait.ge [sflag:s13], $0x4000  }
0x127: {  	[sflag:s13] =	ssyncset.done $0x0  }
0x128: {  	s18 =	sadd.s32 $0x500, s17;
	[sflag:s13] =	ssyncadd.s32 $0xFFFFC000  }
0x129: {  	[tilespmem:s25], [sflag:$0x3] =	stream.indirect.gather [hbm4b:s5+s23], $0x80, s18, s23, $0xb8;
	[tilespmem:$0x1EA00] =	vst v63  }
0x12a: {  	_ =	swait.ge [sflag:s30], $0x4000  }
0x12b: {  	[sflag:s30] =	ssyncset.done $0x0  }
0x12c: {  	s18 =	sadd.s32 $0x3880, s17;
	[sflag:s30] =	ssyncadd.s32 $0xFFFFC000  }
0x12d: {  	[spmem:s1] =	stream.indirect.scatter.add.f32 [tilespmem:s26], [sflag:$0x6], $0x80, s18, s23, $0xb8;
	[tilespmem:$0x1EA00] =	vst v63  }
0x12e: {  	_ =	swait.ge [sflag:s7], $0x4000  }
0x12f: {  	[sflag:s7] =	ssyncset.done $0x0  }
0x130: {  	s18 =	sadd.s32 $0x580, s17;
	[sflag:s7] =	ssyncadd.s32 $0xFFFFC000  }
0x131: {  	[tilespmem:s6], [sflag:$0x4] =	stream.indirect.gather [hbm4b:s5+s23], $0x80, s18, s23, $0xb8;
	[tilespmem:$0x1EA00] =	vst v63  }
0x132: {  	_ =	swait.ge [sflag:s29], $0x4000  }
0x133: {  	[sflag:s29] =	ssyncset.done $0x0  }
0x134: {  	s18 =	sadd.s32 $0x3900, s17;
	[sflag:s29] =	ssyncadd.s32 $0xFFFFC000  }
0x135: {  	[spmem:s1] =	stream.indirect.scatter.add.f32 [tilespmem:s25], [sflag:$0x7], $0x80, s18, s23, $0xb8;
	[tilespmem:$0x1EA00] =	vst v63  }
0x136: {  	_ =	swait.ge [sflag:s31], $0x4000  }
0x137: {  	[sflag:s31] =	ssyncset.done $0x0  }
0x138: {  	s18 =	sadd.s32 $0x600, s17;
	[sflag:s31] =	ssyncadd.s32 $0xFFFFC000  }
0x139: {  	[tilespmem:s24], [sflag:$0x1] =	stream.indirect.gather [hbm4b:s5+s23], $0x80, s18, s23, $0xb8;
	[tilespmem:$0x1EA00] =	vst v63  }
0x13a: {  	_ =	swait.ge [sflag:s10], $0x4000  }
0x13b: {  	[sflag:s10] =	ssyncset.done $0x0  }
.Ltmp1:
0x13c: {  	s18 =	sadd.s32 $0x3980, s17;
	[sflag:s10] =	ssyncadd.s32 $0xFFFFC000;
	(pc) =	sbr.rel @p0 .LBB2_4-.Ltmp1, $4  }
0x13d: {  	[spmem:s1] =	stream.indirect.scatter.add.f32 [tilespmem:s6], [sflag:$0x8], $0x80, s18, s23, $0xb8;
	[tilespmem:$0x1EA00] =	vst v63  }
0x13e: {  	_ =	swait.ge [sflag:s11], $0x4000  }
0x13f: {  	[sflag:s11] =	ssyncset.done $0x0  }
0x140: {  	s17 =	sadd.s32 $0x680, s17;
	[sflag:s11] =	ssyncadd.s32 $0xFFFFC000  }
0x141: {  	[tilespmem:s26], [sflag:$0x2] =	stream.indirect.gather [hbm4b:s5+s23], $0x80, s17, s23, $0xb8;
	[tilespmem:$0x1EA00] =	vst v63  }
0x142: {  	_ =	swait.ge [sflag:s28], $0x4000  }
0x143: {  	[sflag:s28] =	ssyncset.done $0x0  }
0x144: {  	s16 =	simm.s32 $0x6600;
	[sflag:s28] =	ssyncadd.s32 $0xFFFFC000  }
0x145: {  	[spmem:s1] =	stream.indirect.scatter.add.f32 [tilespmem:s24], [sflag:$0x5], $0x80, s16, s23, $0xb8;
	[tilespmem:$0x1EA00] =	vst v63  }
0x146: {  	_ =	swait.ge [sflag:s13], $0x4000  }
0x147: {  	[sflag:s13] =	ssyncset.done $0x0  }
0x148: {  	s18 =	simm.s32 $0x3300;
	[sflag:s13] =	ssyncadd.s32 $0xFFFFC000  }
0x149: {  	[tilespmem:s25], [sflag:$0x3] =	stream.indirect.gather [hbm4b:s5+s23], $0x80, s18, s23, $0xb8;
	[tilespmem:$0x1EA00] =	vst v63  }
0x14a: {  	_ =	swait.ge [sflag:s30], $0x4000  }
0x14b: {  	[sflag:s30] =	ssyncset.done $0x0  }
0x14c: {  	s17 =	simm.s32 $0x6680;
	[sflag:s30] =	ssyncadd.s32 $0xFFFFC000  }
0x14d: {  	[spmem:s1] =	stream.indirect.scatter.add.f32 [tilespmem:s26], [sflag:$0x6], $0x80, s17, s23, $0xb8;
	[tilespmem:$0x1EA00] =	vst v63  }
0x14e: {  	_ =	swait.ge [sflag:s7], $0x4000  }
0x14f: {  	[sflag:s7] =	ssyncset.done $0x0  }
0x150: {  	s18 =	simm.s32 $0x3380;
	[sflag:s7] =	ssyncadd.s32 $0xFFFFC000  }
0x151: {  	[tilespmem:s6], [sflag:$0x4] =	stream.indirect.gather [hbm4b:s5+s23], $0x80, s18, s23, $0xb8;
	[tilespmem:$0x1EA00] =	vst v63  }
0x152: {  	_ =	swait.ge [sflag:s29], $0x4000  }
0x153: {  	[sflag:s29] =	ssyncset.done $0x0  }
0x154: {  	s17 =	simm.s32 $0x6700;
	[sflag:s29] =	ssyncadd.s32 $0xFFFFC000  }
0x155: {  	[spmem:s1] =	stream.indirect.scatter.add.f32 [tilespmem:s25], [sflag:$0x7], $0x80, s17, s23, $0xb8;
	[tilespmem:$0x1EA00] =	vst v63  }
0x156: {  	_ =	swait.ge [sflag:s31], $0x4000  }
0x157: {  	[sflag:s31] =	ssyncset.done $0x0  }
0x158: {  	[sflag:s31] =	ssyncadd.s32 $0xFFFFC000  }
0x159: {  	_ =	swait.ge [sflag:s10], $0x4000  }
0x15a: {  	[sflag:s10] =	ssyncset.done $0x0  }
0x15b: {  	s18 =	simm.s32 $0x6780;
	[sflag:s10] =	ssyncadd.s32 $0xFFFFC000  }
0x15c: {  	[spmem:s1] =	stream.indirect.scatter.add.f32 [tilespmem:s6], [sflag:$0x8], $0x80, s18, s23, $0xb8;
	[tilespmem:$0x1EA00] =	vst v63  }
0x15d: {  	_ =	swait.ge [sflag:s11], $0x4000  }
0x15e: {  	[sflag:s11] =	ssyncset.done $0x0  }
0x15f: {  	[sflag:s11] =	ssyncadd.s32 $0xFFFFC000  }
0x160: {  	_ =	swait.ge [sflag:s13], $0x4000  }
0x161: {  	[sflag:s13] =	ssyncset.done $0x0  }
0x162: {  	[sflag:s13] =	ssyncadd.s32 $0xFFFFC000  }
0x163: {  	s14 =	sadd.s32 $0x1, s14;
	_ =	swait.ge [sflag:s7], $0x4000  }
0x164: {  	p0 =	sne.s32 s14, s20;
	[sflag:s7] =	ssyncset.done $0x0  }
.Ltmp2:
0x165: {  	[sflag:s7] =	ssyncadd.s32 $0xFFFFC000;
	(pc) =	sbr.rel @p0 .LBB2_1-.Ltmp2, $4  }
0x166: {  	[hbm:s19], [sflag:s21] =	dma.local [spmem:s15], $0x1000  }
0x167: {  	_ =	swait.ge [sflag:s22], $0x1000  }
0x168: {  	[sflag:s22] =	ssyncset.done $0x0  }
0x169: {  	[sflag:s22] =	ssyncadd.s32 $0xFFFFF000  }
0x16a: {  	_ =	sfence.sel $0x180000  }
0x16b: {  	[bflag:$0x0] =	sbarrier.arrive $0xFFFF  }
0x16c: {  	_ =	strace $0x9000004A  }
0x16d: {  	s0 =	stileid.u32;
	[bflag:$0x2] =	sbarrier.arrive $0xFFFF  }
0x16e: {  	p0 =	sne.s32 s0, $0x0;
	s0 =	rddreg [dreg:$0x3]  }
0x16f: {  	s0 =	sadd.s32 @!p0 $0x100000, s0  }
0x170: {  	[sflag:s0] =	ssyncadd.tile.s32 @!p0 $0x1;
	_ =	shalt  }
.Lfunc_end2:
_tile_overlayer_lowered:
.L_overlay_start_2:
0x171: {  	(tag) =	ssettag $0x2  }
0x172: {  	s0 =	rddreg [dreg:$0x0];
	s2 =	stileid.u32  }
0x173: {  	s1 =	rddreg [dreg:$0x1];
	p0 =	sne.s32 s2, $0x0  }
0x174: {  	s3 =	rddreg [dreg:$0x2];
	[bflag:$0x3] =	sbarrier.arrive $0xFFFF;
	s2 =	simm.s32 @!p0 $0x1C09  }
0x175: {  	[timem:s3], [sflag:s2] =	dma.local @!p0 [hbm:s0], s1  }
0x176: {  	s0 =	simm.s32 @!p0 $0x9  }
0x177: {  	_ =	swait.ge @!p0 [sflag:s0], s1  }
0x178: {  	s1 =	ssub.s32 @!p0 $0x0, s1;
	[sflag:s0] =	ssyncset.done @!p0 $0x0  }
0x179: {  	[sflag:s0] =	ssyncadd.s32 @!p0 s1  }
0x17a: {  	[bflag:$0x3] =	sbarrier.arrive $0xFFFF  }
0x17b: {  	_ =	shalt  }

</sc_bundles>
